<compile_context>
chip_gen: v7x
topology: tpu7x:2x2x1
jax: 0.10.2.dev20260603
libtpu: 0.0.44.dev20260713+nightly
codegen_flags: <defaults>
</compile_context>

<pallas_src>
import functools

import jax
import jax.numpy as jnp
from jax import lax
from jax.experimental import pallas as pl
from jax.experimental.pallas import tpu as pltpu
from jax.experimental.pallas import tpu_sc as plsc

_BLK = 256
_CSUM_CH = 256


def _router_body(flat_ref, wr_ref,
                 slot0_ref, slot1_ref, p0_ref, p1_ref, bexp_ref,
                 cnt_ref, excl_ref):
    N = flat_ref.shape[0]
    E = wr_ref.shape[1]
    NB = bexp_ref.shape[0]

    logits = jnp.dot(flat_ref[...], wr_ref[...],
                     preferred_element_type=jnp.float32)
    eidx = lax.broadcasted_iota(jnp.int32, (N, E), 1)
    m1 = jnp.max(logits, axis=1, keepdims=True)
    i1 = jnp.min(jnp.where(logits >= m1, eidx, E), axis=1, keepdims=True)
    masked = jnp.where(eidx == i1, jnp.float32(-1e30), logits)
    m2 = jnp.max(masked, axis=1, keepdims=True)
    i2 = jnp.min(jnp.where(masked >= m2, eidx, E), axis=1, keepdims=True)
    e2 = jnp.exp(m2 - m1)
    denom = 1.0 + e2
    ones16 = jnp.ones((1, 16), jnp.float32)
    p0_ref[...] = (1.0 / denom) * ones16
    p1_ref[...] = (e2 / denom) * ones16

    cnt_ref[...] = ((eidx == i1).astype(jnp.float32)
                    + (eidx == i2).astype(jnp.float32))
    csum_ch = min(_CSUM_CH, N)
    r_i = lax.broadcasted_iota(jnp.int32, (csum_ch, csum_ch), 0)
    c_i = lax.broadcasted_iota(jnp.int32, (csum_ch, csum_ch), 1)
    tri = (c_i < r_i).astype(jnp.float32)

    def chunk_body(i, carry):
        seg = cnt_ref[pl.ds(i * csum_ch, csum_ch), :]
        excl_ref[pl.ds(i * csum_ch, csum_ch), :] = (
            jnp.dot(tri, seg, preferred_element_type=jnp.float32) + carry)
        return carry + jnp.sum(seg, axis=0, keepdims=True)

    counts = lax.fori_loop(0, N // csum_ch, chunk_body,
                           jnp.zeros((1, E), jnp.float32))
    excl = excl_ref[...]

    blk_starts = []
    run = jnp.int32(0)
    for e in range(E):
        blk_starts.append(run)
        c_e = counts[0, e].astype(jnp.int32)
        run = run + (c_e + (_BLK - 1)) // _BLK

    erow = lax.broadcasted_iota(jnp.int32, (1, E), 1)
    pad_row = jnp.zeros((1, E), jnp.float32)
    for e in range(E):
        start_f = (blk_starts[e] * _BLK).astype(jnp.float32)
        pad_row = pad_row + jnp.where(erow == e, start_f, 0.0)
    oh0 = eidx == i1
    oh1 = eidx == i2
    slot0_ref[...] = jnp.sum(
        jnp.where(oh0, excl + pad_row, 0.0), axis=1,
        keepdims=True).astype(jnp.int32)
    slot1_ref[...] = jnp.sum(
        jnp.where(oh1, excl + pad_row, 0.0), axis=1,
        keepdims=True).astype(jnp.int32)

    b_io = lax.broadcasted_iota(jnp.int32, (NB, 1), 0)
    bexp = jnp.zeros((NB, 1), jnp.int32)
    for e in range(E):
        bexp = bexp + (b_io >= blk_starts[e]).astype(jnp.int32)
    bexp_ref[...] = bexp - 1


def _ffn1_body(bexp_ref, xs_ref, w1_ref, b1_ref, h_ref, wbf_ref):
    b = pl.program_id(0)
    changed = jnp.logical_or(
        b == 0, bexp_ref[b] != bexp_ref[jnp.maximum(b - 1, 0)])

    @pl.when(changed)
    def _():
        wbf_ref[...] = w1_ref[0].astype(jnp.bfloat16)

    x = xs_ref[...].astype(jnp.bfloat16)
    h = jnp.dot(x, wbf_ref[...],
                preferred_element_type=jnp.float32) + b1_ref[0]
    h_ref[...] = jnp.maximum(h, 0.0).astype(jnp.bfloat16)


def _ffn2_body(bexp_ref, h_ref, w2_ref, b2_ref, out_ref, wbf_ref):
    b = pl.program_id(0)
    changed = jnp.logical_or(
        b == 0, bexp_ref[b] != bexp_ref[jnp.maximum(b - 1, 0)])

    @pl.when(changed)
    def _():
        wbf_ref[...] = w2_ref[0].astype(jnp.bfloat16)

    out_ref[...] = jnp.dot(h_ref[...], wbf_ref[...],
                           preferred_element_type=jnp.float32) + b2_ref[0]


def kernel(x, Wr, W1, b1, W2, b2):
    B, T, D = x.shape
    E = Wr.shape[1]
    FF = W1.shape[2]
    N = B * T
    NP = 2 * N
    NB = (NP + E * (_BLK - 1)) // _BLK
    S = NB * _BLK

    info = plsc.get_sparse_core_info()
    NC, NS = info.num_cores, info.num_subcores
    NW = NC * NS
    CH = N // NW
    flat = x.reshape(N, D)

    slot0, slot1, p0, p1, bexp = pl.pallas_call(
        _router_body,
        out_shape=[
            jax.ShapeDtypeStruct((N, 1), jnp.int32),
            jax.ShapeDtypeStruct((N, 1), jnp.int32),
            jax.ShapeDtypeStruct((N, 16), jnp.float32),
            jax.ShapeDtypeStruct((N, 16), jnp.float32),
            jax.ShapeDtypeStruct((NB, 1), jnp.int32),
        ],
        scratch_shapes=[
            pltpu.VMEM((N, E), jnp.float32),
            pltpu.VMEM((N, E), jnp.float32),
        ],
        compiler_params=pltpu.CompilerParams(
            vmem_limit_bytes=128 * 1024 * 1024),
    )(flat, Wr)

    mesh = plsc.VectorSubcoreMesh(core_axis_name="c", subcore_axis_name="s")

    @functools.partial(
        pl.kernel, mesh=mesh,
        out_type=jax.ShapeDtypeStruct((S, D), jnp.float32),
        scratch_types=[
            pltpu.VMEM((CH,), jnp.int32),
            pltpu.VMEM((CH, D), jnp.float32),
        ],
    )
    def _dispatch(flat_h, s0_h, s1_h, xs_h, idx_v, rows_v):
        wid = lax.axis_index("s") * NC + lax.axis_index("c")
        base = wid * CH
        pltpu.sync_copy(flat_h.at[pl.ds(base, CH)], rows_v)
        pltpu.sync_copy(s0_h.at[wid], idx_v)
        pltpu.sync_copy(rows_v, xs_h.at[idx_v])
        pltpu.sync_copy(s1_h.at[wid], idx_v)
        pltpu.sync_copy(rows_v, xs_h.at[idx_v])

    xs = _dispatch(flat, slot0.reshape(NW, CH), slot1.reshape(NW, CH))

    grid1 = pltpu.PrefetchScalarGridSpec(
        num_scalar_prefetch=1,
        grid=(NB,),
        in_specs=[
            pl.BlockSpec((_BLK, D), lambda b, be: (b, 0)),
            pl.BlockSpec((1, D, FF), lambda b, be: (be[b], 0, 0)),
            pl.BlockSpec((1, 1, FF), lambda b, be: (be[b], 0, 0)),
        ],
        out_specs=pl.BlockSpec((_BLK, FF), lambda b, be: (b, 0)),
        scratch_shapes=[pltpu.VMEM((D, FF), jnp.bfloat16)],
    )
    hmid = pl.pallas_call(
        _ffn1_body,
        grid_spec=grid1,
        out_shape=jax.ShapeDtypeStruct((S, FF), jnp.bfloat16),
        compiler_params=pltpu.CompilerParams(
            dimension_semantics=("arbitrary",),
            vmem_limit_bytes=128 * 1024 * 1024),
    )(bexp.reshape(NB), xs, W1, b1.reshape(E, 1, FF))

    grid2 = pltpu.PrefetchScalarGridSpec(
        num_scalar_prefetch=1,
        grid=(NB,),
        in_specs=[
            pl.BlockSpec((_BLK, FF), lambda b, be: (b, 0)),
            pl.BlockSpec((1, FF, D), lambda b, be: (be[b], 0, 0)),
            pl.BlockSpec((1, 1, D), lambda b, be: (be[b], 0, 0)),
        ],
        out_specs=pl.BlockSpec((_BLK, D), lambda b, be: (b, 0)),
        scratch_shapes=[pltpu.VMEM((FF, D), jnp.bfloat16)],
    )
    hs = pl.pallas_call(
        _ffn2_body,
        grid_spec=grid2,
        out_shape=jax.ShapeDtypeStruct((S, D), jnp.float32),
        compiler_params=pltpu.CompilerParams(
            dimension_semantics=("arbitrary",),
            vmem_limit_bytes=128 * 1024 * 1024),
    )(bexp.reshape(NB), hmid, W2, b2.reshape(E, 1, D))

    RR = CH // 16

    @functools.partial(
        pl.kernel, mesh=mesh,
        out_type=jax.ShapeDtypeStruct((N, D), jnp.float32),
        scratch_types=[
            pltpu.VMEM((CH,), jnp.int32),
            pltpu.VMEM((CH,), jnp.int32),
            pltpu.VMEM((CH, 16), jnp.float32),
            pltpu.VMEM((CH, 16), jnp.float32),
            pltpu.VMEM((2, 16, D), jnp.float32),
            pltpu.VMEM((2, 16, D), jnp.float32),
            pltpu.SemaphoreType.DMA,
            pltpu.SemaphoreType.DMA,
        ],
    )
    def _combine(h_h, s0_h, s1_h, p0_h, p1_h, out_h,
                 idx0_v, idx1_v, p0_v, p1_v, r0_v, r1_v, gsem, ssem):
        wid = lax.axis_index("s") * NC + lax.axis_index("c")
        base = wid * CH
        pltpu.sync_copy(s0_h.at[wid], idx0_v)
        pltpu.sync_copy(s1_h.at[wid], idx1_v)
        pltpu.sync_copy(p0_h.at[pl.ds(base, CH)], p0_v)
        pltpu.sync_copy(p1_h.at[pl.ds(base, CH)], p1_v)

        def gathers(r):
            par = r % 2
            iv0 = idx0_v[pl.ds(r * 16, 16)]
            iv1 = idx1_v[pl.ds(r * 16, 16)]
            return (pltpu.async_copy(h_h.at[iv0], r0_v.at[par], gsem),
                    pltpu.async_copy(h_h.at[iv1], r1_v.at[par], gsem))

        cps = gathers(0)
        stores = []
        for r in range(RR):
            par = r % 2
            cps[0].wait()
            cps[1].wait()
            if r + 1 < RR:
                if r >= 1:
                    stores[r - 1].wait()
                cps = gathers(r + 1)

            def tok_body(t, carry):
                g0 = p0_v[r * 16 + t, :]
                g1 = p1_v[r * 16 + t, :]

                def col_body(c, _):
                    r0_v[par, t, pl.ds(c * 16, 16)] = (
                        g0 * r0_v[par, t, pl.ds(c * 16, 16)]
                        + g1 * r1_v[par, t, pl.ds(c * 16, 16)])
                    return _
                return lax.fori_loop(0, D // 16, col_body, carry,
                                     unroll=8)

            lax.fori_loop(0, 16, tok_body, 0)
            stores.append(pltpu.async_copy(
                r0_v.at[par], out_h.at[pl.ds(base + r * 16, 16)], ssem))
        for st in stores[max(0, RR - 2):]:
            st.wait()

    out = _combine(hs, slot0.reshape(NW, CH),
                   slot1.reshape(NW, CH), p0, p1)
    return out.reshape(B, T, D)

# --- scband reference (transcript-rebuilt; emitter-appended) ---
"""Pipeline reference for scband-mo-elayer-exercise-37391985279406 (READ-ONLY COPY).

The authoritative reference and input builder live on the scoring server;
editing this copy changes nothing except your own understanding.
"""

import jax, jax.numpy as jnp
import numpy as np

D_MODEL = 1024
D_FF = 4096
N_EXPERTS = 8
TOP_K = 2
BATCH = 1
SEQ = 2048


def setup_inputs(seed: int = 0) -> dict:
    key = jax.random.key(seed)
    ks = jax.random.split(key, 6)
    x = jax.random.normal(ks[0], (BATCH, SEQ, D_MODEL), dtype=jnp.float32)
    Wr = jax.random.normal(ks[1], (D_MODEL, N_EXPERTS), dtype=jnp.float32) * (1.0 / np.sqrt(D_MODEL))
    W1 = jax.random.normal(ks[2], (N_EXPERTS, D_MODEL, D_FF), dtype=jnp.float32) * (1.0 / np.sqrt(D_MODEL))
    b1 = jnp.zeros((N_EXPERTS, D_FF), dtype=jnp.float32)
    W2 = jax.random.normal(ks[3], (N_EXPERTS, D_FF, D_MODEL), dtype=jnp.float32) * (1.0 / np.sqrt(D_FF))
    b2 = jnp.zeros((N_EXPERTS, D_MODEL), dtype=jnp.float32)
    return {"x": x, "Wr": Wr, "W1": W1, "b1": b1, "W2": W2, "b2": b2}


def reference(x, Wr, W1, b1, W2, b2):
    B, T, D = x.shape
    flat = x.reshape(-1, D)  # (N, D)
    # Router: top-k experts per token, softmax over selected logits
    logits = flat @ Wr  # (N, E)
    top_vals, top_idx = jax.lax.top_k(logits, TOP_K)  # (N, K)
    weights = jax.nn.softmax(top_vals, axis=-1)  # (N, K)
    out = jnp.zeros_like(flat)
    for e in range(N_EXPERTS):
        # Expert FFN applied, then masked-combined per token (faithful to
        # loop-over-experts dispatch in the torch reference)
        h = jnp.maximum(flat @ W1[e] + b1[e], 0.0) @ W2[e] + b2[e]  # (N, D)
        gate = jnp.sum(jnp.where(top_idx == e, weights, 0.0), axis=-1)  # (N,)
        out = out + gate[:, None] * h
    return out.reshape(B, T, D)

if __name__ == "__main__":
    import jax
    _d = setup_inputs()
    print(jax.jit(kernel)(*tuple(_d.values())))

</pallas_src>

<mosaic_0001>
#map = affine_map<(d0, d1) -> (0, 0)>
module attributes {stable_mosaic.version = 14 : i64} {
  func.func @_dispatch(%arg0: i32, %arg1: i32, %arg2: memref<2048x1024xf32, #tpu.memory_space<hbm>>, %arg3: memref<32x64xi32, #tpu.memory_space<hbm>>, %arg4: memref<32x64xi32, #tpu.memory_space<hbm>>, %arg5: memref<5888x1024xf32, #tpu.memory_space<hbm>>, %arg6: memref<64xi32, #tpu.memory_space<vmem>>, %arg7: memref<64x1024xf32, #tpu.memory_space<vmem>>) attributes {dimension_semantics = [#tpu.dimension_semantics<core_parallel>, #tpu.dimension_semantics<subcore_parallel>], iteration_bounds = array<i64: 2, 16>, scalar_prefetch = 0 : i64, scratch_operands = 2 : i64, tpu.core_type = #tpu.core_type<sc_vector_subcore>, window_params = [{transform_indices = #map}, {transform_indices = #map}, {transform_indices = #map}, {transform_indices = #map}]} {
    %mul3A = arith.constant 2 : i32
    %mul3A_0 = arith.muli %arg1, %mul3A : i32
    %add3A = arith.addi %mul3A_0, %arg0 : i32
    %mul3A_1 = arith.constant 64 : i32
    %mul3A_2 = arith.muli %add3A, %mul3A_1 : i32
    "tpu.region"() ({
      %run_scoped3A = tpu.sem_alloc : memref<!tpu.dma_semaphore, #tpu.memory_space<semaphore_mem>>
      %dma_start3A = arith.constant 0 : i32
      %dma_start3A_3 = tpu.memref_slice %arg2[%mul3A_2, %dma_start3A] : memref<2048x1024xf32, #tpu.memory_space<hbm>> -> memref<64x1024xf32, #tpu.memory_space<hbm>>
      %dma_start3A_4 = arith.constant 0 : i32
      %dma_start3A_5 = tpu.memref_slice %arg2[%mul3A_2, %dma_start3A_4] : memref<2048x1024xf32, #tpu.memory_space<hbm>> -> memref<64x1024xf32, #tpu.memory_space<hbm>>
      tpu.enqueue_dma source(%dma_start3A_5 : memref<64x1024xf32, #tpu.memory_space<hbm>>) target(%arg7 : memref<64x1024xf32, #tpu.memory_space<vmem>>) target_semaphore(%run_scoped3A : memref<!tpu.dma_semaphore, #tpu.memory_space<semaphore_mem>>)
      %dma_wait3A = arith.constant 0 : i32
      %dma_wait3A_6 = tpu.memref_slice %arg2[%mul3A_2, %dma_wait3A] : memref<2048x1024xf32, #tpu.memory_space<hbm>> -> memref<64x1024xf32, #tpu.memory_space<hbm>>
      %dma_wait3A_7 = arith.constant 0 : i32
      %dma_wait3A_8 = tpu.memref_slice %arg2[%mul3A_2, %dma_wait3A_7] : memref<2048x1024xf32, #tpu.memory_space<hbm>> -> memref<64x1024xf32, #tpu.memory_space<hbm>>
      tpu.wait_dma2 semaphore(%run_scoped3A : memref<!tpu.dma_semaphore, #tpu.memory_space<semaphore_mem>>) src(%dma_wait3A_8 : memref<64x1024xf32, #tpu.memory_space<hbm>>) dst(%arg7 : memref<64x1024xf32, #tpu.memory_space<vmem>>)
      tpu.yield
    }) : () -> ()
    "tpu.region"() ({
      %run_scoped3A = tpu.sem_alloc : memref<!tpu.dma_semaphore, #tpu.memory_space<semaphore_mem>>
      %dma_start3A = arith.constant 0 : i32
      %dma_start3A_3 = tpu.memref_slice %arg3[%add3A, %dma_start3A] : memref<32x64xi32, #tpu.memory_space<hbm>> -> memref<1x64xi32, #tpu.memory_space<hbm>>
      %dma_start3A_4 = tpu.memref_squeeze %dma_start3A_3 : memref<1x64xi32, #tpu.memory_space<hbm>> -> memref<64xi32, #tpu.memory_space<hbm>>
      %dma_start3A_5 = arith.constant 0 : i32
      %dma_start3A_6 = tpu.memref_slice %arg3[%add3A, %dma_start3A_5] : memref<32x64xi32, #tpu.memory_space<hbm>> -> memref<1x64xi32, #tpu.memory_space<hbm>>
      %dma_start3A_7 = tpu.memref_squeeze %dma_start3A_6 : memref<1x64xi32, #tpu.memory_space<hbm>> -> memref<64xi32, #tpu.memory_space<hbm>>
      tpu.enqueue_dma source(%dma_start3A_7 : memref<64xi32, #tpu.memory_space<hbm>>) target(%arg6 : memref<64xi32, #tpu.memory_space<vmem>>) target_semaphore(%run_scoped3A : memref<!tpu.dma_semaphore, #tpu.memory_space<semaphore_mem>>)
      %dma_wait3A = arith.constant 0 : i32
      %dma_wait3A_8 = tpu.memref_slice %arg3[%add3A, %dma_wait3A] : memref<32x64xi32, #tpu.memory_space<hbm>> -> memref<1x64xi32, #tpu.memory_space<hbm>>
      %dma_wait3A_9 = tpu.memref_squeeze %dma_wait3A_8 : memref<1x64xi32, #tpu.memory_space<hbm>> -> memref<64xi32, #tpu.memory_space<hbm>>
      %dma_wait3A_10 = arith.constant 0 : i32
      %dma_wait3A_11 = tpu.memref_slice %arg3[%add3A, %dma_wait3A_10] : memref<32x64xi32, #tpu.memory_space<hbm>> -> memref<1x64xi32, #tpu.memory_space<hbm>>
      %dma_wait3A_12 = tpu.memref_squeeze %dma_wait3A_11 : memref<1x64xi32, #tpu.memory_space<hbm>> -> memref<64xi32, #tpu.memory_space<hbm>>
      tpu.wait_dma2 semaphore(%run_scoped3A : memref<!tpu.dma_semaphore, #tpu.memory_space<semaphore_mem>>) src(%dma_wait3A_12 : memref<64xi32, #tpu.memory_space<hbm>>) dst(%arg6 : memref<64xi32, #tpu.memory_space<vmem>>)
      tpu.yield
    }) : () -> ()
    "tpu.region"() ({
      %run_scoped3A = tpu.sem_alloc : memref<!tpu.dma_semaphore, #tpu.memory_space<semaphore_mem>>
      %dma_start3A = arith.constant 0 : i32
      %dma_start3A_3 = arith.constant 0 : i32
      %dma_start3A_4 = tpu.memref_slice %arg5[%dma_start3A, %dma_start3A_3] : memref<5888x1024xf32, #tpu.memory_space<hbm>> -> memref<5888x1024xf32, #tpu.memory_space<hbm>>
      tpu.enqueue_indirect_dma source(%arg7 : memref<64x1024xf32, #tpu.memory_space<vmem>>) target(%dma_start3A_4 : memref<5888x1024xf32, #tpu.memory_space<hbm>>) offsets(%arg6 : memref<64xi32, #tpu.memory_space<vmem>>) semaphore(%run_scoped3A : memref<!tpu.dma_semaphore, #tpu.memory_space<semaphore_mem>>)
      %dma_wait3A = arith.constant 0 : i32
      %dma_wait3A_5 = arith.constant 0 : i32
      %dma_wait3A_6 = tpu.memref_slice %arg5[%dma_wait3A, %dma_wait3A_5] : memref<5888x1024xf32, #tpu.memory_space<hbm>> -> memref<5888x1024xf32, #tpu.memory_space<hbm>>
      tpu.wait_indirect_dma semaphore(%run_scoped3A : memref<!tpu.dma_semaphore, #tpu.memory_space<semaphore_mem>>) src(%arg7 : memref<64x1024xf32, #tpu.memory_space<vmem>>) dst(%dma_wait3A_6 : memref<5888x1024xf32, #tpu.memory_space<hbm>>)
      tpu.yield
    }) : () -> ()
    "tpu.region"() ({
      %run_scoped3A = tpu.sem_alloc : memref<!tpu.dma_semaphore, #tpu.memory_space<semaphore_mem>>
      %dma_start3A = arith.constant 0 : i32
      %dma_start3A_3 = tpu.memref_slice %arg4[%add3A, %dma_start3A] : memref<32x64xi32, #tpu.memory_space<hbm>> -> memref<1x64xi32, #tpu.memory_space<hbm>>
      %dma_start3A_4 = tpu.memref_squeeze %dma_start3A_3 : memref<1x64xi32, #tpu.memory_space<hbm>> -> memref<64xi32, #tpu.memory_space<hbm>>
      %dma_start3A_5 = arith.constant 0 : i32
      %dma_start3A_6 = tpu.memref_slice %arg4[%add3A, %dma_start3A_5] : memref<32x64xi32, #tpu.memory_space<hbm>> -> memref<1x64xi32, #tpu.memory_space<hbm>>
      %dma_start3A_7 = tpu.memref_squeeze %dma_start3A_6 : memref<1x64xi32, #tpu.memory_space<hbm>> -> memref<64xi32, #tpu.memory_space<hbm>>
      tpu.enqueue_dma source(%dma_start3A_7 : memref<64xi32, #tpu.memory_space<hbm>>) target(%arg6 : memref<64xi32, #tpu.memory_space<vmem>>) target_semaphore(%run_scoped3A : memref<!tpu.dma_semaphore, #tpu.memory_space<semaphore_mem>>)
      %dma_wait3A = arith.constant 0 : i32
      %dma_wait3A_8 = tpu.memref_slice %arg4[%add3A, %dma_wait3A] : memref<32x64xi32, #tpu.memory_space<hbm>> -> memref<1x64xi32, #tpu.memory_space<hbm>>
      %dma_wait3A_9 = tpu.memref_squeeze %dma_wait3A_8 : memref<1x64xi32, #tpu.memory_space<hbm>> -> memref<64xi32, #tpu.memory_space<hbm>>
      %dma_wait3A_10 = arith.constant 0 : i32
      %dma_wait3A_11 = tpu.memref_slice %arg4[%add3A, %dma_wait3A_10] : memref<32x64xi32, #tpu.memory_space<hbm>> -> memref<1x64xi32, #tpu.memory_space<hbm>>
      %dma_wait3A_12 = tpu.memref_squeeze %dma_wait3A_11 : memref<1x64xi32, #tpu.memory_space<hbm>> -> memref<64xi32, #tpu.memory_space<hbm>>
      tpu.wait_dma2 semaphore(%run_scoped3A : memref<!tpu.dma_semaphore, #tpu.memory_space<semaphore_mem>>) src(%dma_wait3A_12 : memref<64xi32, #tpu.memory_space<hbm>>) dst(%arg6 : memref<64xi32, #tpu.memory_space<vmem>>)
      tpu.yield
    }) : () -> ()
    "tpu.region"() ({
      %run_scoped3A = tpu.sem_alloc : memref<!tpu.dma_semaphore, #tpu.memory_space<semaphore_mem>>
      %dma_start3A = arith.constant 0 : i32
      %dma_start3A_3 = arith.constant 0 : i32
      %dma_start3A_4 = tpu.memref_slice %arg5[%dma_start3A, %dma_start3A_3] : memref<5888x1024xf32, #tpu.memory_space<hbm>> -> memref<5888x1024xf32, #tpu.memory_space<hbm>>
      tpu.enqueue_indirect_dma source(%arg7 : memref<64x1024xf32, #tpu.memory_space<vmem>>) target(%dma_start3A_4 : memref<5888x1024xf32, #tpu.memory_space<hbm>>) offsets(%arg6 : memref<64xi32, #tpu.memory_space<vmem>>) semaphore(%run_scoped3A : memref<!tpu.dma_semaphore, #tpu.memory_space<semaphore_mem>>)
      %dma_wait3A = arith.constant 0 : i32
      %dma_wait3A_5 = arith.constant 0 : i32
      %dma_wait3A_6 = tpu.memref_slice %arg5[%dma_wait3A, %dma_wait3A_5] : memref<5888x1024xf32, #tpu.memory_space<hbm>> -> memref<5888x1024xf32, #tpu.memory_space<hbm>>
      tpu.wait_indirect_dma semaphore(%run_scoped3A : memref<!tpu.dma_semaphore, #tpu.memory_space<semaphore_mem>>) src(%arg7 : memref<64x1024xf32, #tpu.memory_space<vmem>>) dst(%dma_wait3A_6 : memref<5888x1024xf32, #tpu.memory_space<hbm>>)
      tpu.yield
    }) : () -> ()
    return
  }
}

#map = affine_map<(d0, d1) -> (0, 0)>
module attributes {stable_mosaic.version = 14 : i64} {
  func.func @_combine(%arg0: i32, %arg1: i32, %arg2: memref<5888x1024xf32, #tpu.memory_space<hbm>>, %arg3: memref<32x64xi32, #tpu.memory_space<hbm>>, %arg4: memref<32x64xi32, #tpu.memory_space<hbm>>, %arg5: memref<2048x16xf32, #tpu.memory_space<hbm>>, %arg6: memref<2048x16xf32, #tpu.memory_space<hbm>>, %arg7: memref<2048x1024xf32, #tpu.memory_space<hbm>>, %arg8: memref<64xi32, #tpu.memory_space<vmem>>, %arg9: memref<64xi32, #tpu.memory_space<vmem>>, %arg10: memref<64x16xf32, #tpu.memory_space<vmem>>, %arg11: memref<64x16xf32, #tpu.memory_space<vmem>>, %arg12: memref<2x16x1024xf32, #tpu.memory_space<vmem>>, %arg13: memref<2x16x1024xf32, #tpu.memory_space<vmem>>, %arg14: memref<!tpu.dma_semaphore, #tpu.memory_space<semaphore_mem>>, %arg15: memref<!tpu.dma_semaphore, #tpu.memory_space<semaphore_mem>>) attributes {dimension_semantics = [#tpu.dimension_semantics<core_parallel>, #tpu.dimension_semantics<subcore_parallel>], iteration_bounds = array<i64: 2, 16>, scalar_prefetch = 0 : i64, scratch_operands = 8 : i64, tpu.core_type = #tpu.core_type<sc_vector_subcore>, window_params = [{transform_indices = #map}, {transform_indices = #map}, {transform_indices = #map}, {transform_indices = #map}, {transform_indices = #map}, {transform_indices = #map}]} {
    %mul3A = arith.constant 2 : i32
    %mul3A_0 = arith.muli %arg1, %mul3A : i32
    %add3A = arith.addi %mul3A_0, %arg0 : i32
    %mul3A_1 = arith.constant 64 : i32
    %mul3A_2 = arith.muli %add3A, %mul3A_1 : i32
    "tpu.region"() ({
      %run_scoped3A = tpu.sem_alloc : memref<!tpu.dma_semaphore, #tpu.memory_space<semaphore_mem>>
      %dma_start3A_287 = arith.constant 0 : i32
      %dma_start3A_288 = tpu.memref_slice %arg3[%add3A, %dma_start3A_287] : memref<32x64xi32, #tpu.memory_space<hbm>> -> memref<1x64xi32, #tpu.memory_space<hbm>>
      %dma_start3A_289 = tpu.memref_squeeze %dma_start3A_288 : memref<1x64xi32, #tpu.memory_space<hbm>> -> memref<64xi32, #tpu.memory_space<hbm>>
      %dma_start3A_290 = arith.constant 0 : i32
      %dma_start3A_291 = tpu.memref_slice %arg3[%add3A, %dma_start3A_290] : memref<32x64xi32, #tpu.memory_space<hbm>> -> memref<1x64xi32, #tpu.memory_space<hbm>>
      %dma_start3A_292 = tpu.memref_squeeze %dma_start3A_291 : memref<1x64xi32, #tpu.memory_space<hbm>> -> memref<64xi32, #tpu.memory_space<hbm>>
      tpu.enqueue_dma source(%dma_start3A_292 : memref<64xi32, #tpu.memory_space<hbm>>) target(%arg8 : memref<64xi32, #tpu.memory_space<vmem>>) target_semaphore(%run_scoped3A : memref<!tpu.dma_semaphore, #tpu.memory_space<semaphore_mem>>)
      %dma_wait3A_293 = arith.constant 0 : i32
      %dma_wait3A_294 = tpu.memref_slice %arg3[%add3A, %dma_wait3A_293] : memref<32x64xi32, #tpu.memory_space<hbm>> -> memref<1x64xi32, #tpu.memory_space<hbm>>
      %dma_wait3A_295 = tpu.memref_squeeze %dma_wait3A_294 : memref<1x64xi32, #tpu.memory_space<hbm>> -> memref<64xi32, #tpu.memory_space<hbm>>
      %dma_wait3A_296 = arith.constant 0 : i32
      %dma_wait3A_297 = tpu.memref_slice %arg3[%add3A, %dma_wait3A_296] : memref<32x64xi32, #tpu.memory_space<hbm>> -> memref<1x64xi32, #tpu.memory_space<hbm>>
      %dma_wait3A_298 = tpu.memref_squeeze %dma_wait3A_297 : memref<1x64xi32, #tpu.memory_space<hbm>> -> memref<64xi32, #tpu.memory_space<hbm>>
      tpu.wait_dma2 semaphore(%run_scoped3A : memref<!tpu.dma_semaphore, #tpu.memory_space<semaphore_mem>>) src(%dma_wait3A_298 : memref<64xi32, #tpu.memory_space<hbm>>) dst(%arg8 : memref<64xi32, #tpu.memory_space<vmem>>)
      tpu.yield
    }) : () -> ()
    "tpu.region"() ({
      %run_scoped3A = tpu.sem_alloc : memref<!tpu.dma_semaphore, #tpu.memory_space<semaphore_mem>>
      %dma_start3A_287 = arith.constant 0 : i32
      %dma_start3A_288 = tpu.memref_slice %arg4[%add3A, %dma_start3A_287] : memref<32x64xi32, #tpu.memory_space<hbm>> -> memref<1x64xi32, #tpu.memory_space<hbm>>
      %dma_start3A_289 = tpu.memref_squeeze %dma_start3A_288 : memref<1x64xi32, #tpu.memory_space<hbm>> -> memref<64xi32, #tpu.memory_space<hbm>>
      %dma_start3A_290 = arith.constant 0 : i32
      %dma_start3A_291 = tpu.memref_slice %arg4[%add3A, %dma_start3A_290] : memref<32x64xi32, #tpu.memory_space<hbm>> -> memref<1x64xi32, #tpu.memory_space<hbm>>
      %dma_start3A_292 = tpu.memref_squeeze %dma_start3A_291 : memref<1x64xi32, #tpu.memory_space<hbm>> -> memref<64xi32, #tpu.memory_space<hbm>>
      tpu.enqueue_dma source(%dma_start3A_292 : memref<64xi32, #tpu.memory_space<hbm>>) target(%arg9 : memref<64xi32, #tpu.memory_space<vmem>>) target_semaphore(%run_scoped3A : memref<!tpu.dma_semaphore, #tpu.memory_space<semaphore_mem>>)
      %dma_wait3A_293 = arith.constant 0 : i32
      %dma_wait3A_294 = tpu.memref_slice %arg4[%add3A, %dma_wait3A_293] : memref<32x64xi32, #tpu.memory_space<hbm>> -> memref<1x64xi32, #tpu.memory_space<hbm>>
      %dma_wait3A_295 = tpu.memref_squeeze %dma_wait3A_294 : memref<1x64xi32, #tpu.memory_space<hbm>> -> memref<64xi32, #tpu.memory_space<hbm>>
      %dma_wait3A_296 = arith.constant 0 : i32
      %dma_wait3A_297 = tpu.memref_slice %arg4[%add3A, %dma_wait3A_296] : memref<32x64xi32, #tpu.memory_space<hbm>> -> memref<1x64xi32, #tpu.memory_space<hbm>>
      %dma_wait3A_298 = tpu.memref_squeeze %dma_wait3A_297 : memref<1x64xi32, #tpu.memory_space<hbm>> -> memref<64xi32, #tpu.memory_space<hbm>>
      tpu.wait_dma2 semaphore(%run_scoped3A : memref<!tpu.dma_semaphore, #tpu.memory_space<semaphore_mem>>) src(%dma_wait3A_298 : memref<64xi32, #tpu.memory_space<hbm>>) dst(%arg9 : memref<64xi32, #tpu.memory_space<vmem>>)
      tpu.yield
    }) : () -> ()
    "tpu.region"() ({
      %run_scoped3A = tpu.sem_alloc : memref<!tpu.dma_semaphore, #tpu.memory_space<semaphore_mem>>
      %dma_start3A_287 = arith.constant 0 : i32
      %dma_start3A_288 = tpu.memref_slice %arg5[%mul3A_2, %dma_start3A_287] : memref<2048x16xf32, #tpu.memory_space<hbm>> -> memref<64x16xf32, #tpu.memory_space<hbm>>
      %dma_start3A_289 = arith.constant 0 : i32
      %dma_start3A_290 = tpu.memref_slice %arg5[%mul3A_2, %dma_start3A_289] : memref<2048x16xf32, #tpu.memory_space<hbm>> -> memref<64x16xf32, #tpu.memory_space<hbm>>
      tpu.enqueue_dma source(%dma_start3A_290 : memref<64x16xf32, #tpu.memory_space<hbm>>) target(%arg10 : memref<64x16xf32, #tpu.memory_space<vmem>>) target_semaphore(%run_scoped3A : memref<!tpu.dma_semaphore, #tpu.memory_space<semaphore_mem>>)
      %dma_wait3A_291 = arith.constant 0 : i32
      %dma_wait3A_292 = tpu.memref_slice %arg5[%mul3A_2, %dma_wait3A_291] : memref<2048x16xf32, #tpu.memory_space<hbm>> -> memref<64x16xf32, #tpu.memory_space<hbm>>
      %dma_wait3A_293 = arith.constant 0 : i32
      %dma_wait3A_294 = tpu.memref_slice %arg5[%mul3A_2, %dma_wait3A_293] : memref<2048x16xf32, #tpu.memory_space<hbm>> -> memref<64x16xf32, #tpu.memory_space<hbm>>
      tpu.wait_dma2 semaphore(%run_scoped3A : memref<!tpu.dma_semaphore, #tpu.memory_space<semaphore_mem>>) src(%dma_wait3A_294 : memref<64x16xf32, #tpu.memory_space<hbm>>) dst(%arg10 : memref<64x16xf32, #tpu.memory_space<vmem>>)
      tpu.yield
    }) : () -> ()
    "tpu.region"() ({
      %run_scoped3A = tpu.sem_alloc : memref<!tpu.dma_semaphore, #tpu.memory_space<semaphore_mem>>
      %dma_start3A_287 = arith.constant 0 : i32
      %dma_start3A_288 = tpu.memref_slice %arg6[%mul3A_2, %dma_start3A_287] : memref<2048x16xf32, #tpu.memory_space<hbm>> -> memref<64x16xf32, #tpu.memory_space<hbm>>
      %dma_start3A_289 = arith.constant 0 : i32
      %dma_start3A_290 = tpu.memref_slice %arg6[%mul3A_2, %dma_start3A_289] : memref<2048x16xf32, #tpu.memory_space<hbm>> -> memref<64x16xf32, #tpu.memory_space<hbm>>
      tpu.enqueue_dma source(%dma_start3A_290 : memref<64x16xf32, #tpu.memory_space<hbm>>) target(%arg11 : memref<64x16xf32, #tpu.memory_space<vmem>>) target_semaphore(%run_scoped3A : memref<!tpu.dma_semaphore, #tpu.memory_space<semaphore_mem>>)
      %dma_wait3A_291 = arith.constant 0 : i32
      %dma_wait3A_292 = tpu.memref_slice %arg6[%mul3A_2, %dma_wait3A_291] : memref<2048x16xf32, #tpu.memory_space<hbm>> -> memref<64x16xf32, #tpu.memory_space<hbm>>
      %dma_wait3A_293 = arith.constant 0 : i32
      %dma_wait3A_294 = tpu.memref_slice %arg6[%mul3A_2, %dma_wait3A_293] : memref<2048x16xf32, #tpu.memory_space<hbm>> -> memref<64x16xf32, #tpu.memory_space<hbm>>
      tpu.wait_dma2 semaphore(%run_scoped3A : memref<!tpu.dma_semaphore, #tpu.memory_space<semaphore_mem>>) src(%dma_wait3A_294 : memref<64x16xf32, #tpu.memory_space<hbm>>) dst(%arg11 : memref<64x16xf32, #tpu.memory_space<vmem>>)
      tpu.yield
    }) : () -> ()
    %get3A = arith.constant 0 : index
    %get3A_3 = tpu.vector_load %arg8[%get3A] {strides = array<i32>} : memref<64xi32, #tpu.memory_space<vmem>>, vector<16xi32>,
    %get3A_4 = vector.shape_cast %get3A_3 : vector<16xi32> to vector<16xi32>
    %get3A_5 = arith.constant 0 : index
    %get3A_6 = tpu.vector_load %arg9[%get3A_5] {strides = array<i32>} : memref<64xi32, #tpu.memory_space<vmem>>, vector<16xi32>,
    %get3A_7 = vector.shape_cast %get3A_6 : vector<16xi32> to vector<16xi32>
    %dma_start3A = arith.constant 0 : i32
    %dma_start3A_8 = arith.constant 0 : i32
    %dma_start3A_9 = arith.constant 0 : i32
    %dma_start3A_10 = tpu.memref_slice %arg12[%dma_start3A, %dma_start3A_8, %dma_start3A_9] : memref<2x16x1024xf32, #tpu.memory_space<vmem>> -> memref<1x16x1024xf32, #tpu.memory_space<vmem>>
    %dma_start3A_11 = tpu.memref_squeeze %dma_start3A_10 : memref<1x16x1024xf32, #tpu.memory_space<vmem>> -> memref<16x1024xf32, #tpu.memory_space<vmem>>
    %dma_start3A_12 = arith.constant 0 : i32
    %dma_start3A_13 = arith.constant 0 : i32
    %dma_start3A_14 = tpu.memref_slice %arg2[%dma_start3A_12, %dma_start3A_13] : memref<5888x1024xf32, #tpu.memory_space<hbm>> -> memref<5888x1024xf32, #tpu.memory_space<hbm>>
    tpu.enqueue_indirect_dma source(%dma_start3A_14 : memref<5888x1024xf32, #tpu.memory_space<hbm>>) target(%dma_start3A_11 : memref<16x1024xf32, #tpu.memory_space<vmem>>) offsets(%get3A_4 : vector<16xi32>) semaphore(%arg14 : memref<!tpu.dma_semaphore, #tpu.memory_space<semaphore_mem>>)
    %dma_start3A_15 = arith.constant 0 : i32
    %dma_start3A_16 = arith.constant 0 : i32
    %dma_start3A_17 = arith.constant 0 : i32
    %dma_start3A_18 = tpu.memref_slice %arg13[%dma_start3A_15, %dma_start3A_16, %dma_start3A_17] : memref<2x16x1024xf32, #tpu.memory_space<vmem>> -> memref<1x16x1024xf32, #tpu.memory_space<vmem>>
    %dma_start3A_19 = tpu.memref_squeeze %dma_start3A_18 : memref<1x16x1024xf32, #tpu.memory_space<vmem>> -> memref<16x1024xf32, #tpu.memory_space<vmem>>
    %dma_start3A_20 = arith.constant 0 : i32
    %dma_start3A_21 = arith.constant 0 : i32
    %dma_start3A_22 = tpu.memref_slice %arg2[%dma_start3A_20, %dma_start3A_21] : memref<5888x1024xf32, #tpu.memory_space<hbm>> -> memref<5888x1024xf32, #tpu.memory_space<hbm>>
    tpu.enqueue_indirect_dma source(%dma_start3A_22 : memref<5888x1024xf32, #tpu.memory_space<hbm>>) target(%dma_start3A_19 : memref<16x1024xf32, #tpu.memory_space<vmem>>) offsets(%get3A_7 : vector<16xi32>) semaphore(%arg14 : memref<!tpu.dma_semaphore, #tpu.memory_space<semaphore_mem>>)
    %dma_wait3A = arith.constant 0 : i32
    %dma_wait3A_23 = arith.constant 0 : i32
    %dma_wait3A_24 = arith.constant 0 : i32
    %dma_wait3A_25 = tpu.memref_slice %arg12[%dma_wait3A, %dma_wait3A_23, %dma_wait3A_24] : memref<2x16x1024xf32, #tpu.memory_space<vmem>> -> memref<1x16x1024xf32, #tpu.memory_space<vmem>>
    %dma_wait3A_26 = tpu.memref_squeeze %dma_wait3A_25 : memref<1x16x1024xf32, #tpu.memory_space<vmem>> -> memref<16x1024xf32, #tpu.memory_space<vmem>>
    %dma_wait3A_27 = arith.constant 0 : i32
    %dma_wait3A_28 = arith.constant 0 : i32
    %dma_wait3A_29 = tpu.memref_slice %arg2[%dma_wait3A_27, %dma_wait3A_28] : memref<5888x1024xf32, #tpu.memory_space<hbm>> -> memref<5888x1024xf32, #tpu.memory_space<hbm>>
    tpu.wait_indirect_dma semaphore(%arg14 : memref<!tpu.dma_semaphore, #tpu.memory_space<semaphore_mem>>) src(%dma_wait3A_29 : memref<5888x1024xf32, #tpu.memory_space<hbm>>) dst(%dma_wait3A_26 : memref<16x1024xf32, #tpu.memory_space<vmem>>)
    %dma_wait3A_30 = arith.constant 0 : i32
    %dma_wait3A_31 = arith.constant 0 : i32
    %dma_wait3A_32 = arith.constant 0 : i32
    %dma_wait3A_33 = tpu.memref_slice %arg13[%dma_wait3A_30, %dma_wait3A_31, %dma_wait3A_32] : memref<2x16x1024xf32, #tpu.memory_space<vmem>> -> memref<1x16x1024xf32, #tpu.memory_space<vmem>>
    %dma_wait3A_34 = tpu.memref_squeeze %dma_wait3A_33 : memref<1x16x1024xf32, #tpu.memory_space<vmem>> -> memref<16x1024xf32, #tpu.memory_space<vmem>>
    %dma_wait3A_35 = arith.constant 0 : i32
    %dma_wait3A_36 = arith.constant 0 : i32
    %dma_wait3A_37 = tpu.memref_slice %arg2[%dma_wait3A_35, %dma_wait3A_36] : memref<5888x1024xf32, #tpu.memory_space<hbm>> -> memref<5888x1024xf32, #tpu.memory_space<hbm>>
    tpu.wait_indirect_dma semaphore(%arg14 : memref<!tpu.dma_semaphore, #tpu.memory_space<semaphore_mem>>) src(%dma_wait3A_37 : memref<5888x1024xf32, #tpu.memory_space<hbm>>) dst(%dma_wait3A_34 : memref<16x1024xf32, #tpu.memory_space<vmem>>)
    %get3A_38 = arith.constant 16 : index
    %get3A_39 = tpu.vector_load %arg8[%get3A_38] {strides = array<i32>} : memref<64xi32, #tpu.memory_space<vmem>>, vector<16xi32>,
    %get3A_40 = vector.shape_cast %get3A_39 : vector<16xi32> to vector<16xi32>
    %get3A_41 = arith.constant 16 : index
    %get3A_42 = tpu.vector_load %arg9[%get3A_41] {strides = array<i32>} : memref<64xi32, #tpu.memory_space<vmem>>, vector<16xi32>,
    %get3A_43 = vector.shape_cast %get3A_42 : vector<16xi32> to vector<16xi32>
    %dma_start3A_44 = arith.constant 1 : i32
    %dma_start3A_45 = arith.constant 0 : i32
    %dma_start3A_46 = arith.constant 0 : i32
    %dma_start3A_47 = tpu.memref_slice %arg12[%dma_start3A_44, %dma_start3A_45, %dma_start3A_46] : memref<2x16x1024xf32, #tpu.memory_space<vmem>> -> memref<1x16x1024xf32, #tpu.memory_space<vmem>>
    %dma_start3A_48 = tpu.memref_squeeze %dma_start3A_47 : memref<1x16x1024xf32, #tpu.memory_space<vmem>> -> memref<16x1024xf32, #tpu.memory_space<vmem>>
    %dma_start3A_49 = arith.constant 0 : i32
    %dma_start3A_50 = arith.constant 0 : i32
    %dma_start3A_51 = tpu.memref_slice %arg2[%dma_start3A_49, %dma_start3A_50] : memref<5888x1024xf32, #tpu.memory_space<hbm>> -> memref<5888x1024xf32, #tpu.memory_space<hbm>>
    tpu.enqueue_indirect_dma source(%dma_start3A_51 : memref<5888x1024xf32, #tpu.memory_space<hbm>>) target(%dma_start3A_48 : memref<16x1024xf32, #tpu.memory_space<vmem>>) offsets(%get3A_40 : vector<16xi32>) semaphore(%arg14 : memref<!tpu.dma_semaphore, #tpu.memory_space<semaphore_mem>>)
    %dma_start3A_52 = arith.constant 1 : i32
    %dma_start3A_53 = arith.constant 0 : i32
    %dma_start3A_54 = arith.constant 0 : i32
    %dma_start3A_55 = tpu.memref_slice %arg13[%dma_start3A_52, %dma_start3A_53, %dma_start3A_54] : memref<2x16x1024xf32, #tpu.memory_space<vmem>> -> memref<1x16x1024xf32, #tpu.memory_space<vmem>>
    %dma_start3A_56 = tpu.memref_squeeze %dma_start3A_55 : memref<1x16x1024xf32, #tpu.memory_space<vmem>> -> memref<16x1024xf32, #tpu.memory_space<vmem>>
    %dma_start3A_57 = arith.constant 0 : i32
    %dma_start3A_58 = arith.constant 0 : i32
    %dma_start3A_59 = tpu.memref_slice %arg2[%dma_start3A_57, %dma_start3A_58] : memref<5888x1024xf32, #tpu.memory_space<hbm>> -> memref<5888x1024xf32, #tpu.memory_space<hbm>>
    tpu.enqueue_indirect_dma source(%dma_start3A_59 : memref<5888x1024xf32, #tpu.memory_space<hbm>>) target(%dma_start3A_56 : memref<16x1024xf32, #tpu.memory_space<vmem>>) offsets(%get3A_43 : vector<16xi32>) semaphore(%arg14 : memref<!tpu.dma_semaphore, #tpu.memory_space<semaphore_mem>>)
    %scan3A = arith.constant 0 : i32
    %scan3A_60 = arith.constant 0 : i32
    %scan3A_61 = arith.constant 16 : i32
    %scan3A_62 = arith.addi %scan3A_60, %scan3A_61 : i32
    %scan3A_63 = arith.constant 1 : i32
    scf.for %scan3A_287 = %scan3A_60 to %scan3A_62 step %scan3A_63  : i32 {
      %add3A_288 = arith.constant 0 : i32
      %add3A_289 = arith.addi %add3A_288, %scan3A_287 : i32
      %get3A_290 = arith.index_cast %add3A_289 : i32 to index
      %get3A_291 = arith.constant 0 : index
      %get3A_292 = tpu.vector_load %arg10[%get3A_290, %get3A_291] {strides = array<i32>} : memref<64x16xf32, #tpu.memory_space<vmem>>, vector<1x16xf32>,
      %get3A_293 = vector.shape_cast %get3A_292 : vector<1x16xf32> to vector<16xf32>
      %add3A_294 = arith.constant 0 : i32
      %add3A_295 = arith.addi %add3A_294, %scan3A_287 : i32
      %get3A_296 = arith.index_cast %add3A_295 : i32 to index
      %get3A_297 = arith.constant 0 : index
      %get3A_298 = tpu.vector_load %arg11[%get3A_296, %get3A_297] {strides = array<i32>} : memref<64x16xf32, #tpu.memory_space<vmem>>, vector<1x16xf32>,
      %get3A_299 = vector.shape_cast %get3A_298 : vector<1x16xf32> to vector<16xf32>
      %scan3A_300 = arith.constant 0 : i32
      %scan3A_301 = arith.constant 64 : i32
      %scan3A_302 = arith.addi %scan3A_300, %scan3A_301 : i32
      %scan3A_303 = arith.constant 8 : i32
      scf.for %scan3A_305 = %scan3A_300 to %scan3A_302 step %scan3A_303  : i32 {
        %mul3A_306 = arith.constant 16 : i32
        %mul3A_307 = arith.muli %scan3A_305, %mul3A_306 : i32
        %get3A_308 = arith.constant 0 : i32
        %get3A_309 = arith.index_cast %get3A_308 : i32 to index
        %get3A_310 = arith.index_cast %scan3A_287 : i32 to index
        %get3A_311 = arith.index_cast %mul3A_307 : i32 to index
        %get3A_312 = tpu.vector_load %arg12[%get3A_309, %get3A_310, %get3A_311] {strides = array<i32>} : memref<2x16x1024xf32, #tpu.memory_space<vmem>>, vector<1x1x16xf32>,
        %get3A_313 = vector.shape_cast %get3A_312 : vector<1x1x16xf32> to vector<16xf32>
        %mul3A_314 = arith.mulf %get3A_293, %get3A_313 : vector<16xf32>
        %mul3A_315 = arith.constant 16 : i32
        %mul3A_316 = arith.muli %scan3A_305, %mul3A_315 : i32
        %get3A_317 = arith.constant 0 : i32
        %get3A_318 = arith.index_cast %get3A_317 : i32 to index
        %get3A_319 = arith.index_cast %scan3A_287 : i32 to index
        %get3A_320 = arith.index_cast %mul3A_316 : i32 to index
        %get3A_321 = tpu.vector_load %arg13[%get3A_318, %get3A_319, %get3A_320] {strides = array<i32>} : memref<2x16x1024xf32, #tpu.memory_space<vmem>>, vector<1x1x16xf32>,
        %get3A_322 = vector.shape_cast %get3A_321 : vector<1x1x16xf32> to vector<16xf32>
        %mul3A_323 = arith.mulf %get3A_299, %get3A_322 : vector<16xf32>
        %add3A_324 = arith.addf %mul3A_314, %mul3A_323 : vector<16xf32>
        %mul3A_325 = arith.constant 16 : i32
        %mul3A_326 = arith.muli %scan3A_305, %mul3A_325 : i32
        %swap3A = arith.constant 0 : i32
        %swap3A_327 = arith.index_cast %swap3A : i32 to index
        %swap3A_328 = arith.index_cast %scan3A_287 : i32 to index
        %swap3A_329 = arith.index_cast %mul3A_326 : i32 to index
        %swap3A_330 = tpu.vector_load %arg12[%swap3A_327, %swap3A_328, %swap3A_329] {strides = array<i32>} : memref<2x16x1024xf32, #tpu.memory_space<vmem>>, vector<1x1x16xf32>,
        %swap3A_331 = vector.shape_cast %swap3A_330 : vector<1x1x16xf32> to vector<16xf32>
        %swap3A_332 = vector.shape_cast %add3A_324 : vector<16xf32> to vector<1x1x16xf32>
        tpu.vector_store %arg12[%swap3A_327, %swap3A_328, %swap3A_329], %swap3A_332 {strides = array<i32>} : memref<2x16x1024xf32, #tpu.memory_space<vmem>>, vector<1x1x16xf32>,
        %scan3A_333 = arith.constant 1 : i32
        %scan3A_334 = arith.addi %scan3A_305, %scan3A_333 : i32
        %mul3A_335 = arith.constant 16 : i32
        %mul3A_336 = arith.muli %scan3A_334, %mul3A_335 : i32
        %get3A_337 = arith.constant 0 : i32
        %get3A_338 = arith.index_cast %get3A_337 : i32 to index
        %get3A_339 = arith.index_cast %scan3A_287 : i32 to index
        %get3A_340 = arith.index_cast %mul3A_336 : i32 to index
        %get3A_341 = tpu.vector_load %arg12[%get3A_338, %get3A_339, %get3A_340] {strides = array<i32>} : memref<2x16x1024xf32, #tpu.memory_space<vmem>>, vector<1x1x16xf32>,
        %get3A_342 = vector.shape_cast %get3A_341 : vector<1x1x16xf32> to vector<16xf32>
        %mul3A_343 = arith.mulf %get3A_293, %get3A_342 : vector<16xf32>
        %mul3A_344 = arith.constant 16 : i32
        %mul3A_345 = arith.muli %scan3A_334, %mul3A_344 : i32
        %get3A_346 = arith.constant 0 : i32
        %get3A_347 = arith.index_cast %get3A_346 : i32 to index
        %get3A_348 = arith.index_cast %scan3A_287 : i32 to index
        %get3A_349 = arith.index_cast %mul3A_345 : i32 to index
        %get3A_350 = tpu.vector_load %arg13[%get3A_347, %get3A_348, %get3A_349] {strides = array<i32>} : memref<2x16x1024xf32, #tpu.memory_space<vmem>>, vector<1x1x16xf32>,
        %get3A_351 = vector.shape_cast %get3A_350 : vector<1x1x16xf32> to vector<16xf32>
        %mul3A_352 = arith.mulf %get3A_299, %get3A_351 : vector<16xf32>
        %add3A_353 = arith.addf %mul3A_343, %mul3A_352 : vector<16xf32>
        %mul3A_354 = arith.constant 16 : i32
        %mul3A_355 = arith.muli %scan3A_334, %mul3A_354 : i32
        %swap3A_356 = arith.constant 0 : i32
        %swap3A_357 = arith.index_cast %swap3A_356 : i32 to index
        %swap3A_358 = arith.index_cast %scan3A_287 : i32 to index
        %swap3A_359 = arith.index_cast %mul3A_355 : i32 to index
        %swap3A_360 = tpu.vector_load %arg12[%swap3A_357, %swap3A_358, %swap3A_359] {strides = array<i32>} : memref<2x16x1024xf32, #tpu.memory_space<vmem>>, vector<1x1x16xf32>,
        %swap3A_361 = vector.shape_cast %swap3A_360 : vector<1x1x16xf32> to vector<16xf32>
        %swap3A_362 = vector.shape_cast %add3A_353 : vector<16xf32> to vector<1x1x16xf32>
        tpu.vector_store %arg12[%swap3A_357, %swap3A_358, %swap3A_359], %swap3A_362 {strides = array<i32>} : memref<2x16x1024xf32, #tpu.memory_space<vmem>>, vector<1x1x16xf32>,
        %scan3A_363 = arith.constant 2 : i32
        %scan3A_364 = arith.addi %scan3A_305, %scan3A_363 : i32
        %mul3A_365 = arith.constant 16 : i32
        %mul3A_366 = arith.muli %scan3A_364, %mul3A_365 : i32
        %get3A_367 = arith.constant 0 : i32
        %get3A_368 = arith.index_cast %get3A_367 : i32 to index
        %get3A_369 = arith.index_cast %scan3A_287 : i32 to index
        %get3A_370 = arith.index_cast %mul3A_366 : i32 to index
        %get3A_371 = tpu.vector_load %arg12[%get3A_368, %get3A_369, %get3A_370] {strides = array<i32>} : memref<2x16x1024xf32, #tpu.memory_space<vmem>>, vector<1x1x16xf32>,
        %get3A_372 = vector.shape_cast %get3A_371 : vector<1x1x16xf32> to vector<16xf32>
        %mul3A_373 = arith.mulf %get3A_293, %get3A_372 : vector<16xf32>
        %mul3A_374 = arith.constant 16 : i32
        %mul3A_375 = arith.muli %scan3A_364, %mul3A_374 : i32
        %get3A_376 = arith.constant 0 : i32
        %get3A_377 = arith.index_cast %get3A_376 : i32 to index
        %get3A_378 = arith.index_cast %scan3A_287 : i32 to index
        %get3A_379 = arith.index_cast %mul3A_375 : i32 to index
        %get3A_380 = tpu.vector_load %arg13[%get3A_377, %get3A_378, %get3A_379] {strides = array<i32>} : memref<2x16x1024xf32, #tpu.memory_space<vmem>>, vector<1x1x16xf32>,
        %get3A_381 = vector.shape_cast %get3A_380 : vector<1x1x16xf32> to vector<16xf32>
        %mul3A_382 = arith.mulf %get3A_299, %get3A_381 : vector<16xf32>
        %add3A_383 = arith.addf %mul3A_373, %mul3A_382 : vector<16xf32>
        %mul3A_384 = arith.constant 16 : i32
        %mul3A_385 = arith.muli %scan3A_364, %mul3A_384 : i32
        %swap3A_386 = arith.constant 0 : i32
        %swap3A_387 = arith.index_cast %swap3A_386 : i32 to index
        %swap3A_388 = arith.index_cast %scan3A_287 : i32 to index
        %swap3A_389 = arith.index_cast %mul3A_385 : i32 to index
        %swap3A_390 = tpu.vector_load %arg12[%swap3A_387, %swap3A_388, %swap3A_389] {strides = array<i32>} : memref<2x16x1024xf32, #tpu.memory_space<vmem>>, vector<1x1x16xf32>,
        %swap3A_391 = vector.shape_cast %swap3A_390 : vector<1x1x16xf32> to vector<16xf32>
        %swap3A_392 = vector.shape_cast %add3A_383 : vector<16xf32> to vector<1x1x16xf32>
        tpu.vector_store %arg12[%swap3A_387, %swap3A_388, %swap3A_389], %swap3A_392 {strides = array<i32>} : memref<2x16x1024xf32, #tpu.memory_space<vmem>>, vector<1x1x16xf32>,
        %scan3A_393 = arith.constant 3 : i32
        %scan3A_394 = arith.addi %scan3A_305, %scan3A_393 : i32
        %mul3A_395 = arith.constant 16 : i32
        %mul3A_396 = arith.muli %scan3A_394, %mul3A_395 : i32
        %get3A_397 = arith.constant 0 : i32
        %get3A_398 = arith.index_cast %get3A_397 : i32 to index
        %get3A_399 = arith.index_cast %scan3A_287 : i32 to index
        %get3A_400 = arith.index_cast %mul3A_396 : i32 to index
        %get3A_401 = tpu.vector_load %arg12[%get3A_398, %get3A_399, %get3A_400] {strides = array<i32>} : memref<2x16x1024xf32, #tpu.memory_space<vmem>>, vector<1x1x16xf32>,
        %get3A_402 = vector.shape_cast %get3A_401 : vector<1x1x16xf32> to vector<16xf32>
        %mul3A_403 = arith.mulf %get3A_293, %get3A_402 : vector<16xf32>
        %mul3A_404 = arith.constant 16 : i32
        %mul3A_405 = arith.muli %scan3A_394, %mul3A_404 : i32
        %get3A_406 = arith.constant 0 : i32
        %get3A_407 = arith.index_cast %get3A_406 : i32 to index
        %get3A_408 = arith.index_cast %scan3A_287 : i32 to index
        %get3A_409 = arith.index_cast %mul3A_405 : i32 to index
        %get3A_410 = tpu.vector_load %arg13[%get3A_407, %get3A_408, %get3A_409] {strides = array<i32>} : memref<2x16x1024xf32, #tpu.memory_space<vmem>>, vector<1x1x16xf32>,
        %get3A_411 = vector.shape_cast %get3A_410 : vector<1x1x16xf32> to vector<16xf32>
        %mul3A_412 = arith.mulf %get3A_299, %get3A_411 : vector<16xf32>
        %add3A_413 = arith.addf %mul3A_403, %mul3A_412 : vector<16xf32>
        %mul3A_414 = arith.constant 16 : i32
        %mul3A_415 = arith.muli %scan3A_394, %mul3A_414 : i32
        %swap3A_416 = arith.constant 0 : i32
        %swap3A_417 = arith.index_cast %swap3A_416 : i32 to index
        %swap3A_418 = arith.index_cast %scan3A_287 : i32 to index
        %swap3A_419 = arith.index_cast %mul3A_415 : i32 to index
        %swap3A_420 = tpu.vector_load %arg12[%swap3A_417, %swap3A_418, %swap3A_419] {strides = array<i32>} : memref<2x16x1024xf32, #tpu.memory_space<vmem>>, vector<1x1x16xf32>,
        %swap3A_421 = vector.shape_cast %swap3A_420 : vector<1x1x16xf32> to vector<16xf32>
        %swap3A_422 = vector.shape_cast %add3A_413 : vector<16xf32> to vector<1x1x16xf32>
        tpu.vector_store %arg12[%swap3A_417, %swap3A_418, %swap3A_419], %swap3A_422 {strides = array<i32>} : memref<2x16x1024xf32, #tpu.memory_space<vmem>>, vector<1x1x16xf32>,
        %scan3A_423 = arith.constant 4 : i32
        %scan3A_424 = arith.addi %scan3A_305, %scan3A_423 : i32
        %mul3A_425 = arith.constant 16 : i32
        %mul3A_426 = arith.muli %scan3A_424, %mul3A_425 : i32
        %get3A_427 = arith.constant 0 : i32
        %get3A_428 = arith.index_cast %get3A_427 : i32 to index
        %get3A_429 = arith.index_cast %scan3A_287 : i32 to index
        %get3A_430 = arith.index_cast %mul3A_426 : i32 to index
        %get3A_431 = tpu.vector_load %arg12[%get3A_428, %get3A_429, %get3A_430] {strides = array<i32>} : memref<2x16x1024xf32, #tpu.memory_space<vmem>>, vector<1x1x16xf32>,
        %get3A_432 = vector.shape_cast %get3A_431 : vector<1x1x16xf32> to vector<16xf32>
        %mul3A_433 = arith.mulf %get3A_293, %get3A_432 : vector<16xf32>
        %mul3A_434 = arith.constant 16 : i32
        %mul3A_435 = arith.muli %scan3A_424, %mul3A_434 : i32
        %get3A_436 = arith.constant 0 : i32
        %get3A_437 = arith.index_cast %get3A_436 : i32 to index
        %get3A_438 = arith.index_cast %scan3A_287 : i32 to index
        %get3A_439 = arith.index_cast %mul3A_435 : i32 to index
        %get3A_440 = tpu.vector_load %arg13[%get3A_437, %get3A_438, %get3A_439] {strides = array<i32>} : memref<2x16x1024xf32, #tpu.memory_space<vmem>>, vector<1x1x16xf32>,
        %get3A_441 = vector.shape_cast %get3A_440 : vector<1x1x16xf32> to vector<16xf32>
        %mul3A_442 = arith.mulf %get3A_299, %get3A_441 : vector<16xf32>
        %add3A_443 = arith.addf %mul3A_433, %mul3A_442 : vector<16xf32>
        %mul3A_444 = arith.constant 16 : i32
        %mul3A_445 = arith.muli %scan3A_424, %mul3A_444 : i32
        %swap3A_446 = arith.constant 0 : i32
        %swap3A_447 = arith.index_cast %swap3A_446 : i32 to index
        %swap3A_448 = arith.index_cast %scan3A_287 : i32 to index
        %swap3A_449 = arith.index_cast %mul3A_445 : i32 to index
        %swap3A_450 = tpu.vector_load %arg12[%swap3A_447, %swap3A_448, %swap3A_449] {strides = array<i32>} : memref<2x16x1024xf32, #tpu.memory_space<vmem>>, vector<1x1x16xf32>,
        %swap3A_451 = vector.shape_cast %swap3A_450 : vector<1x1x16xf32> to vector<16xf32>
        %swap3A_452 = vector.shape_cast %add3A_443 : vector<16xf32> to vector<1x1x16xf32>
        tpu.vector_store %arg12[%swap3A_447, %swap3A_448, %swap3A_449], %swap3A_452 {strides = array<i32>} : memref<2x16x1024xf32, #tpu.memory_space<vmem>>, vector<1x1x16xf32>,
        %scan3A_453 = arith.constant 5 : i32
        %scan3A_454 = arith.addi %scan3A_305, %scan3A_453 : i32
        %mul3A_455 = arith.constant 16 : i32
        %mul3A_456 = arith.muli %scan3A_454, %mul3A_455 : i32
        %get3A_457 = arith.constant 0 : i32
        %get3A_458 = arith.index_cast %get3A_457 : i32 to index
        %get3A_459 = arith.index_cast %scan3A_287 : i32 to index
        %get3A_460 = arith.index_cast %mul3A_456 : i32 to index
        %get3A_461 = tpu.vector_load %arg12[%get3A_458, %get3A_459, %get3A_460] {strides = array<i32>} : memref<2x16x1024xf32, #tpu.memory_space<vmem>>, vector<1x1x16xf32>,
        %get3A_462 = vector.shape_cast %get3A_461 : vector<1x1x16xf32> to vector<16xf32>
        %mul3A_463 = arith.mulf %get3A_293, %get3A_462 : vector<16xf32>
        %mul3A_464 = arith.constant 16 : i32
        %mul3A_465 = arith.muli %scan3A_454, %mul3A_464 : i32
        %get3A_466 = arith.constant 0 : i32
        %get3A_467 = arith.index_cast %get3A_466 : i32 to index
        %get3A_468 = arith.index_cast %scan3A_287 : i32 to index
        %get3A_469 = arith.index_cast %mul3A_465 : i32 to index
        %get3A_470 = tpu.vector_load %arg13[%get3A_467, %get3A_468, %get3A_469] {strides = array<i32>} : memref<2x16x1024xf32, #tpu.memory_space<vmem>>, vector<1x1x16xf32>,
        %get3A_471 = vector.shape_cast %get3A_470 : vector<1x1x16xf32> to vector<16xf32>
        %mul3A_472 = arith.mulf %get3A_299, %get3A_471 : vector<16xf32>
        %add3A_473 = arith.addf %mul3A_463, %mul3A_472 : vector<16xf32>
        %mul3A_474 = arith.constant 16 : i32
        %mul3A_475 = arith.muli %scan3A_454, %mul3A_474 : i32
        %swap3A_476 = arith.constant 0 : i32
        %swap3A_477 = arith.index_cast %swap3A_476 : i32 to index
        %swap3A_478 = arith.index_cast %scan3A_287 : i32 to index
        %swap3A_479 = arith.index_cast %mul3A_475 : i32 to index
        %swap3A_480 = tpu.vector_load %arg12[%swap3A_477, %swap3A_478, %swap3A_479] {strides = array<i32>} : memref<2x16x1024xf32, #tpu.memory_space<vmem>>, vector<1x1x16xf32>,
        %swap3A_481 = vector.shape_cast %swap3A_480 : vector<1x1x16xf32> to vector<16xf32>
        %swap3A_482 = vector.shape_cast %add3A_473 : vector<16xf32> to vector<1x1x16xf32>
        tpu.vector_store %arg12[%swap3A_477, %swap3A_478, %swap3A_479], %swap3A_482 {strides = array<i32>} : memref<2x16x1024xf32, #tpu.memory_space<vmem>>, vector<1x1x16xf32>,
        %scan3A_483 = arith.constant 6 : i32
        %scan3A_484 = arith.addi %scan3A_305, %scan3A_483 : i32
        %mul3A_485 = arith.constant 16 : i32
        %mul3A_486 = arith.muli %scan3A_484, %mul3A_485 : i32
        %get3A_487 = arith.constant 0 : i32
        %get3A_488 = arith.index_cast %get3A_487 : i32 to index
        %get3A_489 = arith.index_cast %scan3A_287 : i32 to index
        %get3A_490 = arith.index_cast %mul3A_486 : i32 to index
        %get3A_491 = tpu.vector_load %arg12[%get3A_488, %get3A_489, %get3A_490] {strides = array<i32>} : memref<2x16x1024xf32, #tpu.memory_space<vmem>>, vector<1x1x16xf32>,
        %get3A_492 = vector.shape_cast %get3A_491 : vector<1x1x16xf32> to vector<16xf32>
        %mul3A_493 = arith.mulf %get3A_293, %get3A_492 : vector<16xf32>
        %mul3A_494 = arith.constant 16 : i32
        %mul3A_495 = arith.muli %scan3A_484, %mul3A_494 : i32
        %get3A_496 = arith.constant 0 : i32
        %get3A_497 = arith.index_cast %get3A_496 : i32 to index
        %get3A_498 = arith.index_cast %scan3A_287 : i32 to index
        %get3A_499 = arith.index_cast %mul3A_495 : i32 to index
        %get3A_500 = tpu.vector_load %arg13[%get3A_497, %get3A_498, %get3A_499] {strides = array<i32>} : memref<2x16x1024xf32, #tpu.memory_space<vmem>>, vector<1x1x16xf32>,
        %get3A_501 = vector.shape_cast %get3A_500 : vector<1x1x16xf32> to vector<16xf32>
        %mul3A_502 = arith.mulf %get3A_299, %get3A_501 : vector<16xf32>
        %add3A_503 = arith.addf %mul3A_493, %mul3A_502 : vector<16xf32>
        %mul3A_504 = arith.constant 16 : i32
        %mul3A_505 = arith.muli %scan3A_484, %mul3A_504 : i32
        %swap3A_506 = arith.constant 0 : i32
        %swap3A_507 = arith.index_cast %swap3A_506 : i32 to index
        %swap3A_508 = arith.index_cast %scan3A_287 : i32 to index
        %swap3A_509 = arith.index_cast %mul3A_505 : i32 to index
        %swap3A_510 = tpu.vector_load %arg12[%swap3A_507, %swap3A_508, %swap3A_509] {strides = array<i32>} : memref<2x16x1024xf32, #tpu.memory_space<vmem>>, vector<1x1x16xf32>,
        %swap3A_511 = vector.shape_cast %swap3A_510 : vector<1x1x16xf32> to vector<16xf32>
        %swap3A_512 = vector.shape_cast %add3A_503 : vector<16xf32> to vector<1x1x16xf32>
        tpu.vector_store %arg12[%swap3A_507, %swap3A_508, %swap3A_509], %swap3A_512 {strides = array<i32>} : memref<2x16x1024xf32, #tpu.memory_space<vmem>>, vector<1x1x16xf32>,
        %scan3A_513 = arith.constant 7 : i32
        %scan3A_514 = arith.addi %scan3A_305, %scan3A_513 : i32
        %mul3A_515 = arith.constant 16 : i32
        %mul3A_516 = arith.muli %scan3A_514, %mul3A_515 : i32
        %get3A_517 = arith.constant 0 : i32
        %get3A_518 = arith.index_cast %get3A_517 : i32 to index
        %get3A_519 = arith.index_cast %scan3A_287 : i32 to index
        %get3A_520 = arith.index_cast %mul3A_516 : i32 to index
        %get3A_521 = tpu.vector_load %arg12[%get3A_518, %get3A_519, %get3A_520] {strides = array<i32>} : memref<2x16x1024xf32, #tpu.memory_space<vmem>>, vector<1x1x16xf32>,
        %get3A_522 = vector.shape_cast %get3A_521 : vector<1x1x16xf32> to vector<16xf32>
        %mul3A_523 = arith.mulf %get3A_293, %get3A_522 : vector<16xf32>
        %mul3A_524 = arith.constant 16 : i32
        %mul3A_525 = arith.muli %scan3A_514, %mul3A_524 : i32
        %get3A_526 = arith.constant 0 : i32
        %get3A_527 = arith.index_cast %get3A_526 : i32 to index
        %get3A_528 = arith.index_cast %scan3A_287 : i32 to index
        %get3A_529 = arith.index_cast %mul3A_525 : i32 to index
        %get3A_530 = tpu.vector_load %arg13[%get3A_527, %get3A_528, %get3A_529] {strides = array<i32>} : memref<2x16x1024xf32, #tpu.memory_space<vmem>>, vector<1x1x16xf32>,
        %get3A_531 = vector.shape_cast %get3A_530 : vector<1x1x16xf32> to vector<16xf32>
        %mul3A_532 = arith.mulf %get3A_299, %get3A_531 : vector<16xf32>
        %add3A_533 = arith.addf %mul3A_523, %mul3A_532 : vector<16xf32>
        %mul3A_534 = arith.constant 16 : i32
        %mul3A_535 = arith.muli %scan3A_514, %mul3A_534 : i32
        %swap3A_536 = arith.constant 0 : i32
        %swap3A_537 = arith.index_cast %swap3A_536 : i32 to index
        %swap3A_538 = arith.index_cast %scan3A_287 : i32 to index
        %swap3A_539 = arith.index_cast %mul3A_535 : i32 to index
        %swap3A_540 = tpu.vector_load %arg12[%swap3A_537, %swap3A_538, %swap3A_539] {strides = array<i32>} : memref<2x16x1024xf32, #tpu.memory_space<vmem>>, vector<1x1x16xf32>,
        %swap3A_541 = vector.shape_cast %swap3A_540 : vector<1x1x16xf32> to vector<16xf32>
        %swap3A_542 = vector.shape_cast %add3A_533 : vector<16xf32> to vector<1x1x16xf32>
        tpu.vector_store %arg12[%swap3A_537, %swap3A_538, %swap3A_539], %swap3A_542 {strides = array<i32>} : memref<2x16x1024xf32, #tpu.memory_space<vmem>>, vector<1x1x16xf32>,
      }
      %scan3A_304 = arith.constant 64 : i32
    }
    %scan3A_64 = arith.constant 16 : i32
    %add3A_65 = arith.constant 0 : i32
    %add3A_66 = arith.addi %mul3A_2, %add3A_65 : i32
    %dma_start3A_67 = arith.constant 0 : i32
    %dma_start3A_68 = arith.constant 0 : i32
    %dma_start3A_69 = arith.constant 0 : i32
    %dma_start3A_70 = tpu.memref_slice %arg12[%dma_start3A_67, %dma_start3A_68, %dma_start3A_69] : memref<2x16x1024xf32, #tpu.memory_space<vmem>> -> memref<1x16x1024xf32, #tpu.memory_space<vmem>>
    %dma_start3A_71 = tpu.memref_squeeze %dma_start3A_70 : memref<1x16x1024xf32, #tpu.memory_space<vmem>> -> memref<16x1024xf32, #tpu.memory_space<vmem>>
    %dma_start3A_72 = arith.constant 0 : i32
    %dma_start3A_73 = tpu.memref_slice %arg7[%add3A_66, %dma_start3A_72] : memref<2048x1024xf32, #tpu.memory_space<hbm>> -> memref<16x1024xf32, #tpu.memory_space<hbm>>
    %dma_start3A_74 = arith.constant 0 : i32
    %dma_start3A_75 = tpu.memref_slice %arg7[%add3A_66, %dma_start3A_74] : memref<2048x1024xf32, #tpu.memory_space<hbm>> -> memref<16x1024xf32, #tpu.memory_space<hbm>>
    %dma_start3A_76 = arith.constant 0 : i32
    %dma_start3A_77 = arith.constant 0 : i32
    %dma_start3A_78 = tpu.memref_slice %arg12[%dma_start3A_67, %dma_start3A_76, %dma_start3A_77] : memref<2x16x1024xf32, #tpu.memory_space<vmem>> -> memref<1x16x1024xf32, #tpu.memory_space<vmem>>
    %dma_start3A_79 = tpu.memref_squeeze %dma_start3A_78 : memref<1x16x1024xf32, #tpu.memory_space<vmem>> -> memref<16x1024xf32, #tpu.memory_space<vmem>>
    tpu.enqueue_dma source(%dma_start3A_79 : memref<16x1024xf32, #tpu.memory_space<vmem>>) target(%dma_start3A_75 : memref<16x1024xf32, #tpu.memory_space<hbm>>) target_semaphore(%arg15 : memref<!tpu.dma_semaphore, #tpu.memory_space<semaphore_mem>>)
    %dma_wait3A_80 = arith.constant 1 : i32
    %dma_wait3A_81 = arith.constant 0 : i32
    %dma_wait3A_82 = arith.constant 0 : i32
    %dma_wait3A_83 = tpu.memref_slice %arg12[%dma_wait3A_80, %dma_wait3A_81, %dma_wait3A_82] : memref<2x16x1024xf32, #tpu.memory_space<vmem>> -> memref<1x16x1024xf32, #tpu.memory_space<vmem>>
    %dma_wait3A_84 = tpu.memref_squeeze %dma_wait3A_83 : memref<1x16x1024xf32, #tpu.memory_space<vmem>> -> memref<16x1024xf32, #tpu.memory_space<vmem>>
    %dma_wait3A_85 = arith.constant 0 : i32
    %dma_wait3A_86 = arith.constant 0 : i32
    %dma_wait3A_87 = tpu.memref_slice %arg2[%dma_wait3A_85, %dma_wait3A_86] : memref<5888x1024xf32, #tpu.memory_space<hbm>> -> memref<5888x1024xf32, #tpu.memory_space<hbm>>
    tpu.wait_indirect_dma semaphore(%arg14 : memref<!tpu.dma_semaphore, #tpu.memory_space<semaphore_mem>>) src(%dma_wait3A_87 : memref<5888x1024xf32, #tpu.memory_space<hbm>>) dst(%dma_wait3A_84 : memref<16x1024xf32, #tpu.memory_space<vmem>>)
    %dma_wait3A_88 = arith.constant 1 : i32
    %dma_wait3A_89 = arith.constant 0 : i32
    %dma_wait3A_90 = arith.constant 0 : i32
    %dma_wait3A_91 = tpu.memref_slice %arg13[%dma_wait3A_88, %dma_wait3A_89, %dma_wait3A_90] : memref<2x16x1024xf32, #tpu.memory_space<vmem>> -> memref<1x16x1024xf32, #tpu.memory_space<vmem>>
    %dma_wait3A_92 = tpu.memref_squeeze %dma_wait3A_91 : memref<1x16x1024xf32, #tpu.memory_space<vmem>> -> memref<16x1024xf32, #tpu.memory_space<vmem>>
    %dma_wait3A_93 = arith.constant 0 : i32
    %dma_wait3A_94 = arith.constant 0 : i32
    %dma_wait3A_95 = tpu.memref_slice %arg2[%dma_wait3A_93, %dma_wait3A_94] : memref<5888x1024xf32, #tpu.memory_space<hbm>> -> memref<5888x1024xf32, #tpu.memory_space<hbm>>
    tpu.wait_indirect_dma semaphore(%arg14 : memref<!tpu.dma_semaphore, #tpu.memory_space<semaphore_mem>>) src(%dma_wait3A_95 : memref<5888x1024xf32, #tpu.memory_space<hbm>>) dst(%dma_wait3A_92 : memref<16x1024xf32, #tpu.memory_space<vmem>>)
    %dma_wait3A_96 = arith.constant 0 : i32
    %dma_wait3A_97 = arith.constant 0 : i32
    %dma_wait3A_98 = arith.constant 0 : i32
    %dma_wait3A_99 = tpu.memref_slice %arg12[%dma_wait3A_96, %dma_wait3A_97, %dma_wait3A_98] : memref<2x16x1024xf32, #tpu.memory_space<vmem>> -> memref<1x16x1024xf32, #tpu.memory_space<vmem>>
    %dma_wait3A_100 = tpu.memref_squeeze %dma_wait3A_99 : memref<1x16x1024xf32, #tpu.memory_space<vmem>> -> memref<16x1024xf32, #tpu.memory_space<vmem>>
    %dma_wait3A_101 = arith.constant 0 : i32
    %dma_wait3A_102 = tpu.memref_slice %arg7[%add3A_66, %dma_wait3A_101] : memref<2048x1024xf32, #tpu.memory_space<hbm>> -> memref<16x1024xf32, #tpu.memory_space<hbm>>
    %dma_wait3A_103 = arith.constant 0 : i32
    %dma_wait3A_104 = tpu.memref_slice %arg7[%add3A_66, %dma_wait3A_103] : memref<2048x1024xf32, #tpu.memory_space<hbm>> -> memref<16x1024xf32, #tpu.memory_space<hbm>>
    %dma_wait3A_105 = arith.constant 0 : i32
    %dma_wait3A_106 = arith.constant 0 : i32
    %dma_wait3A_107 = tpu.memref_slice %arg12[%dma_wait3A_96, %dma_wait3A_105, %dma_wait3A_106] : memref<2x16x1024xf32, #tpu.memory_space<vmem>> -> memref<1x16x1024xf32, #tpu.memory_space<vmem>>
    %dma_wait3A_108 = tpu.memref_squeeze %dma_wait3A_107 : memref<1x16x1024xf32, #tpu.memory_space<vmem>> -> memref<16x1024xf32, #tpu.memory_space<vmem>>
    tpu.wait_dma2 semaphore(%arg15 : memref<!tpu.dma_semaphore, #tpu.memory_space<semaphore_mem>>) src(%dma_wait3A_108 : memref<16x1024xf32, #tpu.memory_space<vmem>>) dst(%dma_wait3A_104 : memref<16x1024xf32, #tpu.memory_space<hbm>>)
    %get3A_109 = arith.constant 32 : index
    %get3A_110 = tpu.vector_load %arg8[%get3A_109] {strides = array<i32>} : memref<64xi32, #tpu.memory_space<vmem>>, vector<16xi32>,
    %get3A_111 = vector.shape_cast %get3A_110 : vector<16xi32> to vector<16xi32>
    %get3A_112 = arith.constant 32 : index
    %get3A_113 = tpu.vector_load %arg9[%get3A_112] {strides = array<i32>} : memref<64xi32, #tpu.memory_space<vmem>>, vector<16xi32>,
    %get3A_114 = vector.shape_cast %get3A_113 : vector<16xi32> to vector<16xi32>
    %dma_start3A_115 = arith.constant 0 : i32
    %dma_start3A_116 = arith.constant 0 : i32
    %dma_start3A_117 = arith.constant 0 : i32
    %dma_start3A_118 = tpu.memref_slice %arg12[%dma_start3A_115, %dma_start3A_116, %dma_start3A_117] : memref<2x16x1024xf32, #tpu.memory_space<vmem>> -> memref<1x16x1024xf32, #tpu.memory_space<vmem>>
    %dma_start3A_119 = tpu.memref_squeeze %dma_start3A_118 : memref<1x16x1024xf32, #tpu.memory_space<vmem>> -> memref<16x1024xf32, #tpu.memory_space<vmem>>
    %dma_start3A_120 = arith.constant 0 : i32
    %dma_start3A_121 = arith.constant 0 : i32
    %dma_start3A_122 = tpu.memref_slice %arg2[%dma_start3A_120, %dma_start3A_121] : memref<5888x1024xf32, #tpu.memory_space<hbm>> -> memref<5888x1024xf32, #tpu.memory_space<hbm>>
    tpu.enqueue_indirect_dma source(%dma_start3A_122 : memref<5888x1024xf32, #tpu.memory_space<hbm>>) target(%dma_start3A_119 : memref<16x1024xf32, #tpu.memory_space<vmem>>) offsets(%get3A_111 : vector<16xi32>) semaphore(%arg14 : memref<!tpu.dma_semaphore, #tpu.memory_space<semaphore_mem>>)
    %dma_start3A_123 = arith.constant 0 : i32
    %dma_start3A_124 = arith.constant 0 : i32
    %dma_start3A_125 = arith.constant 0 : i32
    %dma_start3A_126 = tpu.memref_slice %arg13[%dma_start3A_123, %dma_start3A_124, %dma_start3A_125] : memref<2x16x1024xf32, #tpu.memory_space<vmem>> -> memref<1x16x1024xf32, #tpu.memory_space<vmem>>
    %dma_start3A_127 = tpu.memref_squeeze %dma_start3A_126 : memref<1x16x1024xf32, #tpu.memory_space<vmem>> -> memref<16x1024xf32, #tpu.memory_space<vmem>>
    %dma_start3A_128 = arith.constant 0 : i32
    %dma_start3A_129 = arith.constant 0 : i32
    %dma_start3A_130 = tpu.memref_slice %arg2[%dma_start3A_128, %dma_start3A_129] : memref<5888x1024xf32, #tpu.memory_space<hbm>> -> memref<5888x1024xf32, #tpu.memory_space<hbm>>
    tpu.enqueue_indirect_dma source(%dma_start3A_130 : memref<5888x1024xf32, #tpu.memory_space<hbm>>) target(%dma_start3A_127 : memref<16x1024xf32, #tpu.memory_space<vmem>>) offsets(%get3A_114 : vector<16xi32>) semaphore(%arg14 : memref<!tpu.dma_semaphore, #tpu.memory_space<semaphore_mem>>)
    %scan3A_131 = arith.constant 0 : i32
    %scan3A_132 = arith.constant 0 : i32
    %scan3A_133 = arith.constant 16 : i32
    %scan3A_134 = arith.addi %scan3A_132, %scan3A_133 : i32
    %scan3A_135 = arith.constant 1 : i32
    scf.for %scan3A_287 = %scan3A_132 to %scan3A_134 step %scan3A_135  : i32 {
      %add3A_288 = arith.constant 16 : i32
      %add3A_289 = arith.addi %add3A_288, %scan3A_287 : i32
      %get3A_290 = arith.index_cast %add3A_289 : i32 to index
      %get3A_291 = arith.constant 0 : index
      %get3A_292 = tpu.vector_load %arg10[%get3A_290, %get3A_291] {strides = array<i32>} : memref<64x16xf32, #tpu.memory_space<vmem>>, vector<1x16xf32>,
      %get3A_293 = vector.shape_cast %get3A_292 : vector<1x16xf32> to vector<16xf32>
      %add3A_294 = arith.constant 16 : i32
      %add3A_295 = arith.addi %add3A_294, %scan3A_287 : i32
      %get3A_296 = arith.index_cast %add3A_295 : i32 to index
      %get3A_297 = arith.constant 0 : index
      %get3A_298 = tpu.vector_load %arg11[%get3A_296, %get3A_297] {strides = array<i32>} : memref<64x16xf32, #tpu.memory_space<vmem>>, vector<1x16xf32>,
      %get3A_299 = vector.shape_cast %get3A_298 : vector<1x16xf32> to vector<16xf32>
      %scan3A_300 = arith.constant 0 : i32
      %scan3A_301 = arith.constant 64 : i32
      %scan3A_302 = arith.addi %scan3A_300, %scan3A_301 : i32
      %scan3A_303 = arith.constant 8 : i32
      scf.for %scan3A_305 = %scan3A_300 to %scan3A_302 step %scan3A_303  : i32 {
        %mul3A_306 = arith.constant 16 : i32
        %mul3A_307 = arith.muli %scan3A_305, %mul3A_306 : i32
        %get3A_308 = arith.constant 1 : i32
        %get3A_309 = arith.index_cast %get3A_308 : i32 to index
        %get3A_310 = arith.index_cast %scan3A_287 : i32 to index
        %get3A_311 = arith.index_cast %mul3A_307 : i32 to index
        %get3A_312 = tpu.vector_load %arg12[%get3A_309, %get3A_310, %get3A_311] {strides = array<i32>} : memref<2x16x1024xf32, #tpu.memory_space<vmem>>, vector<1x1x16xf32>,
        %get3A_313 = vector.shape_cast %get3A_312 : vector<1x1x16xf32> to vector<16xf32>
        %mul3A_314 = arith.mulf %get3A_293, %get3A_313 : vector<16xf32>
        %mul3A_315 = arith.constant 16 : i32
        %mul3A_316 = arith.muli %scan3A_305, %mul3A_315 : i32
        %get3A_317 = arith.constant 1 : i32
        %get3A_318 = arith.index_cast %get3A_317 : i32 to index
        %get3A_319 = arith.index_cast %scan3A_287 : i32 to index
        %get3A_320 = arith.index_cast %mul3A_316 : i32 to index
        %get3A_321 = tpu.vector_load %arg13[%get3A_318, %get3A_319, %get3A_320] {strides = array<i32>} : memref<2x16x1024xf32, #tpu.memory_space<vmem>>, vector<1x1x16xf32>,
        %get3A_322 = vector.shape_cast %get3A_321 : vector<1x1x16xf32> to vector<16xf32>
        %mul3A_323 = arith.mulf %get3A_299, %get3A_322 : vector<16xf32>
        %add3A_324 = arith.addf %mul3A_314, %mul3A_323 : vector<16xf32>
        %mul3A_325 = arith.constant 16 : i32
        %mul3A_326 = arith.muli %scan3A_305, %mul3A_325 : i32
        %swap3A = arith.constant 1 : i32
        %swap3A_327 = arith.index_cast %swap3A : i32 to index
        %swap3A_328 = arith.index_cast %scan3A_287 : i32 to index
        %swap3A_329 = arith.index_cast %mul3A_326 : i32 to index
        %swap3A_330 = tpu.vector_load %arg12[%swap3A_327, %swap3A_328, %swap3A_329] {strides = array<i32>} : memref<2x16x1024xf32, #tpu.memory_space<vmem>>, vector<1x1x16xf32>,
        %swap3A_331 = vector.shape_cast %swap3A_330 : vector<1x1x16xf32> to vector<16xf32>
        %swap3A_332 = vector.shape_cast %add3A_324 : vector<16xf32> to vector<1x1x16xf32>
        tpu.vector_store %arg12[%swap3A_327, %swap3A_328, %swap3A_329], %swap3A_332 {strides = array<i32>} : memref<2x16x1024xf32, #tpu.memory_space<vmem>>, vector<1x1x16xf32>,
        %scan3A_333 = arith.constant 1 : i32
        %scan3A_334 = arith.addi %scan3A_305, %scan3A_333 : i32
        %mul3A_335 = arith.constant 16 : i32
        %mul3A_336 = arith.muli %scan3A_334, %mul3A_335 : i32
        %get3A_337 = arith.constant 1 : i32
        %get3A_338 = arith.index_cast %get3A_337 : i32 to index
        %get3A_339 = arith.index_cast %scan3A_287 : i32 to index
        %get3A_340 = arith.index_cast %mul3A_336 : i32 to index
        %get3A_341 = tpu.vector_load %arg12[%get3A_338, %get3A_339, %get3A_340] {strides = array<i32>} : memref<2x16x1024xf32, #tpu.memory_space<vmem>>, vector<1x1x16xf32>,
        %get3A_342 = vector.shape_cast %get3A_341 : vector<1x1x16xf32> to vector<16xf32>
        %mul3A_343 = arith.mulf %get3A_293, %get3A_342 : vector<16xf32>
        %mul3A_344 = arith.constant 16 : i32
        %mul3A_345 = arith.muli %scan3A_334, %mul3A_344 : i32
        %get3A_346 = arith.constant 1 : i32
        %get3A_347 = arith.index_cast %get3A_346 : i32 to index
        %get3A_348 = arith.index_cast %scan3A_287 : i32 to index
        %get3A_349 = arith.index_cast %mul3A_345 : i32 to index
        %get3A_350 = tpu.vector_load %arg13[%get3A_347, %get3A_348, %get3A_349] {strides = array<i32>} : memref<2x16x1024xf32, #tpu.memory_space<vmem>>, vector<1x1x16xf32>,
        %get3A_351 = vector.shape_cast %get3A_350 : vector<1x1x16xf32> to vector<16xf32>
        %mul3A_352 = arith.mulf %get3A_299, %get3A_351 : vector<16xf32>
        %add3A_353 = arith.addf %mul3A_343, %mul3A_352 : vector<16xf32>
        %mul3A_354 = arith.constant 16 : i32
        %mul3A_355 = arith.muli %scan3A_334, %mul3A_354 : i32
        %swap3A_356 = arith.constant 1 : i32
        %swap3A_357 = arith.index_cast %swap3A_356 : i32 to index
        %swap3A_358 = arith.index_cast %scan3A_287 : i32 to index
        %swap3A_359 = arith.index_cast %mul3A_355 : i32 to index
        %swap3A_360 = tpu.vector_load %arg12[%swap3A_357, %swap3A_358, %swap3A_359] {strides = array<i32>} : memref<2x16x1024xf32, #tpu.memory_space<vmem>>, vector<1x1x16xf32>,
        %swap3A_361 = vector.shape_cast %swap3A_360 : vector<1x1x16xf32> to vector<16xf32>
        %swap3A_362 = vector.shape_cast %add3A_353 : vector<16xf32> to vector<1x1x16xf32>
        tpu.vector_store %arg12[%swap3A_357, %swap3A_358, %swap3A_359], %swap3A_362 {strides = array<i32>} : memref<2x16x1024xf32, #tpu.memory_space<vmem>>, vector<1x1x16xf32>,
        %scan3A_363 = arith.constant 2 : i32
        %scan3A_364 = arith.addi %scan3A_305, %scan3A_363 : i32
        %mul3A_365 = arith.constant 16 : i32
        %mul3A_366 = arith.muli %scan3A_364, %mul3A_365 : i32
        %get3A_367 = arith.constant 1 : i32
        %get3A_368 = arith.index_cast %get3A_367 : i32 to index
        %get3A_369 = arith.index_cast %scan3A_287 : i32 to index
        %get3A_370 = arith.index_cast %mul3A_366 : i32 to index
        %get3A_371 = tpu.vector_load %arg12[%get3A_368, %get3A_369, %get3A_370] {strides = array<i32>} : memref<2x16x1024xf32, #tpu.memory_space<vmem>>, vector<1x1x16xf32>,
        %get3A_372 = vector.shape_cast %get3A_371 : vector<1x1x16xf32> to vector<16xf32>
        %mul3A_373 = arith.mulf %get3A_293, %get3A_372 : vector<16xf32>
        %mul3A_374 = arith.constant 16 : i32
        %mul3A_375 = arith.muli %scan3A_364, %mul3A_374 : i32
        %get3A_376 = arith.constant 1 : i32
        %get3A_377 = arith.index_cast %get3A_376 : i32 to index
        %get3A_378 = arith.index_cast %scan3A_287 : i32 to index
        %get3A_379 = arith.index_cast %mul3A_375 : i32 to index
        %get3A_380 = tpu.vector_load %arg13[%get3A_377, %get3A_378, %get3A_379] {strides = array<i32>} : memref<2x16x1024xf32, #tpu.memory_space<vmem>>, vector<1x1x16xf32>,
        %get3A_381 = vector.shape_cast %get3A_380 : vector<1x1x16xf32> to vector<16xf32>
        %mul3A_382 = arith.mulf %get3A_299, %get3A_381 : vector<16xf32>
        %add3A_383 = arith.addf %mul3A_373, %mul3A_382 : vector<16xf32>
        %mul3A_384 = arith.constant 16 : i32
        %mul3A_385 = arith.muli %scan3A_364, %mul3A_384 : i32
        %swap3A_386 = arith.constant 1 : i32
        %swap3A_387 = arith.index_cast %swap3A_386 : i32 to index
        %swap3A_388 = arith.index_cast %scan3A_287 : i32 to index
        %swap3A_389 = arith.index_cast %mul3A_385 : i32 to index
        %swap3A_390 = tpu.vector_load %arg12[%swap3A_387, %swap3A_388, %swap3A_389] {strides = array<i32>} : memref<2x16x1024xf32, #tpu.memory_space<vmem>>, vector<1x1x16xf32>,
        %swap3A_391 = vector.shape_cast %swap3A_390 : vector<1x1x16xf32> to vector<16xf32>
        %swap3A_392 = vector.shape_cast %add3A_383 : vector<16xf32> to vector<1x1x16xf32>
        tpu.vector_store %arg12[%swap3A_387, %swap3A_388, %swap3A_389], %swap3A_392 {strides = array<i32>} : memref<2x16x1024xf32, #tpu.memory_space<vmem>>, vector<1x1x16xf32>,
        %scan3A_393 = arith.constant 3 : i32
        %scan3A_394 = arith.addi %scan3A_305, %scan3A_393 : i32
        %mul3A_395 = arith.constant 16 : i32
        %mul3A_396 = arith.muli %scan3A_394, %mul3A_395 : i32
        %get3A_397 = arith.constant 1 : i32
        %get3A_398 = arith.index_cast %get3A_397 : i32 to index
        %get3A_399 = arith.index_cast %scan3A_287 : i32 to index
        %get3A_400 = arith.index_cast %mul3A_396 : i32 to index
        %get3A_401 = tpu.vector_load %arg12[%get3A_398, %get3A_399, %get3A_400] {strides = array<i32>} : memref<2x16x1024xf32, #tpu.memory_space<vmem>>, vector<1x1x16xf32>,
        %get3A_402 = vector.shape_cast %get3A_401 : vector<1x1x16xf32> to vector<16xf32>
        %mul3A_403 = arith.mulf %get3A_293, %get3A_402 : vector<16xf32>
        %mul3A_404 = arith.constant 16 : i32
        %mul3A_405 = arith.muli %scan3A_394, %mul3A_404 : i32
        %get3A_406 = arith.constant 1 : i32
        %get3A_407 = arith.index_cast %get3A_406 : i32 to index
        %get3A_408 = arith.index_cast %scan3A_287 : i32 to index
        %get3A_409 = arith.index_cast %mul3A_405 : i32 to index
        %get3A_410 = tpu.vector_load %arg13[%get3A_407, %get3A_408, %get3A_409] {strides = array<i32>} : memref<2x16x1024xf32, #tpu.memory_space<vmem>>, vector<1x1x16xf32>,
        %get3A_411 = vector.shape_cast %get3A_410 : vector<1x1x16xf32> to vector<16xf32>
        %mul3A_412 = arith.mulf %get3A_299, %get3A_411 : vector<16xf32>
        %add3A_413 = arith.addf %mul3A_403, %mul3A_412 : vector<16xf32>
        %mul3A_414 = arith.constant 16 : i32
        %mul3A_415 = arith.muli %scan3A_394, %mul3A_414 : i32
        %swap3A_416 = arith.constant 1 : i32
        %swap3A_417 = arith.index_cast %swap3A_416 : i32 to index
        %swap3A_418 = arith.index_cast %scan3A_287 : i32 to index
        %swap3A_419 = arith.index_cast %mul3A_415 : i32 to index
        %swap3A_420 = tpu.vector_load %arg12[%swap3A_417, %swap3A_418, %swap3A_419] {strides = array<i32>} : memref<2x16x1024xf32, #tpu.memory_space<vmem>>, vector<1x1x16xf32>,
        %swap3A_421 = vector.shape_cast %swap3A_420 : vector<1x1x16xf32> to vector<16xf32>
        %swap3A_422 = vector.shape_cast %add3A_413 : vector<16xf32> to vector<1x1x16xf32>
        tpu.vector_store %arg12[%swap3A_417, %swap3A_418, %swap3A_419], %swap3A_422 {strides = array<i32>} : memref<2x16x1024xf32, #tpu.memory_space<vmem>>, vector<1x1x16xf32>,
        %scan3A_423 = arith.constant 4 : i32
        %scan3A_424 = arith.addi %scan3A_305, %scan3A_423 : i32
        %mul3A_425 = arith.constant 16 : i32
        %mul3A_426 = arith.muli %scan3A_424, %mul3A_425 : i32
        %get3A_427 = arith.constant 1 : i32
        %get3A_428 = arith.index_cast %get3A_427 : i32 to index
        %get3A_429 = arith.index_cast %scan3A_287 : i32 to index
        %get3A_430 = arith.index_cast %mul3A_426 : i32 to index
        %get3A_431 = tpu.vector_load %arg12[%get3A_428, %get3A_429, %get3A_430] {strides = array<i32>} : memref<2x16x1024xf32, #tpu.memory_space<vmem>>, vector<1x1x16xf32>,
        %get3A_432 = vector.shape_cast %get3A_431 : vector<1x1x16xf32> to vector<16xf32>
        %mul3A_433 = arith.mulf %get3A_293, %get3A_432 : vector<16xf32>
        %mul3A_434 = arith.constant 16 : i32
        %mul3A_435 = arith.muli %scan3A_424, %mul3A_434 : i32
        %get3A_436 = arith.constant 1 : i32
        %get3A_437 = arith.index_cast %get3A_436 : i32 to index
        %get3A_438 = arith.index_cast %scan3A_287 : i32 to index
        %get3A_439 = arith.index_cast %mul3A_435 : i32 to index
        %get3A_440 = tpu.vector_load %arg13[%get3A_437, %get3A_438, %get3A_439] {strides = array<i32>} : memref<2x16x1024xf32, #tpu.memory_space<vmem>>, vector<1x1x16xf32>,
        %get3A_441 = vector.shape_cast %get3A_440 : vector<1x1x16xf32> to vector<16xf32>
        %mul3A_442 = arith.mulf %get3A_299, %get3A_441 : vector<16xf32>
        %add3A_443 = arith.addf %mul3A_433, %mul3A_442 : vector<16xf32>
        %mul3A_444 = arith.constant 16 : i32
        %mul3A_445 = arith.muli %scan3A_424, %mul3A_444 : i32
        %swap3A_446 = arith.constant 1 : i32
        %swap3A_447 = arith.index_cast %swap3A_446 : i32 to index
        %swap3A_448 = arith.index_cast %scan3A_287 : i32 to index
        %swap3A_449 = arith.index_cast %mul3A_445 : i32 to index
        %swap3A_450 = tpu.vector_load %arg12[%swap3A_447, %swap3A_448, %swap3A_449] {strides = array<i32>} : memref<2x16x1024xf32, #tpu.memory_space<vmem>>, vector<1x1x16xf32>,
        %swap3A_451 = vector.shape_cast %swap3A_450 : vector<1x1x16xf32> to vector<16xf32>
        %swap3A_452 = vector.shape_cast %add3A_443 : vector<16xf32> to vector<1x1x16xf32>
        tpu.vector_store %arg12[%swap3A_447, %swap3A_448, %swap3A_449], %swap3A_452 {strides = array<i32>} : memref<2x16x1024xf32, #tpu.memory_space<vmem>>, vector<1x1x16xf32>,
        %scan3A_453 = arith.constant 5 : i32
        %scan3A_454 = arith.addi %scan3A_305, %scan3A_453 : i32
        %mul3A_455 = arith.constant 16 : i32
        %mul3A_456 = arith.muli %scan3A_454, %mul3A_455 : i32
        %get3A_457 = arith.constant 1 : i32
        %get3A_458 = arith.index_cast %get3A_457 : i32 to index
        %get3A_459 = arith.index_cast %scan3A_287 : i32 to index
        %get3A_460 = arith.index_cast %mul3A_456 : i32 to index
        %get3A_461 = tpu.vector_load %arg12[%get3A_458, %get3A_459, %get3A_460] {strides = array<i32>} : memref<2x16x1024xf32, #tpu.memory_space<vmem>>, vector<1x1x16xf32>,
        %get3A_462 = vector.shape_cast %get3A_461 : vector<1x1x16xf32> to vector<16xf32>
        %mul3A_463 = arith.mulf %get3A_293, %get3A_462 : vector<16xf32>
        %mul3A_464 = arith.constant 16 : i32
        %mul3A_465 = arith.muli %scan3A_454, %mul3A_464 : i32
        %get3A_466 = arith.constant 1 : i32
        %get3A_467 = arith.index_cast %get3A_466 : i32 to index
        %get3A_468 = arith.index_cast %scan3A_287 : i32 to index
        %get3A_469 = arith.index_cast %mul3A_465 : i32 to index
        %get3A_470 = tpu.vector_load %arg13[%get3A_467, %get3A_468, %get3A_469] {strides = array<i32>} : memref<2x16x1024xf32, #tpu.memory_space<vmem>>, vector<1x1x16xf32>,
        %get3A_471 = vector.shape_cast %get3A_470 : vector<1x1x16xf32> to vector<16xf32>
        %mul3A_472 = arith.mulf %get3A_299, %get3A_471 : vector<16xf32>
        %add3A_473 = arith.addf %mul3A_463, %mul3A_472 : vector<16xf32>
        %mul3A_474 = arith.constant 16 : i32
        %mul3A_475 = arith.muli %scan3A_454, %mul3A_474 : i32
        %swap3A_476 = arith.constant 1 : i32
        %swap3A_477 = arith.index_cast %swap3A_476 : i32 to index
        %swap3A_478 = arith.index_cast %scan3A_287 : i32 to index
        %swap3A_479 = arith.index_cast %mul3A_475 : i32 to index
        %swap3A_480 = tpu.vector_load %arg12[%swap3A_477, %swap3A_478, %swap3A_479] {strides = array<i32>} : memref<2x16x1024xf32, #tpu.memory_space<vmem>>, vector<1x1x16xf32>,
        %swap3A_481 = vector.shape_cast %swap3A_480 : vector<1x1x16xf32> to vector<16xf32>
        %swap3A_482 = vector.shape_cast %add3A_473 : vector<16xf32> to vector<1x1x16xf32>
        tpu.vector_store %arg12[%swap3A_477, %swap3A_478, %swap3A_479], %swap3A_482 {strides = array<i32>} : memref<2x16x1024xf32, #tpu.memory_space<vmem>>, vector<1x1x16xf32>,
        %scan3A_483 = arith.constant 6 : i32
        %scan3A_484 = arith.addi %scan3A_305, %scan3A_483 : i32
        %mul3A_485 = arith.constant 16 : i32
        %mul3A_486 = arith.muli %scan3A_484, %mul3A_485 : i32
        %get3A_487 = arith.constant 1 : i32
        %get3A_488 = arith.index_cast %get3A_487 : i32 to index
        %get3A_489 = arith.index_cast %scan3A_287 : i32 to index
        %get3A_490 = arith.index_cast %mul3A_486 : i32 to index
        %get3A_491 = tpu.vector_load %arg12[%get3A_488, %get3A_489, %get3A_490] {strides = array<i32>} : memref<2x16x1024xf32, #tpu.memory_space<vmem>>, vector<1x1x16xf32>,
        %get3A_492 = vector.shape_cast %get3A_491 : vector<1x1x16xf32> to vector<16xf32>
        %mul3A_493 = arith.mulf %get3A_293, %get3A_492 : vector<16xf32>
        %mul3A_494 = arith.constant 16 : i32
        %mul3A_495 = arith.muli %scan3A_484, %mul3A_494 : i32
        %get3A_496 = arith.constant 1 : i32
        %get3A_497 = arith.index_cast %get3A_496 : i32 to index
        %get3A_498 = arith.index_cast %scan3A_287 : i32 to index
        %get3A_499 = arith.index_cast %mul3A_495 : i32 to index
        %get3A_500 = tpu.vector_load %arg13[%get3A_497, %get3A_498, %get3A_499] {strides = array<i32>} : memref<2x16x1024xf32, #tpu.memory_space<vmem>>, vector<1x1x16xf32>,
        %get3A_501 = vector.shape_cast %get3A_500 : vector<1x1x16xf32> to vector<16xf32>
        %mul3A_502 = arith.mulf %get3A_299, %get3A_501 : vector<16xf32>
        %add3A_503 = arith.addf %mul3A_493, %mul3A_502 : vector<16xf32>
        %mul3A_504 = arith.constant 16 : i32
        %mul3A_505 = arith.muli %scan3A_484, %mul3A_504 : i32
        %swap3A_506 = arith.constant 1 : i32
        %swap3A_507 = arith.index_cast %swap3A_506 : i32 to index
        %swap3A_508 = arith.index_cast %scan3A_287 : i32 to index
        %swap3A_509 = arith.index_cast %mul3A_505 : i32 to index
        %swap3A_510 = tpu.vector_load %arg12[%swap3A_507, %swap3A_508, %swap3A_509] {strides = array<i32>} : memref<2x16x1024xf32, #tpu.memory_space<vmem>>, vector<1x1x16xf32>,
        %swap3A_511 = vector.shape_cast %swap3A_510 : vector<1x1x16xf32> to vector<16xf32>
        %swap3A_512 = vector.shape_cast %add3A_503 : vector<16xf32> to vector<1x1x16xf32>
        tpu.vector_store %arg12[%swap3A_507, %swap3A_508, %swap3A_509], %swap3A_512 {strides = array<i32>} : memref<2x16x1024xf32, #tpu.memory_space<vmem>>, vector<1x1x16xf32>,
        %scan3A_513 = arith.constant 7 : i32
        %scan3A_514 = arith.addi %scan3A_305, %scan3A_513 : i32
        %mul3A_515 = arith.constant 16 : i32
        %mul3A_516 = arith.muli %scan3A_514, %mul3A_515 : i32
        %get3A_517 = arith.constant 1 : i32
        %get3A_518 = arith.index_cast %get3A_517 : i32 to index
        %get3A_519 = arith.index_cast %scan3A_287 : i32 to index
        %get3A_520 = arith.index_cast %mul3A_516 : i32 to index
        %get3A_521 = tpu.vector_load %arg12[%get3A_518, %get3A_519, %get3A_520] {strides = array<i32>} : memref<2x16x1024xf32, #tpu.memory_space<vmem>>, vector<1x1x16xf32>,
        %get3A_522 = vector.shape_cast %get3A_521 : vector<1x1x16xf32> to vector<16xf32>
        %mul3A_523 = arith.mulf %get3A_293, %get3A_522 : vector<16xf32>
        %mul3A_524 = arith.constant 16 : i32
        %mul3A_525 = arith.muli %scan3A_514, %mul3A_524 : i32
        %get3A_526 = arith.constant 1 : i32
        %get3A_527 = arith.index_cast %get3A_526 : i32 to index
        %get3A_528 = arith.index_cast %scan3A_287 : i32 to index
        %get3A_529 = arith.index_cast %mul3A_525 : i32 to index
        %get3A_530 = tpu.vector_load %arg13[%get3A_527, %get3A_528, %get3A_529] {strides = array<i32>} : memref<2x16x1024xf32, #tpu.memory_space<vmem>>, vector<1x1x16xf32>,
        %get3A_531 = vector.shape_cast %get3A_530 : vector<1x1x16xf32> to vector<16xf32>
        %mul3A_532 = arith.mulf %get3A_299, %get3A_531 : vector<16xf32>
        %add3A_533 = arith.addf %mul3A_523, %mul3A_532 : vector<16xf32>
        %mul3A_534 = arith.constant 16 : i32
        %mul3A_535 = arith.muli %scan3A_514, %mul3A_534 : i32
        %swap3A_536 = arith.constant 1 : i32
        %swap3A_537 = arith.index_cast %swap3A_536 : i32 to index
        %swap3A_538 = arith.index_cast %scan3A_287 : i32 to index
        %swap3A_539 = arith.index_cast %mul3A_535 : i32 to index
        %swap3A_540 = tpu.vector_load %arg12[%swap3A_537, %swap3A_538, %swap3A_539] {strides = array<i32>} : memref<2x16x1024xf32, #tpu.memory_space<vmem>>, vector<1x1x16xf32>,
        %swap3A_541 = vector.shape_cast %swap3A_540 : vector<1x1x16xf32> to vector<16xf32>
        %swap3A_542 = vector.shape_cast %add3A_533 : vector<16xf32> to vector<1x1x16xf32>
        tpu.vector_store %arg12[%swap3A_537, %swap3A_538, %swap3A_539], %swap3A_542 {strides = array<i32>} : memref<2x16x1024xf32, #tpu.memory_space<vmem>>, vector<1x1x16xf32>,
      }
      %scan3A_304 = arith.constant 64 : i32
    }
    %scan3A_136 = arith.constant 16 : i32
    %add3A_137 = arith.constant 16 : i32
    %add3A_138 = arith.addi %mul3A_2, %add3A_137 : i32
    %dma_start3A_139 = arith.constant 1 : i32
    %dma_start3A_140 = arith.constant 0 : i32
    %dma_start3A_141 = arith.constant 0 : i32
    %dma_start3A_142 = tpu.memref_slice %arg12[%dma_start3A_139, %dma_start3A_140, %dma_start3A_141] : memref<2x16x1024xf32, #tpu.memory_space<vmem>> -> memref<1x16x1024xf32, #tpu.memory_space<vmem>>
    %dma_start3A_143 = tpu.memref_squeeze %dma_start3A_142 : memref<1x16x1024xf32, #tpu.memory_space<vmem>> -> memref<16x1024xf32, #tpu.memory_space<vmem>>
    %dma_start3A_144 = arith.constant 0 : i32
    %dma_start3A_145 = tpu.memref_slice %arg7[%add3A_138, %dma_start3A_144] : memref<2048x1024xf32, #tpu.memory_space<hbm>> -> memref<16x1024xf32, #tpu.memory_space<hbm>>
    %dma_start3A_146 = arith.constant 0 : i32
    %dma_start3A_147 = tpu.memref_slice %arg7[%add3A_138, %dma_start3A_146] : memref<2048x1024xf32, #tpu.memory_space<hbm>> -> memref<16x1024xf32, #tpu.memory_space<hbm>>
    %dma_start3A_148 = arith.constant 0 : i32
    %dma_start3A_149 = arith.constant 0 : i32
    %dma_start3A_150 = tpu.memref_slice %arg12[%dma_start3A_139, %dma_start3A_148, %dma_start3A_149] : memref<2x16x1024xf32, #tpu.memory_space<vmem>> -> memref<1x16x1024xf32, #tpu.memory_space<vmem>>
    %dma_start3A_151 = tpu.memref_squeeze %dma_start3A_150 : memref<1x16x1024xf32, #tpu.memory_space<vmem>> -> memref<16x1024xf32, #tpu.memory_space<vmem>>
    tpu.enqueue_dma source(%dma_start3A_151 : memref<16x1024xf32, #tpu.memory_space<vmem>>) target(%dma_start3A_147 : memref<16x1024xf32, #tpu.memory_space<hbm>>) target_semaphore(%arg15 : memref<!tpu.dma_semaphore, #tpu.memory_space<semaphore_mem>>)
    %dma_wait3A_152 = arith.constant 0 : i32
    %dma_wait3A_153 = arith.constant 0 : i32
    %dma_wait3A_154 = arith.constant 0 : i32
    %dma_wait3A_155 = tpu.memref_slice %arg12[%dma_wait3A_152, %dma_wait3A_153, %dma_wait3A_154] : memref<2x16x1024xf32, #tpu.memory_space<vmem>> -> memref<1x16x1024xf32, #tpu.memory_space<vmem>>
    %dma_wait3A_156 = tpu.memref_squeeze %dma_wait3A_155 : memref<1x16x1024xf32, #tpu.memory_space<vmem>> -> memref<16x1024xf32, #tpu.memory_space<vmem>>
    %dma_wait3A_157 = arith.constant 0 : i32
    %dma_wait3A_158 = arith.constant 0 : i32
    %dma_wait3A_159 = tpu.memref_slice %arg2[%dma_wait3A_157, %dma_wait3A_158] : memref<5888x1024xf32, #tpu.memory_space<hbm>> -> memref<5888x1024xf32, #tpu.memory_space<hbm>>
    tpu.wait_indirect_dma semaphore(%arg14 : memref<!tpu.dma_semaphore, #tpu.memory_space<semaphore_mem>>) src(%dma_wait3A_159 : memref<5888x1024xf32, #tpu.memory_space<hbm>>) dst(%dma_wait3A_156 : memref<16x1024xf32, #tpu.memory_space<vmem>>)
    %dma_wait3A_160 = arith.constant 0 : i32
    %dma_wait3A_161 = arith.constant 0 : i32
    %dma_wait3A_162 = arith.constant 0 : i32
    %dma_wait3A_163 = tpu.memref_slice %arg13[%dma_wait3A_160, %dma_wait3A_161, %dma_wait3A_162] : memref<2x16x1024xf32, #tpu.memory_space<vmem>> -> memref<1x16x1024xf32, #tpu.memory_space<vmem>>
    %dma_wait3A_164 = tpu.memref_squeeze %dma_wait3A_163 : memref<1x16x1024xf32, #tpu.memory_space<vmem>> -> memref<16x1024xf32, #tpu.memory_space<vmem>>
    %dma_wait3A_165 = arith.constant 0 : i32
    %dma_wait3A_166 = arith.constant 0 : i32
    %dma_wait3A_167 = tpu.memref_slice %arg2[%dma_wait3A_165, %dma_wait3A_166] : memref<5888x1024xf32, #tpu.memory_space<hbm>> -> memref<5888x1024xf32, #tpu.memory_space<hbm>>
    tpu.wait_indirect_dma semaphore(%arg14 : memref<!tpu.dma_semaphore, #tpu.memory_space<semaphore_mem>>) src(%dma_wait3A_167 : memref<5888x1024xf32, #tpu.memory_space<hbm>>) dst(%dma_wait3A_164 : memref<16x1024xf32, #tpu.memory_space<vmem>>)
    %dma_wait3A_168 = arith.constant 1 : i32
    %dma_wait3A_169 = arith.constant 0 : i32
    %dma_wait3A_170 = arith.constant 0 : i32
    %dma_wait3A_171 = tpu.memref_slice %arg12[%dma_wait3A_168, %dma_wait3A_169, %dma_wait3A_170] : memref<2x16x1024xf32, #tpu.memory_space<vmem>> -> memref<1x16x1024xf32, #tpu.memory_space<vmem>>
    %dma_wait3A_172 = tpu.memref_squeeze %dma_wait3A_171 : memref<1x16x1024xf32, #tpu.memory_space<vmem>> -> memref<16x1024xf32, #tpu.memory_space<vmem>>
    %dma_wait3A_173 = arith.constant 0 : i32
    %dma_wait3A_174 = tpu.memref_slice %arg7[%add3A_138, %dma_wait3A_173] : memref<2048x1024xf32, #tpu.memory_space<hbm>> -> memref<16x1024xf32, #tpu.memory_space<hbm>>
    %dma_wait3A_175 = arith.constant 0 : i32
    %dma_wait3A_176 = tpu.memref_slice %arg7[%add3A_138, %dma_wait3A_175] : memref<2048x1024xf32, #tpu.memory_space<hbm>> -> memref<16x1024xf32, #tpu.memory_space<hbm>>
    %dma_wait3A_177 = arith.constant 0 : i32
    %dma_wait3A_178 = arith.constant 0 : i32
    %dma_wait3A_179 = tpu.memref_slice %arg12[%dma_wait3A_168, %dma_wait3A_177, %dma_wait3A_178] : memref<2x16x1024xf32, #tpu.memory_space<vmem>> -> memref<1x16x1024xf32, #tpu.memory_space<vmem>>
    %dma_wait3A_180 = tpu.memref_squeeze %dma_wait3A_179 : memref<1x16x1024xf32, #tpu.memory_space<vmem>> -> memref<16x1024xf32, #tpu.memory_space<vmem>>
    tpu.wait_dma2 semaphore(%arg15 : memref<!tpu.dma_semaphore, #tpu.memory_space<semaphore_mem>>) src(%dma_wait3A_180 : memref<16x1024xf32, #tpu.memory_space<vmem>>) dst(%dma_wait3A_176 : memref<16x1024xf32, #tpu.memory_space<hbm>>)
    %get3A_181 = arith.constant 48 : index
    %get3A_182 = tpu.vector_load %arg8[%get3A_181] {strides = array<i32>} : memref<64xi32, #tpu.memory_space<vmem>>, vector<16xi32>,
    %get3A_183 = vector.shape_cast %get3A_182 : vector<16xi32> to vector<16xi32>
    %get3A_184 = arith.constant 48 : index
    %get3A_185 = tpu.vector_load %arg9[%get3A_184] {strides = array<i32>} : memref<64xi32, #tpu.memory_space<vmem>>, vector<16xi32>,
    %get3A_186 = vector.shape_cast %get3A_185 : vector<16xi32> to vector<16xi32>
    %dma_start3A_187 = arith.constant 1 : i32
    %dma_start3A_188 = arith.constant 0 : i32
    %dma_start3A_189 = arith.constant 0 : i32
    %dma_start3A_190 = tpu.memref_slice %arg12[%dma_start3A_187, %dma_start3A_188, %dma_start3A_189] : memref<2x16x1024xf32, #tpu.memory_space<vmem>> -> memref<1x16x1024xf32, #tpu.memory_space<vmem>>
    %dma_start3A_191 = tpu.memref_squeeze %dma_start3A_190 : memref<1x16x1024xf32, #tpu.memory_space<vmem>> -> memref<16x1024xf32, #tpu.memory_space<vmem>>
    %dma_start3A_192 = arith.constant 0 : i32
    %dma_start3A_193 = arith.constant 0 : i32
    %dma_start3A_194 = tpu.memref_slice %arg2[%dma_start3A_192, %dma_start3A_193] : memref<5888x1024xf32, #tpu.memory_space<hbm>> -> memref<5888x1024xf32, #tpu.memory_space<hbm>>
    tpu.enqueue_indirect_dma source(%dma_start3A_194 : memref<5888x1024xf32, #tpu.memory_space<hbm>>) target(%dma_start3A_191 : memref<16x1024xf32, #tpu.memory_space<vmem>>) offsets(%get3A_183 : vector<16xi32>) semaphore(%arg14 : memref<!tpu.dma_semaphore, #tpu.memory_space<semaphore_mem>>)
    %dma_start3A_195 = arith.constant 1 : i32
    %dma_start3A_196 = arith.constant 0 : i32
    %dma_start3A_197 = arith.constant 0 : i32
    %dma_start3A_198 = tpu.memref_slice %arg13[%dma_start3A_195, %dma_start3A_196, %dma_start3A_197] : memref<2x16x1024xf32, #tpu.memory_space<vmem>> -> memref<1x16x1024xf32, #tpu.memory_space<vmem>>
    %dma_start3A_199 = tpu.memref_squeeze %dma_start3A_198 : memref<1x16x1024xf32, #tpu.memory_space<vmem>> -> memref<16x1024xf32, #tpu.memory_space<vmem>>
    %dma_start3A_200 = arith.constant 0 : i32
    %dma_start3A_201 = arith.constant 0 : i32
    %dma_start3A_202 = tpu.memref_slice %arg2[%dma_start3A_200, %dma_start3A_201] : memref<5888x1024xf32, #tpu.memory_space<hbm>> -> memref<5888x1024xf32, #tpu.memory_space<hbm>>
    tpu.enqueue_indirect_dma source(%dma_start3A_202 : memref<5888x1024xf32, #tpu.memory_space<hbm>>) target(%dma_start3A_199 : memref<16x1024xf32, #tpu.memory_space<vmem>>) offsets(%get3A_186 : vector<16xi32>) semaphore(%arg14 : memref<!tpu.dma_semaphore, #tpu.memory_space<semaphore_mem>>)
    %scan3A_203 = arith.constant 0 : i32
    %scan3A_204 = arith.constant 0 : i32
    %scan3A_205 = arith.constant 16 : i32
    %scan3A_206 = arith.addi %scan3A_204, %scan3A_205 : i32
    %scan3A_207 = arith.constant 1 : i32
    scf.for %scan3A_287 = %scan3A_204 to %scan3A_206 step %scan3A_207  : i32 {
      %add3A_288 = arith.constant 32 : i32
      %add3A_289 = arith.addi %add3A_288, %scan3A_287 : i32
      %get3A_290 = arith.index_cast %add3A_289 : i32 to index
      %get3A_291 = arith.constant 0 : index
      %get3A_292 = tpu.vector_load %arg10[%get3A_290, %get3A_291] {strides = array<i32>} : memref<64x16xf32, #tpu.memory_space<vmem>>, vector<1x16xf32>,
      %get3A_293 = vector.shape_cast %get3A_292 : vector<1x16xf32> to vector<16xf32>
      %add3A_294 = arith.constant 32 : i32
      %add3A_295 = arith.addi %add3A_294, %scan3A_287 : i32
      %get3A_296 = arith.index_cast %add3A_295 : i32 to index
      %get3A_297 = arith.constant 0 : index
      %get3A_298 = tpu.vector_load %arg11[%get3A_296, %get3A_297] {strides = array<i32>} : memref<64x16xf32, #tpu.memory_space<vmem>>, vector<1x16xf32>,
      %get3A_299 = vector.shape_cast %get3A_298 : vector<1x16xf32> to vector<16xf32>
      %scan3A_300 = arith.constant 0 : i32
      %scan3A_301 = arith.constant 64 : i32
      %scan3A_302 = arith.addi %scan3A_300, %scan3A_301 : i32
      %scan3A_303 = arith.constant 8 : i32
      scf.for %scan3A_305 = %scan3A_300 to %scan3A_302 step %scan3A_303  : i32 {
        %mul3A_306 = arith.constant 16 : i32
        %mul3A_307 = arith.muli %scan3A_305, %mul3A_306 : i32
        %get3A_308 = arith.constant 0 : i32
        %get3A_309 = arith.index_cast %get3A_308 : i32 to index
        %get3A_310 = arith.index_cast %scan3A_287 : i32 to index
        %get3A_311 = arith.index_cast %mul3A_307 : i32 to index
        %get3A_312 = tpu.vector_load %arg12[%get3A_309, %get3A_310, %get3A_311] {strides = array<i32>} : memref<2x16x1024xf32, #tpu.memory_space<vmem>>, vector<1x1x16xf32>,
        %get3A_313 = vector.shape_cast %get3A_312 : vector<1x1x16xf32> to vector<16xf32>
        %mul3A_314 = arith.mulf %get3A_293, %get3A_313 : vector<16xf32>
        %mul3A_315 = arith.constant 16 : i32
        %mul3A_316 = arith.muli %scan3A_305, %mul3A_315 : i32
        %get3A_317 = arith.constant 0 : i32
        %get3A_318 = arith.index_cast %get3A_317 : i32 to index
        %get3A_319 = arith.index_cast %scan3A_287 : i32 to index
        %get3A_320 = arith.index_cast %mul3A_316 : i32 to index
        %get3A_321 = tpu.vector_load %arg13[%get3A_318, %get3A_319, %get3A_320] {strides = array<i32>} : memref<2x16x1024xf32, #tpu.memory_space<vmem>>, vector<1x1x16xf32>,
        %get3A_322 = vector.shape_cast %get3A_321 : vector<1x1x16xf32> to vector<16xf32>
        %mul3A_323 = arith.mulf %get3A_299, %get3A_322 : vector<16xf32>
        %add3A_324 = arith.addf %mul3A_314, %mul3A_323 : vector<16xf32>
        %mul3A_325 = arith.constant 16 : i32
        %mul3A_326 = arith.muli %scan3A_305, %mul3A_325 : i32
        %swap3A = arith.constant 0 : i32
        %swap3A_327 = arith.index_cast %swap3A : i32 to index
        %swap3A_328 = arith.index_cast %scan3A_287 : i32 to index
        %swap3A_329 = arith.index_cast %mul3A_326 : i32 to index
        %swap3A_330 = tpu.vector_load %arg12[%swap3A_327, %swap3A_328, %swap3A_329] {strides = array<i32>} : memref<2x16x1024xf32, #tpu.memory_space<vmem>>, vector<1x1x16xf32>,
        %swap3A_331 = vector.shape_cast %swap3A_330 : vector<1x1x16xf32> to vector<16xf32>
        %swap3A_332 = vector.shape_cast %add3A_324 : vector<16xf32> to vector<1x1x16xf32>
        tpu.vector_store %arg12[%swap3A_327, %swap3A_328, %swap3A_329], %swap3A_332 {strides = array<i32>} : memref<2x16x1024xf32, #tpu.memory_space<vmem>>, vector<1x1x16xf32>,
        %scan3A_333 = arith.constant 1 : i32
        %scan3A_334 = arith.addi %scan3A_305, %scan3A_333 : i32
        %mul3A_335 = arith.constant 16 : i32
        %mul3A_336 = arith.muli %scan3A_334, %mul3A_335 : i32
        %get3A_337 = arith.constant 0 : i32
        %get3A_338 = arith.index_cast %get3A_337 : i32 to index
        %get3A_339 = arith.index_cast %scan3A_287 : i32 to index
        %get3A_340 = arith.index_cast %mul3A_336 : i32 to index
        %get3A_341 = tpu.vector_load %arg12[%get3A_338, %get3A_339, %get3A_340] {strides = array<i32>} : memref<2x16x1024xf32, #tpu.memory_space<vmem>>, vector<1x1x16xf32>,
        %get3A_342 = vector.shape_cast %get3A_341 : vector<1x1x16xf32> to vector<16xf32>
        %mul3A_343 = arith.mulf %get3A_293, %get3A_342 : vector<16xf32>
        %mul3A_344 = arith.constant 16 : i32
        %mul3A_345 = arith.muli %scan3A_334, %mul3A_344 : i32
        %get3A_346 = arith.constant 0 : i32
        %get3A_347 = arith.index_cast %get3A_346 : i32 to index
        %get3A_348 = arith.index_cast %scan3A_287 : i32 to index
        %get3A_349 = arith.index_cast %mul3A_345 : i32 to index
        %get3A_350 = tpu.vector_load %arg13[%get3A_347, %get3A_348, %get3A_349] {strides = array<i32>} : memref<2x16x1024xf32, #tpu.memory_space<vmem>>, vector<1x1x16xf32>,
        %get3A_351 = vector.shape_cast %get3A_350 : vector<1x1x16xf32> to vector<16xf32>
        %mul3A_352 = arith.mulf %get3A_299, %get3A_351 : vector<16xf32>
        %add3A_353 = arith.addf %mul3A_343, %mul3A_352 : vector<16xf32>
        %mul3A_354 = arith.constant 16 : i32
        %mul3A_355 = arith.muli %scan3A_334, %mul3A_354 : i32
        %swap3A_356 = arith.constant 0 : i32
        %swap3A_357 = arith.index_cast %swap3A_356 : i32 to index
        %swap3A_358 = arith.index_cast %scan3A_287 : i32 to index
        %swap3A_359 = arith.index_cast %mul3A_355 : i32 to index
        %swap3A_360 = tpu.vector_load %arg12[%swap3A_357, %swap3A_358, %swap3A_359] {strides = array<i32>} : memref<2x16x1024xf32, #tpu.memory_space<vmem>>, vector<1x1x16xf32>,
        %swap3A_361 = vector.shape_cast %swap3A_360 : vector<1x1x16xf32> to vector<16xf32>
        %swap3A_362 = vector.shape_cast %add3A_353 : vector<16xf32> to vector<1x1x16xf32>
        tpu.vector_store %arg12[%swap3A_357, %swap3A_358, %swap3A_359], %swap3A_362 {strides = array<i32>} : memref<2x16x1024xf32, #tpu.memory_space<vmem>>, vector<1x1x16xf32>,
        %scan3A_363 = arith.constant 2 : i32
        %scan3A_364 = arith.addi %scan3A_305, %scan3A_363 : i32
        %mul3A_365 = arith.constant 16 : i32
        %mul3A_366 = arith.muli %scan3A_364, %mul3A_365 : i32
        %get3A_367 = arith.constant 0 : i32
        %get3A_368 = arith.index_cast %get3A_367 : i32 to index
        %get3A_369 = arith.index_cast %scan3A_287 : i32 to index
        %get3A_370 = arith.index_cast %mul3A_366 : i32 to index
        %get3A_371 = tpu.vector_load %arg12[%get3A_368, %get3A_369, %get3A_370] {strides = array<i32>} : memref<2x16x1024xf32, #tpu.memory_space<vmem>>, vector<1x1x16xf32>,
        %get3A_372 = vector.shape_cast %get3A_371 : vector<1x1x16xf32> to vector<16xf32>
        %mul3A_373 = arith.mulf %get3A_293, %get3A_372 : vector<16xf32>
        %mul3A_374 = arith.constant 16 : i32
        %mul3A_375 = arith.muli %scan3A_364, %mul3A_374 : i32
        %get3A_376 = arith.constant 0 : i32
        %get3A_377 = arith.index_cast %get3A_376 : i32 to index
        %get3A_378 = arith.index_cast %scan3A_287 : i32 to index
        %get3A_379 = arith.index_cast %mul3A_375 : i32 to index
        %get3A_380 = tpu.vector_load %arg13[%get3A_377, %get3A_378, %get3A_379] {strides = array<i32>} : memref<2x16x1024xf32, #tpu.memory_space<vmem>>, vector<1x1x16xf32>,
        %get3A_381 = vector.shape_cast %get3A_380 : vector<1x1x16xf32> to vector<16xf32>
        %mul3A_382 = arith.mulf %get3A_299, %get3A_381 : vector<16xf32>
        %add3A_383 = arith.addf %mul3A_373, %mul3A_382 : vector<16xf32>
        %mul3A_384 = arith.constant 16 : i32
        %mul3A_385 = arith.muli %scan3A_364, %mul3A_384 : i32
        %swap3A_386 = arith.constant 0 : i32
        %swap3A_387 = arith.index_cast %swap3A_386 : i32 to index
        %swap3A_388 = arith.index_cast %scan3A_287 : i32 to index
        %swap3A_389 = arith.index_cast %mul3A_385 : i32 to index
        %swap3A_390 = tpu.vector_load %arg12[%swap3A_387, %swap3A_388, %swap3A_389] {strides = array<i32>} : memref<2x16x1024xf32, #tpu.memory_space<vmem>>, vector<1x1x16xf32>,
        %swap3A_391 = vector.shape_cast %swap3A_390 : vector<1x1x16xf32> to vector<16xf32>
        %swap3A_392 = vector.shape_cast %add3A_383 : vector<16xf32> to vector<1x1x16xf32>
        tpu.vector_store %arg12[%swap3A_387, %swap3A_388, %swap3A_389], %swap3A_392 {strides = array<i32>} : memref<2x16x1024xf32, #tpu.memory_space<vmem>>, vector<1x1x16xf32>,
        %scan3A_393 = arith.constant 3 : i32
        %scan3A_394 = arith.addi %scan3A_305, %scan3A_393 : i32
        %mul3A_395 = arith.constant 16 : i32
        %mul3A_396 = arith.muli %scan3A_394, %mul3A_395 : i32
        %get3A_397 = arith.constant 0 : i32
        %get3A_398 = arith.index_cast %get3A_397 : i32 to index
        %get3A_399 = arith.index_cast %scan3A_287 : i32 to index
        %get3A_400 = arith.index_cast %mul3A_396 : i32 to index
        %get3A_401 = tpu.vector_load %arg12[%get3A_398, %get3A_399, %get3A_400] {strides = array<i32>} : memref<2x16x1024xf32, #tpu.memory_space<vmem>>, vector<1x1x16xf32>,
        %get3A_402 = vector.shape_cast %get3A_401 : vector<1x1x16xf32> to vector<16xf32>
        %mul3A_403 = arith.mulf %get3A_293, %get3A_402 : vector<16xf32>
        %mul3A_404 = arith.constant 16 : i32
        %mul3A_405 = arith.muli %scan3A_394, %mul3A_404 : i32
        %get3A_406 = arith.constant 0 : i32
        %get3A_407 = arith.index_cast %get3A_406 : i32 to index
        %get3A_408 = arith.index_cast %scan3A_287 : i32 to index
        %get3A_409 = arith.index_cast %mul3A_405 : i32 to index
        %get3A_410 = tpu.vector_load %arg13[%get3A_407, %get3A_408, %get3A_409] {strides = array<i32>} : memref<2x16x1024xf32, #tpu.memory_space<vmem>>, vector<1x1x16xf32>,
        %get3A_411 = vector.shape_cast %get3A_410 : vector<1x1x16xf32> to vector<16xf32>
        %mul3A_412 = arith.mulf %get3A_299, %get3A_411 : vector<16xf32>
        %add3A_413 = arith.addf %mul3A_403, %mul3A_412 : vector<16xf32>
        %mul3A_414 = arith.constant 16 : i32
        %mul3A_415 = arith.muli %scan3A_394, %mul3A_414 : i32
        %swap3A_416 = arith.constant 0 : i32
        %swap3A_417 = arith.index_cast %swap3A_416 : i32 to index
        %swap3A_418 = arith.index_cast %scan3A_287 : i32 to index
        %swap3A_419 = arith.index_cast %mul3A_415 : i32 to index
        %swap3A_420 = tpu.vector_load %arg12[%swap3A_417, %swap3A_418, %swap3A_419] {strides = array<i32>} : memref<2x16x1024xf32, #tpu.memory_space<vmem>>, vector<1x1x16xf32>,
        %swap3A_421 = vector.shape_cast %swap3A_420 : vector<1x1x16xf32> to vector<16xf32>
        %swap3A_422 = vector.shape_cast %add3A_413 : vector<16xf32> to vector<1x1x16xf32>
        tpu.vector_store %arg12[%swap3A_417, %swap3A_418, %swap3A_419], %swap3A_422 {strides = array<i32>} : memref<2x16x1024xf32, #tpu.memory_space<vmem>>, vector<1x1x16xf32>,
        %scan3A_423 = arith.constant 4 : i32
        %scan3A_424 = arith.addi %scan3A_305, %scan3A_423 : i32
        %mul3A_425 = arith.constant 16 : i32
        %mul3A_426 = arith.muli %scan3A_424, %mul3A_425 : i32
        %get3A_427 = arith.constant 0 : i32
        %get3A_428 = arith.index_cast %get3A_427 : i32 to index
        %get3A_429 = arith.index_cast %scan3A_287 : i32 to index
        %get3A_430 = arith.index_cast %mul3A_426 : i32 to index
        %get3A_431 = tpu.vector_load %arg12[%get3A_428, %get3A_429, %get3A_430] {strides = array<i32>} : memref<2x16x1024xf32, #tpu.memory_space<vmem>>, vector<1x1x16xf32>,
        %get3A_432 = vector.shape_cast %get3A_431 : vector<1x1x16xf32> to vector<16xf32>
        %mul3A_433 = arith.mulf %get3A_293, %get3A_432 : vector<16xf32>
        %mul3A_434 = arith.constant 16 : i32
        %mul3A_435 = arith.muli %scan3A_424, %mul3A_434 : i32
        %get3A_436 = arith.constant 0 : i32
        %get3A_437 = arith.index_cast %get3A_436 : i32 to index
        %get3A_438 = arith.index_cast %scan3A_287 : i32 to index
        %get3A_439 = arith.index_cast %mul3A_435 : i32 to index
        %get3A_440 = tpu.vector_load %arg13[%get3A_437, %get3A_438, %get3A_439] {strides = array<i32>} : memref<2x16x1024xf32, #tpu.memory_space<vmem>>, vector<1x1x16xf32>,
        %get3A_441 = vector.shape_cast %get3A_440 : vector<1x1x16xf32> to vector<16xf32>
        %mul3A_442 = arith.mulf %get3A_299, %get3A_441 : vector<16xf32>
        %add3A_443 = arith.addf %mul3A_433, %mul3A_442 : vector<16xf32>
        %mul3A_444 = arith.constant 16 : i32
        %mul3A_445 = arith.muli %scan3A_424, %mul3A_444 : i32
        %swap3A_446 = arith.constant 0 : i32
        %swap3A_447 = arith.index_cast %swap3A_446 : i32 to index
        %swap3A_448 = arith.index_cast %scan3A_287 : i32 to index
        %swap3A_449 = arith.index_cast %mul3A_445 : i32 to index
        %swap3A_450 = tpu.vector_load %arg12[%swap3A_447, %swap3A_448, %swap3A_449] {strides = array<i32>} : memref<2x16x1024xf32, #tpu.memory_space<vmem>>, vector<1x1x16xf32>,
        %swap3A_451 = vector.shape_cast %swap3A_450 : vector<1x1x16xf32> to vector<16xf32>
        %swap3A_452 = vector.shape_cast %add3A_443 : vector<16xf32> to vector<1x1x16xf32>
        tpu.vector_store %arg12[%swap3A_447, %swap3A_448, %swap3A_449], %swap3A_452 {strides = array<i32>} : memref<2x16x1024xf32, #tpu.memory_space<vmem>>, vector<1x1x16xf32>,
        %scan3A_453 = arith.constant 5 : i32
        %scan3A_454 = arith.addi %scan3A_305, %scan3A_453 : i32
        %mul3A_455 = arith.constant 16 : i32
        %mul3A_456 = arith.muli %scan3A_454, %mul3A_455 : i32
        %get3A_457 = arith.constant 0 : i32
        %get3A_458 = arith.index_cast %get3A_457 : i32 to index
        %get3A_459 = arith.index_cast %scan3A_287 : i32 to index
        %get3A_460 = arith.index_cast %mul3A_456 : i32 to index
        %get3A_461 = tpu.vector_load %arg12[%get3A_458, %get3A_459, %get3A_460] {strides = array<i32>} : memref<2x16x1024xf32, #tpu.memory_space<vmem>>, vector<1x1x16xf32>,
        %get3A_462 = vector.shape_cast %get3A_461 : vector<1x1x16xf32> to vector<16xf32>
        %mul3A_463 = arith.mulf %get3A_293, %get3A_462 : vector<16xf32>
        %mul3A_464 = arith.constant 16 : i32
        %mul3A_465 = arith.muli %scan3A_454, %mul3A_464 : i32
        %get3A_466 = arith.constant 0 : i32
        %get3A_467 = arith.index_cast %get3A_466 : i32 to index
        %get3A_468 = arith.index_cast %scan3A_287 : i32 to index
        %get3A_469 = arith.index_cast %mul3A_465 : i32 to index
        %get3A_470 = tpu.vector_load %arg13[%get3A_467, %get3A_468, %get3A_469] {strides = array<i32>} : memref<2x16x1024xf32, #tpu.memory_space<vmem>>, vector<1x1x16xf32>,
        %get3A_471 = vector.shape_cast %get3A_470 : vector<1x1x16xf32> to vector<16xf32>
        %mul3A_472 = arith.mulf %get3A_299, %get3A_471 : vector<16xf32>
        %add3A_473 = arith.addf %mul3A_463, %mul3A_472 : vector<16xf32>
        %mul3A_474 = arith.constant 16 : i32
        %mul3A_475 = arith.muli %scan3A_454, %mul3A_474 : i32
        %swap3A_476 = arith.constant 0 : i32
        %swap3A_477 = arith.index_cast %swap3A_476 : i32 to index
        %swap3A_478 = arith.index_cast %scan3A_287 : i32 to index
        %swap3A_479 = arith.index_cast %mul3A_475 : i32 to index
        %swap3A_480 = tpu.vector_load %arg12[%swap3A_477, %swap3A_478, %swap3A_479] {strides = array<i32>} : memref<2x16x1024xf32, #tpu.memory_space<vmem>>, vector<1x1x16xf32>,
        %swap3A_481 = vector.shape_cast %swap3A_480 : vector<1x1x16xf32> to vector<16xf32>
        %swap3A_482 = vector.shape_cast %add3A_473 : vector<16xf32> to vector<1x1x16xf32>
        tpu.vector_store %arg12[%swap3A_477, %swap3A_478, %swap3A_479], %swap3A_482 {strides = array<i32>} : memref<2x16x1024xf32, #tpu.memory_space<vmem>>, vector<1x1x16xf32>,
        %scan3A_483 = arith.constant 6 : i32
        %scan3A_484 = arith.addi %scan3A_305, %scan3A_483 : i32
        %mul3A_485 = arith.constant 16 : i32
        %mul3A_486 = arith.muli %scan3A_484, %mul3A_485 : i32
        %get3A_487 = arith.constant 0 : i32
        %get3A_488 = arith.index_cast %get3A_487 : i32 to index
        %get3A_489 = arith.index_cast %scan3A_287 : i32 to index
        %get3A_490 = arith.index_cast %mul3A_486 : i32 to index
        %get3A_491 = tpu.vector_load %arg12[%get3A_488, %get3A_489, %get3A_490] {strides = array<i32>} : memref<2x16x1024xf32, #tpu.memory_space<vmem>>, vector<1x1x16xf32>,
        %get3A_492 = vector.shape_cast %get3A_491 : vector<1x1x16xf32> to vector<16xf32>
        %mul3A_493 = arith.mulf %get3A_293, %get3A_492 : vector<16xf32>
        %mul3A_494 = arith.constant 16 : i32
        %mul3A_495 = arith.muli %scan3A_484, %mul3A_494 : i32
        %get3A_496 = arith.constant 0 : i32
        %get3A_497 = arith.index_cast %get3A_496 : i32 to index
        %get3A_498 = arith.index_cast %scan3A_287 : i32 to index
        %get3A_499 = arith.index_cast %mul3A_495 : i32 to index
        %get3A_500 = tpu.vector_load %arg13[%get3A_497, %get3A_498, %get3A_499] {strides = array<i32>} : memref<2x16x1024xf32, #tpu.memory_space<vmem>>, vector<1x1x16xf32>,
        %get3A_501 = vector.shape_cast %get3A_500 : vector<1x1x16xf32> to vector<16xf32>
        %mul3A_502 = arith.mulf %get3A_299, %get3A_501 : vector<16xf32>
        %add3A_503 = arith.addf %mul3A_493, %mul3A_502 : vector<16xf32>
        %mul3A_504 = arith.constant 16 : i32
        %mul3A_505 = arith.muli %scan3A_484, %mul3A_504 : i32
        %swap3A_506 = arith.constant 0 : i32
        %swap3A_507 = arith.index_cast %swap3A_506 : i32 to index
        %swap3A_508 = arith.index_cast %scan3A_287 : i32 to index
        %swap3A_509 = arith.index_cast %mul3A_505 : i32 to index
        %swap3A_510 = tpu.vector_load %arg12[%swap3A_507, %swap3A_508, %swap3A_509] {strides = array<i32>} : memref<2x16x1024xf32, #tpu.memory_space<vmem>>, vector<1x1x16xf32>,
        %swap3A_511 = vector.shape_cast %swap3A_510 : vector<1x1x16xf32> to vector<16xf32>
        %swap3A_512 = vector.shape_cast %add3A_503 : vector<16xf32> to vector<1x1x16xf32>
        tpu.vector_store %arg12[%swap3A_507, %swap3A_508, %swap3A_509], %swap3A_512 {strides = array<i32>} : memref<2x16x1024xf32, #tpu.memory_space<vmem>>, vector<1x1x16xf32>,
        %scan3A_513 = arith.constant 7 : i32
        %scan3A_514 = arith.addi %scan3A_305, %scan3A_513 : i32
        %mul3A_515 = arith.constant 16 : i32
        %mul3A_516 = arith.muli %scan3A_514, %mul3A_515 : i32
        %get3A_517 = arith.constant 0 : i32
        %get3A_518 = arith.index_cast %get3A_517 : i32 to index
        %get3A_519 = arith.index_cast %scan3A_287 : i32 to index
        %get3A_520 = arith.index_cast %mul3A_516 : i32 to index
        %get3A_521 = tpu.vector_load %arg12[%get3A_518, %get3A_519, %get3A_520] {strides = array<i32>} : memref<2x16x1024xf32, #tpu.memory_space<vmem>>, vector<1x1x16xf32>,
        %get3A_522 = vector.shape_cast %get3A_521 : vector<1x1x16xf32> to vector<16xf32>
        %mul3A_523 = arith.mulf %get3A_293, %get3A_522 : vector<16xf32>
        %mul3A_524 = arith.constant 16 : i32
        %mul3A_525 = arith.muli %scan3A_514, %mul3A_524 : i32
        %get3A_526 = arith.constant 0 : i32
        %get3A_527 = arith.index_cast %get3A_526 : i32 to index
        %get3A_528 = arith.index_cast %scan3A_287 : i32 to index
        %get3A_529 = arith.index_cast %mul3A_525 : i32 to index
        %get3A_530 = tpu.vector_load %arg13[%get3A_527, %get3A_528, %get3A_529] {strides = array<i32>} : memref<2x16x1024xf32, #tpu.memory_space<vmem>>, vector<1x1x16xf32>,
        %get3A_531 = vector.shape_cast %get3A_530 : vector<1x1x16xf32> to vector<16xf32>
        %mul3A_532 = arith.mulf %get3A_299, %get3A_531 : vector<16xf32>
        %add3A_533 = arith.addf %mul3A_523, %mul3A_532 : vector<16xf32>
        %mul3A_534 = arith.constant 16 : i32
        %mul3A_535 = arith.muli %scan3A_514, %mul3A_534 : i32
        %swap3A_536 = arith.constant 0 : i32
        %swap3A_537 = arith.index_cast %swap3A_536 : i32 to index
        %swap3A_538 = arith.index_cast %scan3A_287 : i32 to index
        %swap3A_539 = arith.index_cast %mul3A_535 : i32 to index
        %swap3A_540 = tpu.vector_load %arg12[%swap3A_537, %swap3A_538, %swap3A_539] {strides = array<i32>} : memref<2x16x1024xf32, #tpu.memory_space<vmem>>, vector<1x1x16xf32>,
        %swap3A_541 = vector.shape_cast %swap3A_540 : vector<1x1x16xf32> to vector<16xf32>
        %swap3A_542 = vector.shape_cast %add3A_533 : vector<16xf32> to vector<1x1x16xf32>
        tpu.vector_store %arg12[%swap3A_537, %swap3A_538, %swap3A_539], %swap3A_542 {strides = array<i32>} : memref<2x16x1024xf32, #tpu.memory_space<vmem>>, vector<1x1x16xf32>,
      }
      %scan3A_304 = arith.constant 64 : i32
    }
    %scan3A_208 = arith.constant 16 : i32
    %add3A_209 = arith.constant 32 : i32
    %add3A_210 = arith.addi %mul3A_2, %add3A_209 : i32
    %dma_start3A_211 = arith.constant 0 : i32
    %dma_start3A_212 = arith.constant 0 : i32
    %dma_start3A_213 = arith.constant 0 : i32
    %dma_start3A_214 = tpu.memref_slice %arg12[%dma_start3A_211, %dma_start3A_212, %dma_start3A_213] : memref<2x16x1024xf32, #tpu.memory_space<vmem>> -> memref<1x16x1024xf32, #tpu.memory_space<vmem>>
    %dma_start3A_215 = tpu.memref_squeeze %dma_start3A_214 : memref<1x16x1024xf32, #tpu.memory_space<vmem>> -> memref<16x1024xf32, #tpu.memory_space<vmem>>
    %dma_start3A_216 = arith.constant 0 : i32
    %dma_start3A_217 = tpu.memref_slice %arg7[%add3A_210, %dma_start3A_216] : memref<2048x1024xf32, #tpu.memory_space<hbm>> -> memref<16x1024xf32, #tpu.memory_space<hbm>>
    %dma_start3A_218 = arith.constant 0 : i32
    %dma_start3A_219 = tpu.memref_slice %arg7[%add3A_210, %dma_start3A_218] : memref<2048x1024xf32, #tpu.memory_space<hbm>> -> memref<16x1024xf32, #tpu.memory_space<hbm>>
    %dma_start3A_220 = arith.constant 0 : i32
    %dma_start3A_221 = arith.constant 0 : i32
    %dma_start3A_222 = tpu.memref_slice %arg12[%dma_start3A_211, %dma_start3A_220, %dma_start3A_221] : memref<2x16x1024xf32, #tpu.memory_space<vmem>> -> memref<1x16x1024xf32, #tpu.memory_space<vmem>>
    %dma_start3A_223 = tpu.memref_squeeze %dma_start3A_222 : memref<1x16x1024xf32, #tpu.memory_space<vmem>> -> memref<16x1024xf32, #tpu.memory_space<vmem>>
    tpu.enqueue_dma source(%dma_start3A_223 : memref<16x1024xf32, #tpu.memory_space<vmem>>) target(%dma_start3A_219 : memref<16x1024xf32, #tpu.memory_space<hbm>>) target_semaphore(%arg15 : memref<!tpu.dma_semaphore, #tpu.memory_space<semaphore_mem>>)
    %dma_wait3A_224 = arith.constant 1 : i32
    %dma_wait3A_225 = arith.constant 0 : i32
    %dma_wait3A_226 = arith.constant 0 : i32
    %dma_wait3A_227 = tpu.memref_slice %arg12[%dma_wait3A_224, %dma_wait3A_225, %dma_wait3A_226] : memref<2x16x1024xf32, #tpu.memory_space<vmem>> -> memref<1x16x1024xf32, #tpu.memory_space<vmem>>
    %dma_wait3A_228 = tpu.memref_squeeze %dma_wait3A_227 : memref<1x16x1024xf32, #tpu.memory_space<vmem>> -> memref<16x1024xf32, #tpu.memory_space<vmem>>
    %dma_wait3A_229 = arith.constant 0 : i32
    %dma_wait3A_230 = arith.constant 0 : i32
    %dma_wait3A_231 = tpu.memref_slice %arg2[%dma_wait3A_229, %dma_wait3A_230] : memref<5888x1024xf32, #tpu.memory_space<hbm>> -> memref<5888x1024xf32, #tpu.memory_space<hbm>>
    tpu.wait_indirect_dma semaphore(%arg14 : memref<!tpu.dma_semaphore, #tpu.memory_space<semaphore_mem>>) src(%dma_wait3A_231 : memref<5888x1024xf32, #tpu.memory_space<hbm>>) dst(%dma_wait3A_228 : memref<16x1024xf32, #tpu.memory_space<vmem>>)
    %dma_wait3A_232 = arith.constant 1 : i32
    %dma_wait3A_233 = arith.constant 0 : i32
    %dma_wait3A_234 = arith.constant 0 : i32
    %dma_wait3A_235 = tpu.memref_slice %arg13[%dma_wait3A_232, %dma_wait3A_233, %dma_wait3A_234] : memref<2x16x1024xf32, #tpu.memory_space<vmem>> -> memref<1x16x1024xf32, #tpu.memory_space<vmem>>
    %dma_wait3A_236 = tpu.memref_squeeze %dma_wait3A_235 : memref<1x16x1024xf32, #tpu.memory_space<vmem>> -> memref<16x1024xf32, #tpu.memory_space<vmem>>
    %dma_wait3A_237 = arith.constant 0 : i32
    %dma_wait3A_238 = arith.constant 0 : i32
    %dma_wait3A_239 = tpu.memref_slice %arg2[%dma_wait3A_237, %dma_wait3A_238] : memref<5888x1024xf32, #tpu.memory_space<hbm>> -> memref<5888x1024xf32, #tpu.memory_space<hbm>>
    tpu.wait_indirect_dma semaphore(%arg14 : memref<!tpu.dma_semaphore, #tpu.memory_space<semaphore_mem>>) src(%dma_wait3A_239 : memref<5888x1024xf32, #tpu.memory_space<hbm>>) dst(%dma_wait3A_236 : memref<16x1024xf32, #tpu.memory_space<vmem>>)
    %scan3A_240 = arith.constant 0 : i32
    %scan3A_241 = arith.constant 0 : i32
    %scan3A_242 = arith.constant 16 : i32
    %scan3A_243 = arith.addi %scan3A_241, %scan3A_242 : i32
    %scan3A_244 = arith.constant 1 : i32
    scf.for %scan3A_287 = %scan3A_241 to %scan3A_243 step %scan3A_244  : i32 {
      %add3A_288 = arith.constant 48 : i32
      %add3A_289 = arith.addi %add3A_288, %scan3A_287 : i32
      %get3A_290 = arith.index_cast %add3A_289 : i32 to index
      %get3A_291 = arith.constant 0 : index
      %get3A_292 = tpu.vector_load %arg10[%get3A_290, %get3A_291] {strides = array<i32>} : memref<64x16xf32, #tpu.memory_space<vmem>>, vector<1x16xf32>,
      %get3A_293 = vector.shape_cast %get3A_292 : vector<1x16xf32> to vector<16xf32>
      %add3A_294 = arith.constant 48 : i32
      %add3A_295 = arith.addi %add3A_294, %scan3A_287 : i32
      %get3A_296 = arith.index_cast %add3A_295 : i32 to index
      %get3A_297 = arith.constant 0 : index
      %get3A_298 = tpu.vector_load %arg11[%get3A_296, %get3A_297] {strides = array<i32>} : memref<64x16xf32, #tpu.memory_space<vmem>>, vector<1x16xf32>,
      %get3A_299 = vector.shape_cast %get3A_298 : vector<1x16xf32> to vector<16xf32>
      %scan3A_300 = arith.constant 0 : i32
      %scan3A_301 = arith.constant 64 : i32
      %scan3A_302 = arith.addi %scan3A_300, %scan3A_301 : i32
      %scan3A_303 = arith.constant 8 : i32
      scf.for %scan3A_305 = %scan3A_300 to %scan3A_302 step %scan3A_303  : i32 {
        %mul3A_306 = arith.constant 16 : i32
        %mul3A_307 = arith.muli %scan3A_305, %mul3A_306 : i32
        %get3A_308 = arith.constant 1 : i32
        %get3A_309 = arith.index_cast %get3A_308 : i32 to index
        %get3A_310 = arith.index_cast %scan3A_287 : i32 to index
        %get3A_311 = arith.index_cast %mul3A_307 : i32 to index
        %get3A_312 = tpu.vector_load %arg12[%get3A_309, %get3A_310, %get3A_311] {strides = array<i32>} : memref<2x16x1024xf32, #tpu.memory_space<vmem>>, vector<1x1x16xf32>,
        %get3A_313 = vector.shape_cast %get3A_312 : vector<1x1x16xf32> to vector<16xf32>
        %mul3A_314 = arith.mulf %get3A_293, %get3A_313 : vector<16xf32>
        %mul3A_315 = arith.constant 16 : i32
        %mul3A_316 = arith.muli %scan3A_305, %mul3A_315 : i32
        %get3A_317 = arith.constant 1 : i32
        %get3A_318 = arith.index_cast %get3A_317 : i32 to index
        %get3A_319 = arith.index_cast %scan3A_287 : i32 to index
        %get3A_320 = arith.index_cast %mul3A_316 : i32 to index
        %get3A_321 = tpu.vector_load %arg13[%get3A_318, %get3A_319, %get3A_320] {strides = array<i32>} : memref<2x16x1024xf32, #tpu.memory_space<vmem>>, vector<1x1x16xf32>,
        %get3A_322 = vector.shape_cast %get3A_321 : vector<1x1x16xf32> to vector<16xf32>
        %mul3A_323 = arith.mulf %get3A_299, %get3A_322 : vector<16xf32>
        %add3A_324 = arith.addf %mul3A_314, %mul3A_323 : vector<16xf32>
        %mul3A_325 = arith.constant 16 : i32
        %mul3A_326 = arith.muli %scan3A_305, %mul3A_325 : i32
        %swap3A = arith.constant 1 : i32
        %swap3A_327 = arith.index_cast %swap3A : i32 to index
        %swap3A_328 = arith.index_cast %scan3A_287 : i32 to index
        %swap3A_329 = arith.index_cast %mul3A_326 : i32 to index
        %swap3A_330 = tpu.vector_load %arg12[%swap3A_327, %swap3A_328, %swap3A_329] {strides = array<i32>} : memref<2x16x1024xf32, #tpu.memory_space<vmem>>, vector<1x1x16xf32>,
        %swap3A_331 = vector.shape_cast %swap3A_330 : vector<1x1x16xf32> to vector<16xf32>
        %swap3A_332 = vector.shape_cast %add3A_324 : vector<16xf32> to vector<1x1x16xf32>
        tpu.vector_store %arg12[%swap3A_327, %swap3A_328, %swap3A_329], %swap3A_332 {strides = array<i32>} : memref<2x16x1024xf32, #tpu.memory_space<vmem>>, vector<1x1x16xf32>,
        %scan3A_333 = arith.constant 1 : i32
        %scan3A_334 = arith.addi %scan3A_305, %scan3A_333 : i32
        %mul3A_335 = arith.constant 16 : i32
        %mul3A_336 = arith.muli %scan3A_334, %mul3A_335 : i32
        %get3A_337 = arith.constant 1 : i32
        %get3A_338 = arith.index_cast %get3A_337 : i32 to index
        %get3A_339 = arith.index_cast %scan3A_287 : i32 to index
        %get3A_340 = arith.index_cast %mul3A_336 : i32 to index
        %get3A_341 = tpu.vector_load %arg12[%get3A_338, %get3A_339, %get3A_340] {strides = array<i32>} : memref<2x16x1024xf32, #tpu.memory_space<vmem>>, vector<1x1x16xf32>,
        %get3A_342 = vector.shape_cast %get3A_341 : vector<1x1x16xf32> to vector<16xf32>
        %mul3A_343 = arith.mulf %get3A_293, %get3A_342 : vector<16xf32>
        %mul3A_344 = arith.constant 16 : i32
        %mul3A_345 = arith.muli %scan3A_334, %mul3A_344 : i32
        %get3A_346 = arith.constant 1 : i32
        %get3A_347 = arith.index_cast %get3A_346 : i32 to index
        %get3A_348 = arith.index_cast %scan3A_287 : i32 to index
        %get3A_349 = arith.index_cast %mul3A_345 : i32 to index
        %get3A_350 = tpu.vector_load %arg13[%get3A_347, %get3A_348, %get3A_349] {strides = array<i32>} : memref<2x16x1024xf32, #tpu.memory_space<vmem>>, vector<1x1x16xf32>,
        %get3A_351 = vector.shape_cast %get3A_350 : vector<1x1x16xf32> to vector<16xf32>
        %mul3A_352 = arith.mulf %get3A_299, %get3A_351 : vector<16xf32>
        %add3A_353 = arith.addf %mul3A_343, %mul3A_352 : vector<16xf32>
        %mul3A_354 = arith.constant 16 : i32
        %mul3A_355 = arith.muli %scan3A_334, %mul3A_354 : i32
        %swap3A_356 = arith.constant 1 : i32
        %swap3A_357 = arith.index_cast %swap3A_356 : i32 to index
        %swap3A_358 = arith.index_cast %scan3A_287 : i32 to index
        %swap3A_359 = arith.index_cast %mul3A_355 : i32 to index
        %swap3A_360 = tpu.vector_load %arg12[%swap3A_357, %swap3A_358, %swap3A_359] {strides = array<i32>} : memref<2x16x1024xf32, #tpu.memory_space<vmem>>, vector<1x1x16xf32>,
        %swap3A_361 = vector.shape_cast %swap3A_360 : vector<1x1x16xf32> to vector<16xf32>
        %swap3A_362 = vector.shape_cast %add3A_353 : vector<16xf32> to vector<1x1x16xf32>
        tpu.vector_store %arg12[%swap3A_357, %swap3A_358, %swap3A_359], %swap3A_362 {strides = array<i32>} : memref<2x16x1024xf32, #tpu.memory_space<vmem>>, vector<1x1x16xf32>,
        %scan3A_363 = arith.constant 2 : i32
        %scan3A_364 = arith.addi %scan3A_305, %scan3A_363 : i32
        %mul3A_365 = arith.constant 16 : i32
        %mul3A_366 = arith.muli %scan3A_364, %mul3A_365 : i32
        %get3A_367 = arith.constant 1 : i32
        %get3A_368 = arith.index_cast %get3A_367 : i32 to index
        %get3A_369 = arith.index_cast %scan3A_287 : i32 to index
        %get3A_370 = arith.index_cast %mul3A_366 : i32 to index
        %get3A_371 = tpu.vector_load %arg12[%get3A_368, %get3A_369, %get3A_370] {strides = array<i32>} : memref<2x16x1024xf32, #tpu.memory_space<vmem>>, vector<1x1x16xf32>,
        %get3A_372 = vector.shape_cast %get3A_371 : vector<1x1x16xf32> to vector<16xf32>
        %mul3A_373 = arith.mulf %get3A_293, %get3A_372 : vector<16xf32>
        %mul3A_374 = arith.constant 16 : i32
        %mul3A_375 = arith.muli %scan3A_364, %mul3A_374 : i32
        %get3A_376 = arith.constant 1 : i32
        %get3A_377 = arith.index_cast %get3A_376 : i32 to index
        %get3A_378 = arith.index_cast %scan3A_287 : i32 to index
        %get3A_379 = arith.index_cast %mul3A_375 : i32 to index
        %get3A_380 = tpu.vector_load %arg13[%get3A_377, %get3A_378, %get3A_379] {strides = array<i32>} : memref<2x16x1024xf32, #tpu.memory_space<vmem>>, vector<1x1x16xf32>,
        %get3A_381 = vector.shape_cast %get3A_380 : vector<1x1x16xf32> to vector<16xf32>
        %mul3A_382 = arith.mulf %get3A_299, %get3A_381 : vector<16xf32>
        %add3A_383 = arith.addf %mul3A_373, %mul3A_382 : vector<16xf32>
        %mul3A_384 = arith.constant 16 : i32
        %mul3A_385 = arith.muli %scan3A_364, %mul3A_384 : i32
        %swap3A_386 = arith.constant 1 : i32
        %swap3A_387 = arith.index_cast %swap3A_386 : i32 to index
        %swap3A_388 = arith.index_cast %scan3A_287 : i32 to index
        %swap3A_389 = arith.index_cast %mul3A_385 : i32 to index
        %swap3A_390 = tpu.vector_load %arg12[%swap3A_387, %swap3A_388, %swap3A_389] {strides = array<i32>} : memref<2x16x1024xf32, #tpu.memory_space<vmem>>, vector<1x1x16xf32>,
        %swap3A_391 = vector.shape_cast %swap3A_390 : vector<1x1x16xf32> to vector<16xf32>
        %swap3A_392 = vector.shape_cast %add3A_383 : vector<16xf32> to vector<1x1x16xf32>
        tpu.vector_store %arg12[%swap3A_387, %swap3A_388, %swap3A_389], %swap3A_392 {strides = array<i32>} : memref<2x16x1024xf32, #tpu.memory_space<vmem>>, vector<1x1x16xf32>,
        %scan3A_393 = arith.constant 3 : i32
        %scan3A_394 = arith.addi %scan3A_305, %scan3A_393 : i32
        %mul3A_395 = arith.constant 16 : i32
        %mul3A_396 = arith.muli %scan3A_394, %mul3A_395 : i32
        %get3A_397 = arith.constant 1 : i32
        %get3A_398 = arith.index_cast %get3A_397 : i32 to index
        %get3A_399 = arith.index_cast %scan3A_287 : i32 to index
        %get3A_400 = arith.index_cast %mul3A_396 : i32 to index
        %get3A_401 = tpu.vector_load %arg12[%get3A_398, %get3A_399, %get3A_400] {strides = array<i32>} : memref<2x16x1024xf32, #tpu.memory_space<vmem>>, vector<1x1x16xf32>,
        %get3A_402 = vector.shape_cast %get3A_401 : vector<1x1x16xf32> to vector<16xf32>
        %mul3A_403 = arith.mulf %get3A_293, %get3A_402 : vector<16xf32>
        %mul3A_404 = arith.constant 16 : i32
        %mul3A_405 = arith.muli %scan3A_394, %mul3A_404 : i32
        %get3A_406 = arith.constant 1 : i32
        %get3A_407 = arith.index_cast %get3A_406 : i32 to index
        %get3A_408 = arith.index_cast %scan3A_287 : i32 to index
        %get3A_409 = arith.index_cast %mul3A_405 : i32 to index
        %get3A_410 = tpu.vector_load %arg13[%get3A_407, %get3A_408, %get3A_409] {strides = array<i32>} : memref<2x16x1024xf32, #tpu.memory_space<vmem>>, vector<1x1x16xf32>,
        %get3A_411 = vector.shape_cast %get3A_410 : vector<1x1x16xf32> to vector<16xf32>
        %mul3A_412 = arith.mulf %get3A_299, %get3A_411 : vector<16xf32>
        %add3A_413 = arith.addf %mul3A_403, %mul3A_412 : vector<16xf32>
        %mul3A_414 = arith.constant 16 : i32
        %mul3A_415 = arith.muli %scan3A_394, %mul3A_414 : i32
        %swap3A_416 = arith.constant 1 : i32
        %swap3A_417 = arith.index_cast %swap3A_416 : i32 to index
        %swap3A_418 = arith.index_cast %scan3A_287 : i32 to index
        %swap3A_419 = arith.index_cast %mul3A_415 : i32 to index
        %swap3A_420 = tpu.vector_load %arg12[%swap3A_417, %swap3A_418, %swap3A_419] {strides = array<i32>} : memref<2x16x1024xf32, #tpu.memory_space<vmem>>, vector<1x1x16xf32>,
        %swap3A_421 = vector.shape_cast %swap3A_420 : vector<1x1x16xf32> to vector<16xf32>
        %swap3A_422 = vector.shape_cast %add3A_413 : vector<16xf32> to vector<1x1x16xf32>
        tpu.vector_store %arg12[%swap3A_417, %swap3A_418, %swap3A_419], %swap3A_422 {strides = array<i32>} : memref<2x16x1024xf32, #tpu.memory_space<vmem>>, vector<1x1x16xf32>,
        %scan3A_423 = arith.constant 4 : i32
        %scan3A_424 = arith.addi %scan3A_305, %scan3A_423 : i32
        %mul3A_425 = arith.constant 16 : i32
        %mul3A_426 = arith.muli %scan3A_424, %mul3A_425 : i32
        %get3A_427 = arith.constant 1 : i32
        %get3A_428 = arith.index_cast %get3A_427 : i32 to index
        %get3A_429 = arith.index_cast %scan3A_287 : i32 to index
        %get3A_430 = arith.index_cast %mul3A_426 : i32 to index
        %get3A_431 = tpu.vector_load %arg12[%get3A_428, %get3A_429, %get3A_430] {strides = array<i32>} : memref<2x16x1024xf32, #tpu.memory_space<vmem>>, vector<1x1x16xf32>,
        %get3A_432 = vector.shape_cast %get3A_431 : vector<1x1x16xf32> to vector<16xf32>
        %mul3A_433 = arith.mulf %get3A_293, %get3A_432 : vector<16xf32>
        %mul3A_434 = arith.constant 16 : i32
        %mul3A_435 = arith.muli %scan3A_424, %mul3A_434 : i32
        %get3A_436 = arith.constant 1 : i32
        %get3A_437 = arith.index_cast %get3A_436 : i32 to index
        %get3A_438 = arith.index_cast %scan3A_287 : i32 to index
        %get3A_439 = arith.index_cast %mul3A_435 : i32 to index
        %get3A_440 = tpu.vector_load %arg13[%get3A_437, %get3A_438, %get3A_439] {strides = array<i32>} : memref<2x16x1024xf32, #tpu.memory_space<vmem>>, vector<1x1x16xf32>,
        %get3A_441 = vector.shape_cast %get3A_440 : vector<1x1x16xf32> to vector<16xf32>
        %mul3A_442 = arith.mulf %get3A_299, %get3A_441 : vector<16xf32>
        %add3A_443 = arith.addf %mul3A_433, %mul3A_442 : vector<16xf32>
        %mul3A_444 = arith.constant 16 : i32
        %mul3A_445 = arith.muli %scan3A_424, %mul3A_444 : i32
        %swap3A_446 = arith.constant 1 : i32
        %swap3A_447 = arith.index_cast %swap3A_446 : i32 to index
        %swap3A_448 = arith.index_cast %scan3A_287 : i32 to index
        %swap3A_449 = arith.index_cast %mul3A_445 : i32 to index
        %swap3A_450 = tpu.vector_load %arg12[%swap3A_447, %swap3A_448, %swap3A_449] {strides = array<i32>} : memref<2x16x1024xf32, #tpu.memory_space<vmem>>, vector<1x1x16xf32>,
        %swap3A_451 = vector.shape_cast %swap3A_450 : vector<1x1x16xf32> to vector<16xf32>
        %swap3A_452 = vector.shape_cast %add3A_443 : vector<16xf32> to vector<1x1x16xf32>
        tpu.vector_store %arg12[%swap3A_447, %swap3A_448, %swap3A_449], %swap3A_452 {strides = array<i32>} : memref<2x16x1024xf32, #tpu.memory_space<vmem>>, vector<1x1x16xf32>,
        %scan3A_453 = arith.constant 5 : i32
        %scan3A_454 = arith.addi %scan3A_305, %scan3A_453 : i32
        %mul3A_455 = arith.constant 16 : i32
        %mul3A_456 = arith.muli %scan3A_454, %mul3A_455 : i32
        %get3A_457 = arith.constant 1 : i32
        %get3A_458 = arith.index_cast %get3A_457 : i32 to index
        %get3A_459 = arith.index_cast %scan3A_287 : i32 to index
        %get3A_460 = arith.index_cast %mul3A_456 : i32 to index
        %get3A_461 = tpu.vector_load %arg12[%get3A_458, %get3A_459, %get3A_460] {strides = array<i32>} : memref<2x16x1024xf32, #tpu.memory_space<vmem>>, vector<1x1x16xf32>,
        %get3A_462 = vector.shape_cast %get3A_461 : vector<1x1x16xf32> to vector<16xf32>
        %mul3A_463 = arith.mulf %get3A_293, %get3A_462 : vector<16xf32>
        %mul3A_464 = arith.constant 16 : i32
        %mul3A_465 = arith.muli %scan3A_454, %mul3A_464 : i32
        %get3A_466 = arith.constant 1 : i32
        %get3A_467 = arith.index_cast %get3A_466 : i32 to index
        %get3A_468 = arith.index_cast %scan3A_287 : i32 to index
        %get3A_469 = arith.index_cast %mul3A_465 : i32 to index
        %get3A_470 = tpu.vector_load %arg13[%get3A_467, %get3A_468, %get3A_469] {strides = array<i32>} : memref<2x16x1024xf32, #tpu.memory_space<vmem>>, vector<1x1x16xf32>,
        %get3A_471 = vector.shape_cast %get3A_470 : vector<1x1x16xf32> to vector<16xf32>
        %mul3A_472 = arith.mulf %get3A_299, %get3A_471 : vector<16xf32>
        %add3A_473 = arith.addf %mul3A_463, %mul3A_472 : vector<16xf32>
        %mul3A_474 = arith.constant 16 : i32
        %mul3A_475 = arith.muli %scan3A_454, %mul3A_474 : i32
        %swap3A_476 = arith.constant 1 : i32
        %swap3A_477 = arith.index_cast %swap3A_476 : i32 to index
        %swap3A_478 = arith.index_cast %scan3A_287 : i32 to index
        %swap3A_479 = arith.index_cast %mul3A_475 : i32 to index
        %swap3A_480 = tpu.vector_load %arg12[%swap3A_477, %swap3A_478, %swap3A_479] {strides = array<i32>} : memref<2x16x1024xf32, #tpu.memory_space<vmem>>, vector<1x1x16xf32>,
        %swap3A_481 = vector.shape_cast %swap3A_480 : vector<1x1x16xf32> to vector<16xf32>
        %swap3A_482 = vector.shape_cast %add3A_473 : vector<16xf32> to vector<1x1x16xf32>
        tpu.vector_store %arg12[%swap3A_477, %swap3A_478, %swap3A_479], %swap3A_482 {strides = array<i32>} : memref<2x16x1024xf32, #tpu.memory_space<vmem>>, vector<1x1x16xf32>,
        %scan3A_483 = arith.constant 6 : i32
        %scan3A_484 = arith.addi %scan3A_305, %scan3A_483 : i32
        %mul3A_485 = arith.constant 16 : i32
        %mul3A_486 = arith.muli %scan3A_484, %mul3A_485 : i32
        %get3A_487 = arith.constant 1 : i32
        %get3A_488 = arith.index_cast %get3A_487 : i32 to index
        %get3A_489 = arith.index_cast %scan3A_287 : i32 to index
        %get3A_490 = arith.index_cast %mul3A_486 : i32 to index
        %get3A_491 = tpu.vector_load %arg12[%get3A_488, %get3A_489, %get3A_490] {strides = array<i32>} : memref<2x16x1024xf32, #tpu.memory_space<vmem>>, vector<1x1x16xf32>,
        %get3A_492 = vector.shape_cast %get3A_491 : vector<1x1x16xf32> to vector<16xf32>
        %mul3A_493 = arith.mulf %get3A_293, %get3A_492 : vector<16xf32>
        %mul3A_494 = arith.constant 16 : i32
        %mul3A_495 = arith.muli %scan3A_484, %mul3A_494 : i32
        %get3A_496 = arith.constant 1 : i32
        %get3A_497 = arith.index_cast %get3A_496 : i32 to index
        %get3A_498 = arith.index_cast %scan3A_287 : i32 to index
        %get3A_499 = arith.index_cast %mul3A_495 : i32 to index
        %get3A_500 = tpu.vector_load %arg13[%get3A_497, %get3A_498, %get3A_499] {strides = array<i32>} : memref<2x16x1024xf32, #tpu.memory_space<vmem>>, vector<1x1x16xf32>,
        %get3A_501 = vector.shape_cast %get3A_500 : vector<1x1x16xf32> to vector<16xf32>
        %mul3A_502 = arith.mulf %get3A_299, %get3A_501 : vector<16xf32>
        %add3A_503 = arith.addf %mul3A_493, %mul3A_502 : vector<16xf32>
        %mul3A_504 = arith.constant 16 : i32
        %mul3A_505 = arith.muli %scan3A_484, %mul3A_504 : i32
        %swap3A_506 = arith.constant 1 : i32
        %swap3A_507 = arith.index_cast %swap3A_506 : i32 to index
        %swap3A_508 = arith.index_cast %scan3A_287 : i32 to index
        %swap3A_509 = arith.index_cast %mul3A_505 : i32 to index
        %swap3A_510 = tpu.vector_load %arg12[%swap3A_507, %swap3A_508, %swap3A_509] {strides = array<i32>} : memref<2x16x1024xf32, #tpu.memory_space<vmem>>, vector<1x1x16xf32>,
        %swap3A_511 = vector.shape_cast %swap3A_510 : vector<1x1x16xf32> to vector<16xf32>
        %swap3A_512 = vector.shape_cast %add3A_503 : vector<16xf32> to vector<1x1x16xf32>
        tpu.vector_store %arg12[%swap3A_507, %swap3A_508, %swap3A_509], %swap3A_512 {strides = array<i32>} : memref<2x16x1024xf32, #tpu.memory_space<vmem>>, vector<1x1x16xf32>,
        %scan3A_513 = arith.constant 7 : i32
        %scan3A_514 = arith.addi %scan3A_305, %scan3A_513 : i32
        %mul3A_515 = arith.constant 16 : i32
        %mul3A_516 = arith.muli %scan3A_514, %mul3A_515 : i32
        %get3A_517 = arith.constant 1 : i32
        %get3A_518 = arith.index_cast %get3A_517 : i32 to index
        %get3A_519 = arith.index_cast %scan3A_287 : i32 to index
        %get3A_520 = arith.index_cast %mul3A_516 : i32 to index
        %get3A_521 = tpu.vector_load %arg12[%get3A_518, %get3A_519, %get3A_520] {strides = array<i32>} : memref<2x16x1024xf32, #tpu.memory_space<vmem>>, vector<1x1x16xf32>,
        %get3A_522 = vector.shape_cast %get3A_521 : vector<1x1x16xf32> to vector<16xf32>
        %mul3A_523 = arith.mulf %get3A_293, %get3A_522 : vector<16xf32>
        %mul3A_524 = arith.constant 16 : i32
        %mul3A_525 = arith.muli %scan3A_514, %mul3A_524 : i32
        %get3A_526 = arith.constant 1 : i32
        %get3A_527 = arith.index_cast %get3A_526 : i32 to index
        %get3A_528 = arith.index_cast %scan3A_287 : i32 to index
        %get3A_529 = arith.index_cast %mul3A_525 : i32 to index
        %get3A_530 = tpu.vector_load %arg13[%get3A_527, %get3A_528, %get3A_529] {strides = array<i32>} : memref<2x16x1024xf32, #tpu.memory_space<vmem>>, vector<1x1x16xf32>,
        %get3A_531 = vector.shape_cast %get3A_530 : vector<1x1x16xf32> to vector<16xf32>
        %mul3A_532 = arith.mulf %get3A_299, %get3A_531 : vector<16xf32>
        %add3A_533 = arith.addf %mul3A_523, %mul3A_532 : vector<16xf32>
        %mul3A_534 = arith.constant 16 : i32
        %mul3A_535 = arith.muli %scan3A_514, %mul3A_534 : i32
        %swap3A_536 = arith.constant 1 : i32
        %swap3A_537 = arith.index_cast %swap3A_536 : i32 to index
        %swap3A_538 = arith.index_cast %scan3A_287 : i32 to index
        %swap3A_539 = arith.index_cast %mul3A_535 : i32 to index
        %swap3A_540 = tpu.vector_load %arg12[%swap3A_537, %swap3A_538, %swap3A_539] {strides = array<i32>} : memref<2x16x1024xf32, #tpu.memory_space<vmem>>, vector<1x1x16xf32>,
        %swap3A_541 = vector.shape_cast %swap3A_540 : vector<1x1x16xf32> to vector<16xf32>
        %swap3A_542 = vector.shape_cast %add3A_533 : vector<16xf32> to vector<1x1x16xf32>
        tpu.vector_store %arg12[%swap3A_537, %swap3A_538, %swap3A_539], %swap3A_542 {strides = array<i32>} : memref<2x16x1024xf32, #tpu.memory_space<vmem>>, vector<1x1x16xf32>,
      }
      %scan3A_304 = arith.constant 64 : i32
    }
    %scan3A_245 = arith.constant 16 : i32
    %add3A_246 = arith.constant 48 : i32
    %add3A_247 = arith.addi %mul3A_2, %add3A_246 : i32
    %dma_start3A_248 = arith.constant 1 : i32
    %dma_start3A_249 = arith.constant 0 : i32
    %dma_start3A_250 = arith.constant 0 : i32
    %dma_start3A_251 = tpu.memref_slice %arg12[%dma_start3A_248, %dma_start3A_249, %dma_start3A_250] : memref<2x16x1024xf32, #tpu.memory_space<vmem>> -> memref<1x16x1024xf32, #tpu.memory_space<vmem>>
    %dma_start3A_252 = tpu.memref_squeeze %dma_start3A_251 : memref<1x16x1024xf32, #tpu.memory_space<vmem>> -> memref<16x1024xf32, #tpu.memory_space<vmem>>
    %dma_start3A_253 = arith.constant 0 : i32
    %dma_start3A_254 = tpu.memref_slice %arg7[%add3A_247, %dma_start3A_253] : memref<2048x1024xf32, #tpu.memory_space<hbm>> -> memref<16x1024xf32, #tpu.memory_space<hbm>>
    %dma_start3A_255 = arith.constant 0 : i32
    %dma_start3A_256 = tpu.memref_slice %arg7[%add3A_247, %dma_start3A_255] : memref<2048x1024xf32, #tpu.memory_space<hbm>> -> memref<16x1024xf32, #tpu.memory_space<hbm>>
    %dma_start3A_257 = arith.constant 0 : i32
    %dma_start3A_258 = arith.constant 0 : i32
    %dma_start3A_259 = tpu.memref_slice %arg12[%dma_start3A_248, %dma_start3A_257, %dma_start3A_258] : memref<2x16x1024xf32, #tpu.memory_space<vmem>> -> memref<1x16x1024xf32, #tpu.memory_space<vmem>>
    %dma_start3A_260 = tpu.memref_squeeze %dma_start3A_259 : memref<1x16x1024xf32, #tpu.memory_space<vmem>> -> memref<16x1024xf32, #tpu.memory_space<vmem>>
    tpu.enqueue_dma source(%dma_start3A_260 : memref<16x1024xf32, #tpu.memory_space<vmem>>) target(%dma_start3A_256 : memref<16x1024xf32, #tpu.memory_space<hbm>>) target_semaphore(%arg15 : memref<!tpu.dma_semaphore, #tpu.memory_space<semaphore_mem>>)
    %dma_wait3A_261 = arith.constant 0 : i32
    %dma_wait3A_262 = arith.constant 0 : i32
    %dma_wait3A_263 = arith.constant 0 : i32
    %dma_wait3A_264 = tpu.memref_slice %arg12[%dma_wait3A_261, %dma_wait3A_262, %dma_wait3A_263] : memref<2x16x1024xf32, #tpu.memory_space<vmem>> -> memref<1x16x1024xf32, #tpu.memory_space<vmem>>
    %dma_wait3A_265 = tpu.memref_squeeze %dma_wait3A_264 : memref<1x16x1024xf32, #tpu.memory_space<vmem>> -> memref<16x1024xf32, #tpu.memory_space<vmem>>
    %dma_wait3A_266 = arith.constant 0 : i32
    %dma_wait3A_267 = tpu.memref_slice %arg7[%add3A_210, %dma_wait3A_266] : memref<2048x1024xf32, #tpu.memory_space<hbm>> -> memref<16x1024xf32, #tpu.memory_space<hbm>>
    %dma_wait3A_268 = arith.constant 0 : i32
    %dma_wait3A_269 = tpu.memref_slice %arg7[%add3A_210, %dma_wait3A_268] : memref<2048x1024xf32, #tpu.memory_space<hbm>> -> memref<16x1024xf32, #tpu.memory_space<hbm>>
    %dma_wait3A_270 = arith.constant 0 : i32
    %dma_wait3A_271 = arith.constant 0 : i32
    %dma_wait3A_272 = tpu.memref_slice %arg12[%dma_wait3A_261, %dma_wait3A_270, %dma_wait3A_271] : memref<2x16x1024xf32, #tpu.memory_space<vmem>> -> memref<1x16x1024xf32, #tpu.memory_space<vmem>>
    %dma_wait3A_273 = tpu.memref_squeeze %dma_wait3A_272 : memref<1x16x1024xf32, #tpu.memory_space<vmem>> -> memref<16x1024xf32, #tpu.memory_space<vmem>>
    tpu.wait_dma2 semaphore(%arg15 : memref<!tpu.dma_semaphore, #tpu.memory_space<semaphore_mem>>) src(%dma_wait3A_273 : memref<16x1024xf32, #tpu.memory_space<vmem>>) dst(%dma_wait3A_269 : memref<16x1024xf32, #tpu.memory_space<hbm>>)
    %dma_wait3A_274 = arith.constant 1 : i32
    %dma_wait3A_275 = arith.constant 0 : i32
    %dma_wait3A_276 = arith.constant 0 : i32
    %dma_wait3A_277 = tpu.memref_slice %arg12[%dma_wait3A_274, %dma_wait3A_275, %dma_wait3A_276] : memref<2x16x1024xf32, #tpu.memory_space<vmem>> -> memref<1x16x1024xf32, #tpu.memory_space<vmem>>
    %dma_wait3A_278 = tpu.memref_squeeze %dma_wait3A_277 : memref<1x16x1024xf32, #tpu.memory_space<vmem>> -> memref<16x1024xf32, #tpu.memory_space<vmem>>
    %dma_wait3A_279 = arith.constant 0 : i32
    %dma_wait3A_280 = tpu.memref_slice %arg7[%add3A_247, %dma_wait3A_279] : memref<2048x1024xf32, #tpu.memory_space<hbm>> -> memref<16x1024xf32, #tpu.memory_space<hbm>>
    %dma_wait3A_281 = arith.constant 0 : i32
    %dma_wait3A_282 = tpu.memref_slice %arg7[%add3A_247, %dma_wait3A_281] : memref<2048x1024xf32, #tpu.memory_space<hbm>> -> memref<16x1024xf32, #tpu.memory_space<hbm>>
    %dma_wait3A_283 = arith.constant 0 : i32
    %dma_wait3A_284 = arith.constant 0 : i32
    %dma_wait3A_285 = tpu.memref_slice %arg12[%dma_wait3A_274, %dma_wait3A_283, %dma_wait3A_284] : memref<2x16x1024xf32, #tpu.memory_space<vmem>> -> memref<1x16x1024xf32, #tpu.memory_space<vmem>>
    %dma_wait3A_286 = tpu.memref_squeeze %dma_wait3A_285 : memref<1x16x1024xf32, #tpu.memory_space<vmem>> -> memref<16x1024xf32, #tpu.memory_space<vmem>>
    tpu.wait_dma2 semaphore(%arg15 : memref<!tpu.dma_semaphore, #tpu.memory_space<semaphore_mem>>) src(%dma_wait3A_286 : memref<16x1024xf32, #tpu.memory_space<vmem>>) dst(%dma_wait3A_282 : memref<16x1024xf32, #tpu.memory_space<hbm>>)
    return
  }
}

module attributes {stable_mosaic.version = 14 : i64} {
  func.func @_router_body(%arg0: memref<2048x1024xf32, #tpu.memory_space<vmem>>, %arg1: memref<1024x8xf32, #tpu.memory_space<vmem>>, %arg2: memref<2048x1xi32, #tpu.memory_space<vmem>>, %arg3: memref<2048x1xi32, #tpu.memory_space<vmem>>, %arg4: memref<2048x16xf32, #tpu.memory_space<vmem>>, %arg5: memref<2048x16xf32, #tpu.memory_space<vmem>>, %arg6: memref<23x1xi32, #tpu.memory_space<vmem>>, %arg7: memref<2048x8xf32, #tpu.memory_space<vmem>>, %arg8: memref<2048x8xf32, #tpu.memory_space<vmem>>) attributes {dimension_semantics = [], scalar_prefetch = 0 : i64, scratch_operands = 2 : i64, tpu.core_type = #tpu.core_type<tc>} {
    %get3A = arith.constant 0 : index
    %get3A_0 = arith.constant 0 : index
    %get3A_1 = vector.load %arg0[%get3A, %get3A_0] : memref<2048x1024xf32, #tpu.memory_space<vmem>>, vector<2048x1024xf32>
    %get3A_2 = arith.constant 0 : index
    %get3A_3 = arith.constant 0 : index
    %get3A_4 = vector.load %arg1[%get3A_2, %get3A_3] : memref<1024x8xf32, #tpu.memory_space<vmem>>, vector<1024x8xf32>
    %dot_general3A = arith.constant dense<0.000000e+00> : vector<2048x8xf32>
    %dot_general3A_5 = tpu.matmul %get3A_1, %get3A_4, %dot_general3A {dimension_numbers = #tpu.dot_dimension_numbers<[1], [0], [0], [1], [0, 0, 1, 1], [], []>, transpose_lhs_hint = false} : vector<2048x1024xf32>, vector<1024x8xf32>, vector<2048x8xf32> -> vector<2048x8xf32>
    %iota3A = tpu.iota {dimensions = array<i32: 1>} : vector<2048x8xi32>
    %reduce_max3A = arith.constant dense<0xFF800000> : vector<2048xf32>
    %reduce_max3A_6 = vector.multi_reduction <maximumf>, %dot_general3A_5, %reduce_max3A [1] : vector<2048x8xf32> to vector<2048xf32>
    %broadcast_in_dim3A = vector.shape_cast %reduce_max3A_6 : vector<2048xf32> to vector<2048x1xf32>
    %ge3A = vector.broadcast %broadcast_in_dim3A : vector<2048x1xf32> to vector<2048x8xf32>
    %ge3A_7 = arith.cmpf oge, %dot_general3A_5, %ge3A : vector<2048x8xf32>
    %jit3A = arith.constant 8 : i32
    %broadcast_in_dim3A_8 = vector.broadcast %jit3A : i32 to vector<2048x8xi32>
    %select_n3A = arith.select %ge3A_7, %iota3A, %broadcast_in_dim3A_8 : vector<2048x8xi1>, vector<2048x8xi32>
    %reduce_min3A = arith.constant dense<2147483647> : vector<2048xi32>
    %reduce_min3A_9 = vector.multi_reduction <minsi>, %select_n3A, %reduce_min3A [1] : vector<2048x8xi32> to vector<2048xi32>
    %broadcast_in_dim3A_10 = vector.shape_cast %reduce_min3A_9 : vector<2048xi32> to vector<2048x1xi32>
    %eq3A = vector.broadcast %broadcast_in_dim3A_10 : vector<2048x1xi32> to vector<2048x8xi32>
    %eq3A_11 = arith.cmpi eq, %iota3A, %eq3A : vector<2048x8xi32>
    %jit3A_12 = arith.constant -1.000000e+30 : f32
    %broadcast_in_dim3A_13 = vector.broadcast %jit3A_12 : f32 to vector<2048x8xf32>
    %select_n3A_14 = arith.select %eq3A_11, %broadcast_in_dim3A_13, %dot_general3A_5 : vector<2048x8xi1>, vector<2048x8xf32>
    %reduce_max3A_15 = arith.constant dense<0xFF800000> : vector<2048xf32>
    %reduce_max3A_16 = vector.multi_reduction <maximumf>, %select_n3A_14, %reduce_max3A_15 [1] : vector<2048x8xf32> to vector<2048xf32>
    %broadcast_in_dim3A_17 = vector.shape_cast %reduce_max3A_16 : vector<2048xf32> to vector<2048x1xf32>
    %ge3A_18 = vector.broadcast %broadcast_in_dim3A_17 : vector<2048x1xf32> to vector<2048x8xf32>
    %ge3A_19 = arith.cmpf oge, %select_n3A_14, %ge3A_18 : vector<2048x8xf32>
    %jit3A_20 = arith.constant 8 : i32
    %broadcast_in_dim3A_21 = vector.broadcast %jit3A_20 : i32 to vector<2048x8xi32>
    %select_n3A_22 = arith.select %ge3A_19, %iota3A, %broadcast_in_dim3A_21 : vector<2048x8xi1>, vector<2048x8xi32>
    %reduce_min3A_23 = arith.constant dense<2147483647> : vector<2048xi32>
    %reduce_min3A_24 = vector.multi_reduction <minsi>, %select_n3A_22, %reduce_min3A_23 [1] : vector<2048x8xi32> to vector<2048xi32>
    %broadcast_in_dim3A_25 = vector.shape_cast %reduce_min3A_24 : vector<2048xi32> to vector<2048x1xi32>
    %sub3A = arith.subf %broadcast_in_dim3A_17, %broadcast_in_dim3A : vector<2048x1xf32>
    %exp3A = math.exp %sub3A : vector<2048x1xf32>
    %add3A = arith.constant 1.000000e+00 : f32
    %add3A_26 = vector.broadcast %add3A : f32 to vector<2048x1xf32>
    %add3A_27 = arith.addf %add3A_26, %exp3A : vector<2048x1xf32>
    %broadcast_in_dim3A_28 = arith.constant 1.000000e+00 : f32
    %broadcast_in_dim3A_29 = vector.broadcast %broadcast_in_dim3A_28 : f32 to vector<1x16xf32>
    %div3A = arith.constant 1.000000e+00 : f32
    %div3A_30 = vector.broadcast %div3A : f32 to vector<2048x1xf32>
    %div3A_31 = arith.divf %div3A_30, %add3A_27 : vector<2048x1xf32>
    %mul3A = vector.broadcast %div3A_31 : vector<2048x1xf32> to vector<2048x16xf32>
    %mul3A_32 = vector.broadcast %broadcast_in_dim3A_29 : vector<1x16xf32> to vector<2048x16xf32>
    %mul3A_33 = arith.mulf %mul3A, %mul3A_32 : vector<2048x16xf32>
    %swap3A = arith.constant 0 : index
    %swap3A_34 = arith.constant 0 : index
    %swap3A_35 = vector.load %arg4[%swap3A, %swap3A_34] : memref<2048x16xf32, #tpu.memory_space<vmem>>, vector<2048x16xf32>
    tpu.vector_store %arg4[%swap3A, %swap3A_34], %mul3A_33 {strides = array<i32>} : memref<2048x16xf32, #tpu.memory_space<vmem>>, vector<2048x16xf32>,
    %div3A_36 = arith.divf %exp3A, %add3A_27 : vector<2048x1xf32>
    %mul3A_37 = vector.broadcast %div3A_36 : vector<2048x1xf32> to vector<2048x16xf32>
    %mul3A_38 = vector.broadcast %broadcast_in_dim3A_29 : vector<1x16xf32> to vector<2048x16xf32>
    %mul3A_39 = arith.mulf %mul3A_37, %mul3A_38 : vector<2048x16xf32>
    %swap3A_40 = arith.constant 0 : index
    %swap3A_41 = arith.constant 0 : index
    %swap3A_42 = vector.load %arg5[%swap3A_40, %swap3A_41] : memref<2048x16xf32, #tpu.memory_space<vmem>>, vector<2048x16xf32>
    tpu.vector_store %arg5[%swap3A_40, %swap3A_41], %mul3A_39 {strides = array<i32>} : memref<2048x16xf32, #tpu.memory_space<vmem>>, vector<2048x16xf32>,
    %eq3A_43 = vector.broadcast %broadcast_in_dim3A_10 : vector<2048x1xi32> to vector<2048x8xi32>
    %eq3A_44 = arith.cmpi eq, %iota3A, %eq3A_43 : vector<2048x8xi32>
    %convert_element_type3A = arith.extui %eq3A_44 : vector<2048x8xi1> to vector<2048x8xi32>
    %convert_element_type3A_45 = arith.sitofp %convert_element_type3A : vector<2048x8xi32> to vector<2048x8xf32>
    %eq3A_46 = vector.broadcast %broadcast_in_dim3A_25 : vector<2048x1xi32> to vector<2048x8xi32>
    %eq3A_47 = arith.cmpi eq, %iota3A, %eq3A_46 : vector<2048x8xi32>
    %convert_element_type3A_48 = arith.extui %eq3A_47 : vector<2048x8xi1> to vector<2048x8xi32>
    %convert_element_type3A_49 = arith.sitofp %convert_element_type3A_48 : vector<2048x8xi32> to vector<2048x8xf32>
    %add3A_50 = arith.addf %convert_element_type3A_45, %convert_element_type3A_49 : vector<2048x8xf32>
    %swap3A_51 = arith.constant 0 : index
    %swap3A_52 = arith.constant 0 : index
    %swap3A_53 = vector.load %arg7[%swap3A_51, %swap3A_52] : memref<2048x8xf32, #tpu.memory_space<vmem>>, vector<2048x8xf32>
    tpu.vector_store %arg7[%swap3A_51, %swap3A_52], %add3A_50 {strides = array<i32>} : memref<2048x8xf32, #tpu.memory_space<vmem>>, vector<2048x8xf32>,
    %iota3A_54 = tpu.iota {dimensions = array<i32: 0>} : vector<256x256xi32>
    %iota3A_55 = tpu.iota {dimensions = array<i32: 1>} : vector<256x256xi32>
    %lt3A = arith.cmpi slt, %iota3A_55, %iota3A_54 : vector<256x256xi32>
    %convert_element_type3A_56 = arith.extui %lt3A : vector<256x256xi1> to vector<256x256xi32>
    %convert_element_type3A_57 = arith.sitofp %convert_element_type3A_56 : vector<256x256xi32> to vector<256x256xf32>
    %broadcast_in_dim3A_58 = arith.constant 0.000000e+00 : f32
    %broadcast_in_dim3A_59 = vector.broadcast %broadcast_in_dim3A_58 : f32 to vector<1x8xf32>
    %scan3A = arith.constant 0 : i32
    %scan3A_60 = arith.constant 8 : i32
    %scan3A_61 = arith.addi %scan3A, %scan3A_60 : i32
    %scan3A_62 = arith.constant 1 : i32
    %scan3A_63 = scf.for %scan3A_434 = %scan3A to %scan3A_61 step %scan3A_62 iter_args(%scan3A_435 = %broadcast_in_dim3A_59) -> (vector<1x8xf32>)  : i32 {
      %mul3A_436 = arith.constant 256 : i32
      %mul3A_437 = arith.muli %scan3A_434, %mul3A_436 : i32
      %get3A_438 = arith.index_cast %mul3A_437 : i32 to index
      %get3A_439 = arith.constant 0 : index
      %get3A_440 = vector.load %arg7[%get3A_438, %get3A_439] : memref<2048x8xf32, #tpu.memory_space<vmem>>, vector<256x8xf32>
      %dot_general3A_441 = arith.constant dense<0.000000e+00> : vector<256x8xf32>
      %dot_general3A_442 = tpu.matmul %convert_element_type3A_57, %get3A_440, %dot_general3A_441 {dimension_numbers = #tpu.dot_dimension_numbers<[1], [0], [0], [1], [0, 0, 1, 1], [], []>, transpose_lhs_hint = false} : vector<256x256xf32>, vector<256x8xf32>, vector<256x8xf32> -> vector<256x8xf32>
      %add3A_443 = vector.broadcast %scan3A_435 : vector<1x8xf32> to vector<256x8xf32>
      %add3A_444 = arith.addf %dot_general3A_442, %add3A_443 : vector<256x8xf32>
      %mul3A_445 = arith.constant 256 : i32
      %mul3A_446 = arith.muli %scan3A_434, %mul3A_445 : i32
      %swap3A_447 = arith.index_cast %mul3A_446 : i32 to index
      %swap3A_448 = arith.constant 0 : index
      %swap3A_449 = vector.load %arg8[%swap3A_447, %swap3A_448] : memref<2048x8xf32, #tpu.memory_space<vmem>>, vector<256x8xf32>
      tpu.vector_store %arg8[%swap3A_447, %swap3A_448], %add3A_444 {strides = array<i32>} : memref<2048x8xf32, #tpu.memory_space<vmem>>, vector<256x8xf32>,
      %reduce_sum3A_450 = arith.constant dense<0.000000e+00> : vector<8xf32>
      %reduce_sum3A_451 = vector.multi_reduction <add>, %get3A_440, %reduce_sum3A_450 [0] : vector<256x8xf32> to vector<8xf32>
      %broadcast_in_dim3A_452 = vector.shape_cast %reduce_sum3A_451 : vector<8xf32> to vector<1x8xf32>
      %add3A_453 = arith.addf %scan3A_435, %broadcast_in_dim3A_452 : vector<1x8xf32>
      scf.yield %add3A_453 : vector<1x8xf32>
    }
    %scan3A_64 = arith.constant 8 : i32
    %get3A_65 = arith.constant 0 : index
    %get3A_66 = arith.constant 0 : index
    %get3A_67 = vector.load %arg8[%get3A_65, %get3A_66] : memref<2048x8xf32, #tpu.memory_space<vmem>>, vector<2048x8xf32>
    %slice3A = vector.extract_strided_slice %scan3A_63 {offsets = [0, 0], sizes = [1, 1], strides = [1, 1]} : vector<1x8xf32> to vector<1x1xf32>
    %squeeze3A = vector.extract %slice3A[0, 0] : f32 from vector<1x1xf32>
    %convert_element_type3A_68 = arith.fptosi %squeeze3A : f32 to i32
    %add3A_69 = arith.constant 255 : i32
    %add3A_70 = arith.addi %convert_element_type3A_68, %add3A_69 : i32
    %jit3A_71 = arith.constant 256 : i32
    %div3A_72 = arith.divsi %add3A_70, %jit3A_71 : i32
    %sign3A = arith.constant 0 : i32
    %sign3A_73 = arith.cmpi sgt, %add3A_70, %sign3A : i32
    %sign3A_74 = arith.extui %sign3A_73 : i1 to i32
    %sign3A_75 = arith.constant 0 : i32
    %sign3A_76 = arith.cmpi slt, %add3A_70, %sign3A_75 : i32
    %sign3A_77 = arith.extui %sign3A_76 : i1 to i32
    %sign3A_78 = arith.subi %sign3A_74, %sign3A_77 : i32
    %sign3A_79 = arith.constant 0 : i32
    %sign3A_80 = arith.cmpi sgt, %jit3A_71, %sign3A_79 : i32
    %sign3A_81 = arith.extui %sign3A_80 : i1 to i32
    %sign3A_82 = arith.constant 0 : i32
    %sign3A_83 = arith.cmpi slt, %jit3A_71, %sign3A_82 : i32
    %sign3A_84 = arith.extui %sign3A_83 : i1 to i32
    %sign3A_85 = arith.subi %sign3A_81, %sign3A_84 : i32
    %ne3A = arith.cmpi ne, %sign3A_78, %sign3A_85 : i32
    %rem3A = arith.remsi %add3A_70, %jit3A_71 : i32
    %ne3A_86 = arith.constant 0 : i32
    %ne3A_87 = arith.cmpi ne, %rem3A, %ne3A_86 : i32
    %and3A = arith.andi %ne3A, %ne3A_87 : i1
    %sub3A_88 = arith.constant 1 : i32
    %sub3A_89 = arith.subi %div3A_72, %sub3A_88 : i32
    %select_n3A_90 = arith.select %and3A, %sub3A_89, %div3A_72 : i32
    %add3A_91 = arith.constant 0 : i32
    %add3A_92 = arith.addi %add3A_91, %select_n3A_90 : i32
    %slice3A_93 = vector.extract_strided_slice %scan3A_63 {offsets = [0, 1], sizes = [1, 1], strides = [1, 1]} : vector<1x8xf32> to vector<1x1xf32>
    %squeeze3A_94 = vector.extract %slice3A_93[0, 0] : f32 from vector<1x1xf32>
    %convert_element_type3A_95 = arith.fptosi %squeeze3A_94 : f32 to i32
    %add3A_96 = arith.constant 255 : i32
    %add3A_97 = arith.addi %convert_element_type3A_95, %add3A_96 : i32
    %jit3A_98 = arith.constant 256 : i32
    %div3A_99 = arith.divsi %add3A_97, %jit3A_98 : i32
    %sign3A_100 = arith.constant 0 : i32
    %sign3A_101 = arith.cmpi sgt, %add3A_97, %sign3A_100 : i32
    %sign3A_102 = arith.extui %sign3A_101 : i1 to i32
    %sign3A_103 = arith.constant 0 : i32
    %sign3A_104 = arith.cmpi slt, %add3A_97, %sign3A_103 : i32
    %sign3A_105 = arith.extui %sign3A_104 : i1 to i32
    %sign3A_106 = arith.subi %sign3A_102, %sign3A_105 : i32
    %sign3A_107 = arith.constant 0 : i32
    %sign3A_108 = arith.cmpi sgt, %jit3A_98, %sign3A_107 : i32
    %sign3A_109 = arith.extui %sign3A_108 : i1 to i32
    %sign3A_110 = arith.constant 0 : i32
    %sign3A_111 = arith.cmpi slt, %jit3A_98, %sign3A_110 : i32
    %sign3A_112 = arith.extui %sign3A_111 : i1 to i32
    %sign3A_113 = arith.subi %sign3A_109, %sign3A_112 : i32
    %ne3A_114 = arith.cmpi ne, %sign3A_106, %sign3A_113 : i32
    %rem3A_115 = arith.remsi %add3A_97, %jit3A_98 : i32
    %ne3A_116 = arith.constant 0 : i32
    %ne3A_117 = arith.cmpi ne, %rem3A_115, %ne3A_116 : i32
    %and3A_118 = arith.andi %ne3A_114, %ne3A_117 : i1
    %sub3A_119 = arith.constant 1 : i32
    %sub3A_120 = arith.subi %div3A_99, %sub3A_119 : i32
    %select_n3A_121 = arith.select %and3A_118, %sub3A_120, %div3A_99 : i32
    %add3A_122 = arith.addi %add3A_92, %select_n3A_121 : i32
    %slice3A_123 = vector.extract_strided_slice %scan3A_63 {offsets = [0, 2], sizes = [1, 1], strides = [1, 1]} : vector<1x8xf32> to vector<1x1xf32>
    %squeeze3A_124 = vector.extract %slice3A_123[0, 0] : f32 from vector<1x1xf32>
    %convert_element_type3A_125 = arith.fptosi %squeeze3A_124 : f32 to i32
    %add3A_126 = arith.constant 255 : i32
    %add3A_127 = arith.addi %convert_element_type3A_125, %add3A_126 : i32
    %jit3A_128 = arith.constant 256 : i32
    %div3A_129 = arith.divsi %add3A_127, %jit3A_128 : i32
    %sign3A_130 = arith.constant 0 : i32
    %sign3A_131 = arith.cmpi sgt, %add3A_127, %sign3A_130 : i32
    %sign3A_132 = arith.extui %sign3A_131 : i1 to i32
    %sign3A_133 = arith.constant 0 : i32
    %sign3A_134 = arith.cmpi slt, %add3A_127, %sign3A_133 : i32
    %sign3A_135 = arith.extui %sign3A_134 : i1 to i32
    %sign3A_136 = arith.subi %sign3A_132, %sign3A_135 : i32
    %sign3A_137 = arith.constant 0 : i32
    %sign3A_138 = arith.cmpi sgt, %jit3A_128, %sign3A_137 : i32
    %sign3A_139 = arith.extui %sign3A_138 : i1 to i32
    %sign3A_140 = arith.constant 0 : i32
    %sign3A_141 = arith.cmpi slt, %jit3A_128, %sign3A_140 : i32
    %sign3A_142 = arith.extui %sign3A_141 : i1 to i32
    %sign3A_143 = arith.subi %sign3A_139, %sign3A_142 : i32
    %ne3A_144 = arith.cmpi ne, %sign3A_136, %sign3A_143 : i32
    %rem3A_145 = arith.remsi %add3A_127, %jit3A_128 : i32
    %ne3A_146 = arith.constant 0 : i32
    %ne3A_147 = arith.cmpi ne, %rem3A_145, %ne3A_146 : i32
    %and3A_148 = arith.andi %ne3A_144, %ne3A_147 : i1
    %sub3A_149 = arith.constant 1 : i32
    %sub3A_150 = arith.subi %div3A_129, %sub3A_149 : i32
    %select_n3A_151 = arith.select %and3A_148, %sub3A_150, %div3A_129 : i32
    %add3A_152 = arith.addi %add3A_122, %select_n3A_151 : i32
    %slice3A_153 = vector.extract_strided_slice %scan3A_63 {offsets = [0, 3], sizes = [1, 1], strides = [1, 1]} : vector<1x8xf32> to vector<1x1xf32>
    %squeeze3A_154 = vector.extract %slice3A_153[0, 0] : f32 from vector<1x1xf32>
    %convert_element_type3A_155 = arith.fptosi %squeeze3A_154 : f32 to i32
    %add3A_156 = arith.constant 255 : i32
    %add3A_157 = arith.addi %convert_element_type3A_155, %add3A_156 : i32
    %jit3A_158 = arith.constant 256 : i32
    %div3A_159 = arith.divsi %add3A_157, %jit3A_158 : i32
    %sign3A_160 = arith.constant 0 : i32
    %sign3A_161 = arith.cmpi sgt, %add3A_157, %sign3A_160 : i32
    %sign3A_162 = arith.extui %sign3A_161 : i1 to i32
    %sign3A_163 = arith.constant 0 : i32
    %sign3A_164 = arith.cmpi slt, %add3A_157, %sign3A_163 : i32
    %sign3A_165 = arith.extui %sign3A_164 : i1 to i32
    %sign3A_166 = arith.subi %sign3A_162, %sign3A_165 : i32
    %sign3A_167 = arith.constant 0 : i32
    %sign3A_168 = arith.cmpi sgt, %jit3A_158, %sign3A_167 : i32
    %sign3A_169 = arith.extui %sign3A_168 : i1 to i32
    %sign3A_170 = arith.constant 0 : i32
    %sign3A_171 = arith.cmpi slt, %jit3A_158, %sign3A_170 : i32
    %sign3A_172 = arith.extui %sign3A_171 : i1 to i32
    %sign3A_173 = arith.subi %sign3A_169, %sign3A_172 : i32
    %ne3A_174 = arith.cmpi ne, %sign3A_166, %sign3A_173 : i32
    %rem3A_175 = arith.remsi %add3A_157, %jit3A_158 : i32
    %ne3A_176 = arith.constant 0 : i32
    %ne3A_177 = arith.cmpi ne, %rem3A_175, %ne3A_176 : i32
    %and3A_178 = arith.andi %ne3A_174, %ne3A_177 : i1
    %sub3A_179 = arith.constant 1 : i32
    %sub3A_180 = arith.subi %div3A_159, %sub3A_179 : i32
    %select_n3A_181 = arith.select %and3A_178, %sub3A_180, %div3A_159 : i32
    %add3A_182 = arith.addi %add3A_152, %select_n3A_181 : i32
    %slice3A_183 = vector.extract_strided_slice %scan3A_63 {offsets = [0, 4], sizes = [1, 1], strides = [1, 1]} : vector<1x8xf32> to vector<1x1xf32>
    %squeeze3A_184 = vector.extract %slice3A_183[0, 0] : f32 from vector<1x1xf32>
    %convert_element_type3A_185 = arith.fptosi %squeeze3A_184 : f32 to i32
    %add3A_186 = arith.constant 255 : i32
    %add3A_187 = arith.addi %convert_element_type3A_185, %add3A_186 : i32
    %jit3A_188 = arith.constant 256 : i32
    %div3A_189 = arith.divsi %add3A_187, %jit3A_188 : i32
    %sign3A_190 = arith.constant 0 : i32
    %sign3A_191 = arith.cmpi sgt, %add3A_187, %sign3A_190 : i32
    %sign3A_192 = arith.extui %sign3A_191 : i1 to i32
    %sign3A_193 = arith.constant 0 : i32
    %sign3A_194 = arith.cmpi slt, %add3A_187, %sign3A_193 : i32
    %sign3A_195 = arith.extui %sign3A_194 : i1 to i32
    %sign3A_196 = arith.subi %sign3A_192, %sign3A_195 : i32
    %sign3A_197 = arith.constant 0 : i32
    %sign3A_198 = arith.cmpi sgt, %jit3A_188, %sign3A_197 : i32
    %sign3A_199 = arith.extui %sign3A_198 : i1 to i32
    %sign3A_200 = arith.constant 0 : i32
    %sign3A_201 = arith.cmpi slt, %jit3A_188, %sign3A_200 : i32
    %sign3A_202 = arith.extui %sign3A_201 : i1 to i32
    %sign3A_203 = arith.subi %sign3A_199, %sign3A_202 : i32
    %ne3A_204 = arith.cmpi ne, %sign3A_196, %sign3A_203 : i32
    %rem3A_205 = arith.remsi %add3A_187, %jit3A_188 : i32
    %ne3A_206 = arith.constant 0 : i32
    %ne3A_207 = arith.cmpi ne, %rem3A_205, %ne3A_206 : i32
    %and3A_208 = arith.andi %ne3A_204, %ne3A_207 : i1
    %sub3A_209 = arith.constant 1 : i32
    %sub3A_210 = arith.subi %div3A_189, %sub3A_209 : i32
    %select_n3A_211 = arith.select %and3A_208, %sub3A_210, %div3A_189 : i32
    %add3A_212 = arith.addi %add3A_182, %select_n3A_211 : i32
    %slice3A_213 = vector.extract_strided_slice %scan3A_63 {offsets = [0, 5], sizes = [1, 1], strides = [1, 1]} : vector<1x8xf32> to vector<1x1xf32>
    %squeeze3A_214 = vector.extract %slice3A_213[0, 0] : f32 from vector<1x1xf32>
    %convert_element_type3A_215 = arith.fptosi %squeeze3A_214 : f32 to i32
    %add3A_216 = arith.constant 255 : i32
    %add3A_217 = arith.addi %convert_element_type3A_215, %add3A_216 : i32
    %jit3A_218 = arith.constant 256 : i32
    %div3A_219 = arith.divsi %add3A_217, %jit3A_218 : i32
    %sign3A_220 = arith.constant 0 : i32
    %sign3A_221 = arith.cmpi sgt, %add3A_217, %sign3A_220 : i32
    %sign3A_222 = arith.extui %sign3A_221 : i1 to i32
    %sign3A_223 = arith.constant 0 : i32
    %sign3A_224 = arith.cmpi slt, %add3A_217, %sign3A_223 : i32
    %sign3A_225 = arith.extui %sign3A_224 : i1 to i32
    %sign3A_226 = arith.subi %sign3A_222, %sign3A_225 : i32
    %sign3A_227 = arith.constant 0 : i32
    %sign3A_228 = arith.cmpi sgt, %jit3A_218, %sign3A_227 : i32
    %sign3A_229 = arith.extui %sign3A_228 : i1 to i32
    %sign3A_230 = arith.constant 0 : i32
    %sign3A_231 = arith.cmpi slt, %jit3A_218, %sign3A_230 : i32
    %sign3A_232 = arith.extui %sign3A_231 : i1 to i32
    %sign3A_233 = arith.subi %sign3A_229, %sign3A_232 : i32
    %ne3A_234 = arith.cmpi ne, %sign3A_226, %sign3A_233 : i32
    %rem3A_235 = arith.remsi %add3A_217, %jit3A_218 : i32
    %ne3A_236 = arith.constant 0 : i32
    %ne3A_237 = arith.cmpi ne, %rem3A_235, %ne3A_236 : i32
    %and3A_238 = arith.andi %ne3A_234, %ne3A_237 : i1
    %sub3A_239 = arith.constant 1 : i32
    %sub3A_240 = arith.subi %div3A_219, %sub3A_239 : i32
    %select_n3A_241 = arith.select %and3A_238, %sub3A_240, %div3A_219 : i32
    %add3A_242 = arith.addi %add3A_212, %select_n3A_241 : i32
    %slice3A_243 = vector.extract_strided_slice %scan3A_63 {offsets = [0, 6], sizes = [1, 1], strides = [1, 1]} : vector<1x8xf32> to vector<1x1xf32>
    %squeeze3A_244 = vector.extract %slice3A_243[0, 0] : f32 from vector<1x1xf32>
    %convert_element_type3A_245 = arith.fptosi %squeeze3A_244 : f32 to i32
    %add3A_246 = arith.constant 255 : i32
    %add3A_247 = arith.addi %convert_element_type3A_245, %add3A_246 : i32
    %jit3A_248 = arith.constant 256 : i32
    %div3A_249 = arith.divsi %add3A_247, %jit3A_248 : i32
    %sign3A_250 = arith.constant 0 : i32
    %sign3A_251 = arith.cmpi sgt, %add3A_247, %sign3A_250 : i32
    %sign3A_252 = arith.extui %sign3A_251 : i1 to i32
    %sign3A_253 = arith.constant 0 : i32
    %sign3A_254 = arith.cmpi slt, %add3A_247, %sign3A_253 : i32
    %sign3A_255 = arith.extui %sign3A_254 : i1 to i32
    %sign3A_256 = arith.subi %sign3A_252, %sign3A_255 : i32
    %sign3A_257 = arith.constant 0 : i32
    %sign3A_258 = arith.cmpi sgt, %jit3A_248, %sign3A_257 : i32
    %sign3A_259 = arith.extui %sign3A_258 : i1 to i32
    %sign3A_260 = arith.constant 0 : i32
    %sign3A_261 = arith.cmpi slt, %jit3A_248, %sign3A_260 : i32
    %sign3A_262 = arith.extui %sign3A_261 : i1 to i32
    %sign3A_263 = arith.subi %sign3A_259, %sign3A_262 : i32
    %ne3A_264 = arith.cmpi ne, %sign3A_256, %sign3A_263 : i32
    %rem3A_265 = arith.remsi %add3A_247, %jit3A_248 : i32
    %ne3A_266 = arith.constant 0 : i32
    %ne3A_267 = arith.cmpi ne, %rem3A_265, %ne3A_266 : i32
    %and3A_268 = arith.andi %ne3A_264, %ne3A_267 : i1
    %sub3A_269 = arith.constant 1 : i32
    %sub3A_270 = arith.subi %div3A_249, %sub3A_269 : i32
    %select_n3A_271 = arith.select %and3A_268, %sub3A_270, %div3A_249 : i32
    %add3A_272 = arith.addi %add3A_242, %select_n3A_271 : i32
    %iota3A_273 = tpu.iota {dimensions = array<i32: 1>} : vector<1x8xi32>
    %broadcast_in_dim3A_274 = arith.constant 0.000000e+00 : f32
    %broadcast_in_dim3A_275 = vector.broadcast %broadcast_in_dim3A_274 : f32 to vector<1x8xf32>
    %mul3A_276 = arith.constant 0 : i32
    %mul3A_277 = arith.constant 256 : i32
    %mul3A_278 = arith.muli %mul3A_276, %mul3A_277 : i32
    %convert_element_type3A_279 = arith.sitofp %mul3A_278 : i32 to f32
    %eq3A_280 = arith.constant 0 : i32
    %eq3A_281 = vector.broadcast %eq3A_280 : i32 to vector<1x8xi32>
    %eq3A_282 = arith.cmpi eq, %iota3A_273, %eq3A_281 : vector<1x8xi32>
    %jit3A_283 = arith.constant 0.000000e+00 : f32
    %broadcast_in_dim3A_284 = vector.broadcast %convert_element_type3A_279 : f32 to vector<1x8xf32>
    %broadcast_in_dim3A_285 = vector.broadcast %jit3A_283 : f32 to vector<1x8xf32>
    %select_n3A_286 = arith.select %eq3A_282, %broadcast_in_dim3A_284, %broadcast_in_dim3A_285 : vector<1x8xi1>, vector<1x8xf32>
    %add3A_287 = arith.addf %broadcast_in_dim3A_275, %select_n3A_286 : vector<1x8xf32>
    %mul3A_288 = arith.constant 256 : i32
    %mul3A_289 = arith.muli %add3A_92, %mul3A_288 : i32
    %convert_element_type3A_290 = arith.sitofp %mul3A_289 : i32 to f32
    %eq3A_291 = arith.constant 1 : i32
    %eq3A_292 = vector.broadcast %eq3A_291 : i32 to vector<1x8xi32>
    %eq3A_293 = arith.cmpi eq, %iota3A_273, %eq3A_292 : vector<1x8xi32>
    %jit3A_294 = arith.constant 0.000000e+00 : f32
    %broadcast_in_dim3A_295 = vector.broadcast %convert_element_type3A_290 : f32 to vector<1x8xf32>
    %broadcast_in_dim3A_296 = vector.broadcast %jit3A_294 : f32 to vector<1x8xf32>
    %select_n3A_297 = arith.select %eq3A_293, %broadcast_in_dim3A_295, %broadcast_in_dim3A_296 : vector<1x8xi1>, vector<1x8xf32>
    %add3A_298 = arith.addf %add3A_287, %select_n3A_297 : vector<1x8xf32>
    %mul3A_299 = arith.constant 256 : i32
    %mul3A_300 = arith.muli %add3A_122, %mul3A_299 : i32
    %convert_element_type3A_301 = arith.sitofp %mul3A_300 : i32 to f32
    %eq3A_302 = arith.constant 2 : i32
    %eq3A_303 = vector.broadcast %eq3A_302 : i32 to vector<1x8xi32>
    %eq3A_304 = arith.cmpi eq, %iota3A_273, %eq3A_303 : vector<1x8xi32>
    %jit3A_305 = arith.constant 0.000000e+00 : f32
    %broadcast_in_dim3A_306 = vector.broadcast %convert_element_type3A_301 : f32 to vector<1x8xf32>
    %broadcast_in_dim3A_307 = vector.broadcast %jit3A_305 : f32 to vector<1x8xf32>
    %select_n3A_308 = arith.select %eq3A_304, %broadcast_in_dim3A_306, %broadcast_in_dim3A_307 : vector<1x8xi1>, vector<1x8xf32>
    %add3A_309 = arith.addf %add3A_298, %select_n3A_308 : vector<1x8xf32>
    %mul3A_310 = arith.constant 256 : i32
    %mul3A_311 = arith.muli %add3A_152, %mul3A_310 : i32
    %convert_element_type3A_312 = arith.sitofp %mul3A_311 : i32 to f32
    %eq3A_313 = arith.constant 3 : i32
    %eq3A_314 = vector.broadcast %eq3A_313 : i32 to vector<1x8xi32>
    %eq3A_315 = arith.cmpi eq, %iota3A_273, %eq3A_314 : vector<1x8xi32>
    %jit3A_316 = arith.constant 0.000000e+00 : f32
    %broadcast_in_dim3A_317 = vector.broadcast %convert_element_type3A_312 : f32 to vector<1x8xf32>
    %broadcast_in_dim3A_318 = vector.broadcast %jit3A_316 : f32 to vector<1x8xf32>
    %select_n3A_319 = arith.select %eq3A_315, %broadcast_in_dim3A_317, %broadcast_in_dim3A_318 : vector<1x8xi1>, vector<1x8xf32>
    %add3A_320 = arith.addf %add3A_309, %select_n3A_319 : vector<1x8xf32>
    %mul3A_321 = arith.constant 256 : i32
    %mul3A_322 = arith.muli %add3A_182, %mul3A_321 : i32
    %convert_element_type3A_323 = arith.sitofp %mul3A_322 : i32 to f32
    %eq3A_324 = arith.constant 4 : i32
    %eq3A_325 = vector.broadcast %eq3A_324 : i32 to vector<1x8xi32>
    %eq3A_326 = arith.cmpi eq, %iota3A_273, %eq3A_325 : vector<1x8xi32>
    %jit3A_327 = arith.constant 0.000000e+00 : f32
    %broadcast_in_dim3A_328 = vector.broadcast %convert_element_type3A_323 : f32 to vector<1x8xf32>
    %broadcast_in_dim3A_329 = vector.broadcast %jit3A_327 : f32 to vector<1x8xf32>
    %select_n3A_330 = arith.select %eq3A_326, %broadcast_in_dim3A_328, %broadcast_in_dim3A_329 : vector<1x8xi1>, vector<1x8xf32>
    %add3A_331 = arith.addf %add3A_320, %select_n3A_330 : vector<1x8xf32>
    %mul3A_332 = arith.constant 256 : i32
    %mul3A_333 = arith.muli %add3A_212, %mul3A_332 : i32
    %convert_element_type3A_334 = arith.sitofp %mul3A_333 : i32 to f32
    %eq3A_335 = arith.constant 5 : i32
    %eq3A_336 = vector.broadcast %eq3A_335 : i32 to vector<1x8xi32>
    %eq3A_337 = arith.cmpi eq, %iota3A_273, %eq3A_336 : vector<1x8xi32>
    %jit3A_338 = arith.constant 0.000000e+00 : f32
    %broadcast_in_dim3A_339 = vector.broadcast %convert_element_type3A_334 : f32 to vector<1x8xf32>
    %broadcast_in_dim3A_340 = vector.broadcast %jit3A_338 : f32 to vector<1x8xf32>
    %select_n3A_341 = arith.select %eq3A_337, %broadcast_in_dim3A_339, %broadcast_in_dim3A_340 : vector<1x8xi1>, vector<1x8xf32>
    %add3A_342 = arith.addf %add3A_331, %select_n3A_341 : vector<1x8xf32>
    %mul3A_343 = arith.constant 256 : i32
    %mul3A_344 = arith.muli %add3A_242, %mul3A_343 : i32
    %convert_element_type3A_345 = arith.sitofp %mul3A_344 : i32 to f32
    %eq3A_346 = arith.constant 6 : i32
    %eq3A_347 = vector.broadcast %eq3A_346 : i32 to vector<1x8xi32>
    %eq3A_348 = arith.cmpi eq, %iota3A_273, %eq3A_347 : vector<1x8xi32>
    %jit3A_349 = arith.constant 0.000000e+00 : f32
    %broadcast_in_dim3A_350 = vector.broadcast %convert_element_type3A_345 : f32 to vector<1x8xf32>
    %broadcast_in_dim3A_351 = vector.broadcast %jit3A_349 : f32 to vector<1x8xf32>
    %select_n3A_352 = arith.select %eq3A_348, %broadcast_in_dim3A_350, %broadcast_in_dim3A_351 : vector<1x8xi1>, vector<1x8xf32>
    %add3A_353 = arith.addf %add3A_342, %select_n3A_352 : vector<1x8xf32>
    %mul3A_354 = arith.constant 256 : i32
    %mul3A_355 = arith.muli %add3A_272, %mul3A_354 : i32
    %convert_element_type3A_356 = arith.sitofp %mul3A_355 : i32 to f32
    %eq3A_357 = arith.constant 7 : i32
    %eq3A_358 = vector.broadcast %eq3A_357 : i32 to vector<1x8xi32>
    %eq3A_359 = arith.cmpi eq, %iota3A_273, %eq3A_358 : vector<1x8xi32>
    %jit3A_360 = arith.constant 0.000000e+00 : f32
    %broadcast_in_dim3A_361 = vector.broadcast %convert_element_type3A_356 : f32 to vector<1x8xf32>
    %broadcast_in_dim3A_362 = vector.broadcast %jit3A_360 : f32 to vector<1x8xf32>
    %select_n3A_363 = arith.select %eq3A_359, %broadcast_in_dim3A_361, %broadcast_in_dim3A_362 : vector<1x8xi1>, vector<1x8xf32>
    %add3A_364 = arith.addf %add3A_353, %select_n3A_363 : vector<1x8xf32>
    %eq3A_365 = vector.broadcast %broadcast_in_dim3A_10 : vector<2048x1xi32> to vector<2048x8xi32>
    %eq3A_366 = arith.cmpi eq, %iota3A, %eq3A_365 : vector<2048x8xi32>
    %eq3A_367 = vector.broadcast %broadcast_in_dim3A_25 : vector<2048x1xi32> to vector<2048x8xi32>
    %eq3A_368 = arith.cmpi eq, %iota3A, %eq3A_367 : vector<2048x8xi32>
    %add3A_369 = vector.broadcast %add3A_364 : vector<1x8xf32> to vector<2048x8xf32>
    %add3A_370 = arith.addf %get3A_67, %add3A_369 : vector<2048x8xf32>
    %jit3A_371 = arith.constant 0.000000e+00 : f32
    %broadcast_in_dim3A_372 = vector.broadcast %jit3A_371 : f32 to vector<2048x8xf32>
    %select_n3A_373 = arith.select %eq3A_366, %add3A_370, %broadcast_in_dim3A_372 : vector<2048x8xi1>, vector<2048x8xf32>
    %reduce_sum3A = arith.constant dense<0.000000e+00> : vector<2048xf32>
    %reduce_sum3A_374 = vector.multi_reduction <add>, %select_n3A_373, %reduce_sum3A [1] : vector<2048x8xf32> to vector<2048xf32>
    %broadcast_in_dim3A_375 = vector.shape_cast %reduce_sum3A_374 : vector<2048xf32> to vector<2048x1xf32>
    %convert_element_type3A_376 = arith.fptosi %broadcast_in_dim3A_375 : vector<2048x1xf32> to vector<2048x1xi32>
    %swap3A_377 = arith.constant 0 : index
    %swap3A_378 = arith.constant 0 : index
    %swap3A_379 = vector.load %arg2[%swap3A_377, %swap3A_378] : memref<2048x1xi32, #tpu.memory_space<vmem>>, vector<2048x1xi32>
    tpu.vector_store %arg2[%swap3A_377, %swap3A_378], %convert_element_type3A_376 {strides = array<i32>} : memref<2048x1xi32, #tpu.memory_space<vmem>>, vector<2048x1xi32>,
    %add3A_380 = vector.broadcast %add3A_364 : vector<1x8xf32> to vector<2048x8xf32>
    %add3A_381 = arith.addf %get3A_67, %add3A_380 : vector<2048x8xf32>
    %jit3A_382 = arith.constant 0.000000e+00 : f32
    %broadcast_in_dim3A_383 = vector.broadcast %jit3A_382 : f32 to vector<2048x8xf32>
    %select_n3A_384 = arith.select %eq3A_368, %add3A_381, %broadcast_in_dim3A_383 : vector<2048x8xi1>, vector<2048x8xf32>
    %reduce_sum3A_385 = arith.constant dense<0.000000e+00> : vector<2048xf32>
    %reduce_sum3A_386 = vector.multi_reduction <add>, %select_n3A_384, %reduce_sum3A_385 [1] : vector<2048x8xf32> to vector<2048xf32>
    %broadcast_in_dim3A_387 = vector.shape_cast %reduce_sum3A_386 : vector<2048xf32> to vector<2048x1xf32>
    %convert_element_type3A_388 = arith.fptosi %broadcast_in_dim3A_387 : vector<2048x1xf32> to vector<2048x1xi32>
    %swap3A_389 = arith.constant 0 : index
    %swap3A_390 = arith.constant 0 : index
    %swap3A_391 = vector.load %arg3[%swap3A_389, %swap3A_390] : memref<2048x1xi32, #tpu.memory_space<vmem>>, vector<2048x1xi32>
    tpu.vector_store %arg3[%swap3A_389, %swap3A_390], %convert_element_type3A_388 {strides = array<i32>} : memref<2048x1xi32, #tpu.memory_space<vmem>>, vector<2048x1xi32>,
    %iota3A_392 = tpu.iota {dimensions = array<i32: 0>} : vector<23x1xi32>
    %broadcast_in_dim3A_393 = arith.constant 0 : i32
    %broadcast_in_dim3A_394 = vector.broadcast %broadcast_in_dim3A_393 : i32 to vector<23x1xi32>
    %ge3A_395 = arith.constant 0 : i32
    %ge3A_396 = vector.broadcast %ge3A_395 : i32 to vector<23x1xi32>
    %ge3A_397 = arith.cmpi sge, %iota3A_392, %ge3A_396 : vector<23x1xi32>
    %convert_element_type3A_398 = arith.extui %ge3A_397 : vector<23x1xi1> to vector<23x1xi32>
    %add3A_399 = arith.addi %broadcast_in_dim3A_394, %convert_element_type3A_398 : vector<23x1xi32>
    %ge3A_400 = vector.broadcast %add3A_92 : i32 to vector<23x1xi32>
    %ge3A_401 = arith.cmpi sge, %iota3A_392, %ge3A_400 : vector<23x1xi32>
    %convert_element_type3A_402 = arith.extui %ge3A_401 : vector<23x1xi1> to vector<23x1xi32>
    %add3A_403 = arith.addi %add3A_399, %convert_element_type3A_402 : vector<23x1xi32>
    %ge3A_404 = vector.broadcast %add3A_122 : i32 to vector<23x1xi32>
    %ge3A_405 = arith.cmpi sge, %iota3A_392, %ge3A_404 : vector<23x1xi32>
    %convert_element_type3A_406 = arith.extui %ge3A_405 : vector<23x1xi1> to vector<23x1xi32>
    %add3A_407 = arith.addi %add3A_403, %convert_element_type3A_406 : vector<23x1xi32>
    %ge3A_408 = vector.broadcast %add3A_152 : i32 to vector<23x1xi32>
    %ge3A_409 = arith.cmpi sge, %iota3A_392, %ge3A_408 : vector<23x1xi32>
    %convert_element_type3A_410 = arith.extui %ge3A_409 : vector<23x1xi1> to vector<23x1xi32>
    %add3A_411 = arith.addi %add3A_407, %convert_element_type3A_410 : vector<23x1xi32>
    %ge3A_412 = vector.broadcast %add3A_182 : i32 to vector<23x1xi32>
    %ge3A_413 = arith.cmpi sge, %iota3A_392, %ge3A_412 : vector<23x1xi32>
    %convert_element_type3A_414 = arith.extui %ge3A_413 : vector<23x1xi1> to vector<23x1xi32>
    %add3A_415 = arith.addi %add3A_411, %convert_element_type3A_414 : vector<23x1xi32>
    %ge3A_416 = vector.broadcast %add3A_212 : i32 to vector<23x1xi32>
    %ge3A_417 = arith.cmpi sge, %iota3A_392, %ge3A_416 : vector<23x1xi32>
    %convert_element_type3A_418 = arith.extui %ge3A_417 : vector<23x1xi1> to vector<23x1xi32>
    %add3A_419 = arith.addi %add3A_415, %convert_element_type3A_418 : vector<23x1xi32>
    %ge3A_420 = vector.broadcast %add3A_242 : i32 to vector<23x1xi32>
    %ge3A_421 = arith.cmpi sge, %iota3A_392, %ge3A_420 : vector<23x1xi32>
    %convert_element_type3A_422 = arith.extui %ge3A_421 : vector<23x1xi1> to vector<23x1xi32>
    %add3A_423 = arith.addi %add3A_419, %convert_element_type3A_422 : vector<23x1xi32>
    %ge3A_424 = vector.broadcast %add3A_272 : i32 to vector<23x1xi32>
    %ge3A_425 = arith.cmpi sge, %iota3A_392, %ge3A_424 : vector<23x1xi32>
    %convert_element_type3A_426 = arith.extui %ge3A_425 : vector<23x1xi1> to vector<23x1xi32>
    %add3A_427 = arith.addi %add3A_423, %convert_element_type3A_426 : vector<23x1xi32>
    %sub3A_428 = arith.constant 1 : i32
    %sub3A_429 = vector.broadcast %sub3A_428 : i32 to vector<23x1xi32>
    %sub3A_430 = arith.subi %add3A_427, %sub3A_429 : vector<23x1xi32>
    %swap3A_431 = arith.constant 0 : index
    %swap3A_432 = arith.constant 0 : index
    %swap3A_433 = vector.load %arg6[%swap3A_431, %swap3A_432] : memref<23x1xi32, #tpu.memory_space<vmem>>, vector<23x1xi32>
    tpu.vector_store %arg6[%swap3A_431, %swap3A_432], %sub3A_430 {strides = array<i32>} : memref<23x1xi32, #tpu.memory_space<vmem>>, vector<23x1xi32>,
    return
  }
}

module attributes {stable_mosaic.version = 14 : i64} {
  func.func @_ffn1_body(%arg0: i32, %arg1: memref<23xi32, #tpu.memory_space<smem>>, %arg2: memref<256x1024xf32, #tpu.memory_space<vmem>>, %arg3: memref<1x1024x4096xf32, #tpu.memory_space<vmem>>, %arg4: memref<1x1x4096xf32, #tpu.memory_space<vmem>>, %arg5: memref<256x4096xbf16, #tpu.memory_space<vmem>>, %arg6: memref<1024x4096xbf16, #tpu.memory_space<vmem>>) attributes {dimension_semantics = [#tpu.dimension_semantics<arbitrary>], iteration_bounds = array<i64: 23>, scalar_prefetch = 1 : i64, scratch_operands = 1 : i64, tpu.core_type = #tpu.core_type<tc>, window_params = [{transform_indices = @transform_0, window_bounds = array<i64: 256, 1024>}, {transform_indices = @transform_1, window_bounds = array<i64: 1, 1024, 4096>}, {transform_indices = @transform_2, window_bounds = array<i64: 1, 1, 4096>}, {transform_indices = @transform_3, window_bounds = array<i64: 256, 4096>}]} {
    %eq3A = arith.constant 0 : i32
    %eq3A_0 = arith.cmpi eq, %arg0, %eq3A : i32
    %get3A = arith.index_cast %arg0 : i32 to index
    %get3A_1 = memref.load %arg1[%get3A] : memref<23xi32, #tpu.memory_space<smem>>
    %sub3A = arith.constant 1 : i32
    %sub3A_2 = arith.subi %arg0, %sub3A : i32
    %max3A = arith.constant 0 : i32
    %max3A_3 = arith.maxsi %sub3A_2, %max3A : i32
    %get3A_4 = arith.index_cast %max3A_3 : i32 to index
    %get3A_5 = memref.load %arg1[%get3A_4] : memref<23xi32, #tpu.memory_space<smem>>
    %ne3A = arith.cmpi ne, %get3A_1, %get3A_5 : i32
    %or3A = arith.ori %eq3A_0, %ne3A : i1
    %convert_element_type3A = arith.extui %or3A : i1 to i32
    %cond3A = arith.constant 0 : i32
    %cond3A_6 = arith.cmpi ne, %convert_element_type3A, %cond3A : i32
    scf.if %cond3A_6 {
      %get3A_27 = arith.constant 0 : index
      %get3A_28 = arith.constant 0 : index
      %get3A_29 = arith.constant 0 : index
      %get3A_30 = vector.load %arg3[%get3A_27, %get3A_28, %get3A_29] : memref<1x1024x4096xf32, #tpu.memory_space<vmem>>, vector<1x1024x4096xf32>
      %get3A_31 = vector.shape_cast %get3A_30 : vector<1x1024x4096xf32> to vector<1024x4096xf32>
      %convert_element_type3A_32 = arith.truncf %get3A_31 : vector<1024x4096xf32> to vector<1024x4096xbf16>
      %swap3A_33 = arith.constant 0 : index
      %swap3A_34 = arith.constant 0 : index
      %swap3A_35 = vector.load %arg6[%swap3A_33, %swap3A_34] : memref<1024x4096xbf16, #tpu.memory_space<vmem>>, vector<1024x4096xbf16>
      tpu.vector_store %arg6[%swap3A_33, %swap3A_34], %convert_element_type3A_32 {strides = array<i32>} : memref<1024x4096xbf16, #tpu.memory_space<vmem>>, vector<1024x4096xbf16>,
    } else {
    }
    %get3A_7 = arith.constant 0 : index
    %get3A_8 = arith.constant 0 : index
    %get3A_9 = vector.load %arg2[%get3A_7, %get3A_8] : memref<256x1024xf32, #tpu.memory_space<vmem>>, vector<256x1024xf32>
    %convert_element_type3A_10 = arith.truncf %get3A_9 : vector<256x1024xf32> to vector<256x1024xbf16>
    %get3A_11 = arith.constant 0 : index
    %get3A_12 = arith.constant 0 : index
    %get3A_13 = vector.load %arg6[%get3A_11, %get3A_12] : memref<1024x4096xbf16, #tpu.memory_space<vmem>>, vector<1024x4096xbf16>
    %dot_general3A = arith.constant dense<0.000000e+00> : vector<256x4096xf32>
    %dot_general3A_14 = tpu.matmul %convert_element_type3A_10, %get3A_13, %dot_general3A {dimension_numbers = #tpu.dot_dimension_numbers<[1], [0], [0], [1], [0, 0, 1, 1], [], []>, transpose_lhs_hint = false} : vector<256x1024xbf16>, vector<1024x4096xbf16>, vector<256x4096xf32> -> vector<256x4096xf32>
    %get3A_15 = arith.constant 0 : index
    %get3A_16 = arith.constant 0 : index
    %get3A_17 = arith.constant 0 : index
    %get3A_18 = vector.load %arg4[%get3A_15, %get3A_16, %get3A_17] : memref<1x1x4096xf32, #tpu.memory_space<vmem>>, vector<1x1x4096xf32>
    %get3A_19 = vector.shape_cast %get3A_18 : vector<1x1x4096xf32> to vector<1x4096xf32>
    %add3A = vector.broadcast %get3A_19 : vector<1x4096xf32> to vector<256x4096xf32>
    %add3A_20 = arith.addf %dot_general3A_14, %add3A : vector<256x4096xf32>
    %max3A_21 = arith.constant 0.000000e+00 : f32
    %max3A_22 = vector.broadcast %max3A_21 : f32 to vector<256x4096xf32>
    %max3A_23 = arith.maximumf %add3A_20, %max3A_22 : vector<256x4096xf32>
    %convert_element_type3A_24 = arith.truncf %max3A_23 : vector<256x4096xf32> to vector<256x4096xbf16>
    %swap3A = arith.constant 0 : index
    %swap3A_25 = arith.constant 0 : index
    %swap3A_26 = vector.load %arg5[%swap3A, %swap3A_25] : memref<256x4096xbf16, #tpu.memory_space<vmem>>, vector<256x4096xbf16>
    tpu.vector_store %arg5[%swap3A, %swap3A_25], %convert_element_type3A_24 {strides = array<i32>} : memref<256x4096xbf16, #tpu.memory_space<vmem>>, vector<256x4096xbf16>,
    return
  }
  func.func @transform_0(%arg0: i32, %arg1: memref<23xi32, #tpu.memory_space<smem>>) -> (i32, i32) {
    %c0_i32 = arith.constant 0 : i32
    %c0_i32_0 = arith.constant 0 : i32
    return %arg0, %c0_i32 : i32, i32
  }
  func.func @transform_1(%arg0: i32, %arg1: memref<23xi32, #tpu.memory_space<smem>>) -> (i32, i32, i32) {
    %get3A = arith.index_cast %arg0 : i32 to index
    %get3A_0 = memref.load %arg1[%get3A] : memref<23xi32, #tpu.memory_space<smem>>
    %c0_i32 = arith.constant 0 : i32
    %c0_i32_1 = arith.constant 0 : i32
    %c0_i32_2 = arith.constant 0 : i32
    return %get3A_0, %c0_i32, %c0_i32_1 : i32, i32, i32
  }
  func.func @transform_2(%arg0: i32, %arg1: memref<23xi32, #tpu.memory_space<smem>>) -> (i32, i32, i32) {
    %get3A = arith.index_cast %arg0 : i32 to index
    %get3A_0 = memref.load %arg1[%get3A] : memref<23xi32, #tpu.memory_space<smem>>
    %c0_i32 = arith.constant 0 : i32
    %c0_i32_1 = arith.constant 0 : i32
    %c0_i32_2 = arith.constant 0 : i32
    return %get3A_0, %c0_i32, %c0_i32_1 : i32, i32, i32
  }
  func.func @transform_3(%arg0: i32, %arg1: memref<23xi32, #tpu.memory_space<smem>>) -> (i32, i32) {
    %c0_i32 = arith.constant 0 : i32
    %c0_i32_0 = arith.constant 0 : i32
    return %arg0, %c0_i32 : i32, i32
  }
}

module attributes {stable_mosaic.version = 14 : i64} {
  func.func @_ffn2_body(%arg0: i32, %arg1: memref<23xi32, #tpu.memory_space<smem>>, %arg2: memref<256x4096xbf16, #tpu.memory_space<vmem>>, %arg3: memref<1x4096x1024xf32, #tpu.memory_space<vmem>>, %arg4: memref<1x1x1024xf32, #tpu.memory_space<vmem>>, %arg5: memref<256x1024xf32, #tpu.memory_space<vmem>>, %arg6: memref<4096x1024xbf16, #tpu.memory_space<vmem>>) attributes {dimension_semantics = [#tpu.dimension_semantics<arbitrary>], iteration_bounds = array<i64: 23>, scalar_prefetch = 1 : i64, scratch_operands = 1 : i64, tpu.core_type = #tpu.core_type<tc>, window_params = [{transform_indices = @transform_0, window_bounds = array<i64: 256, 4096>}, {transform_indices = @transform_1, window_bounds = array<i64: 1, 4096, 1024>}, {transform_indices = @transform_2, window_bounds = array<i64: 1, 1, 1024>}, {transform_indices = @transform_3, window_bounds = array<i64: 256, 1024>}]} {
    %eq3A = arith.constant 0 : i32
    %eq3A_0 = arith.cmpi eq, %arg0, %eq3A : i32
    %get3A = arith.index_cast %arg0 : i32 to index
    %get3A_1 = memref.load %arg1[%get3A] : memref<23xi32, #tpu.memory_space<smem>>
    %sub3A = arith.constant 1 : i32
    %sub3A_2 = arith.subi %arg0, %sub3A : i32
    %max3A = arith.constant 0 : i32
    %max3A_3 = arith.maxsi %sub3A_2, %max3A : i32
    %get3A_4 = arith.index_cast %max3A_3 : i32 to index
    %get3A_5 = memref.load %arg1[%get3A_4] : memref<23xi32, #tpu.memory_space<smem>>
    %ne3A = arith.cmpi ne, %get3A_1, %get3A_5 : i32
    %or3A = arith.ori %eq3A_0, %ne3A : i1
    %convert_element_type3A = arith.extui %or3A : i1 to i32
    %cond3A = arith.constant 0 : i32
    %cond3A_6 = arith.cmpi ne, %convert_element_type3A, %cond3A : i32
    scf.if %cond3A_6 {
      %get3A_22 = arith.constant 0 : index
      %get3A_23 = arith.constant 0 : index
      %get3A_24 = arith.constant 0 : index
      %get3A_25 = vector.load %arg3[%get3A_22, %get3A_23, %get3A_24] : memref<1x4096x1024xf32, #tpu.memory_space<vmem>>, vector<1x4096x1024xf32>
      %get3A_26 = vector.shape_cast %get3A_25 : vector<1x4096x1024xf32> to vector<4096x1024xf32>
      %convert_element_type3A_27 = arith.truncf %get3A_26 : vector<4096x1024xf32> to vector<4096x1024xbf16>
      %swap3A_28 = arith.constant 0 : index
      %swap3A_29 = arith.constant 0 : index
      %swap3A_30 = vector.load %arg6[%swap3A_28, %swap3A_29] : memref<4096x1024xbf16, #tpu.memory_space<vmem>>, vector<4096x1024xbf16>
      tpu.vector_store %arg6[%swap3A_28, %swap3A_29], %convert_element_type3A_27 {strides = array<i32>} : memref<4096x1024xbf16, #tpu.memory_space<vmem>>, vector<4096x1024xbf16>,
    } else {
    }
    %get3A_7 = arith.constant 0 : index
    %get3A_8 = arith.constant 0 : index
    %get3A_9 = vector.load %arg2[%get3A_7, %get3A_8] : memref<256x4096xbf16, #tpu.memory_space<vmem>>, vector<256x4096xbf16>
    %get3A_10 = arith.constant 0 : index
    %get3A_11 = arith.constant 0 : index
    %get3A_12 = vector.load %arg6[%get3A_10, %get3A_11] : memref<4096x1024xbf16, #tpu.memory_space<vmem>>, vector<4096x1024xbf16>
    %dot_general3A = arith.constant dense<0.000000e+00> : vector<256x1024xf32>
    %dot_general3A_13 = tpu.matmul %get3A_9, %get3A_12, %dot_general3A {dimension_numbers = #tpu.dot_dimension_numbers<[1], [0], [0], [1], [0, 0, 1, 1], [], []>, transpose_lhs_hint = false} : vector<256x4096xbf16>, vector<4096x1024xbf16>, vector<256x1024xf32> -> vector<256x1024xf32>
    %get3A_14 = arith.constant 0 : index
    %get3A_15 = arith.constant 0 : index
    %get3A_16 = arith.constant 0 : index
    %get3A_17 = vector.load %arg4[%get3A_14, %get3A_15, %get3A_16] : memref<1x1x1024xf32, #tpu.memory_space<vmem>>, vector<1x1x1024xf32>
    %get3A_18 = vector.shape_cast %get3A_17 : vector<1x1x1024xf32> to vector<1x1024xf32>
    %add3A = vector.broadcast %get3A_18 : vector<1x1024xf32> to vector<256x1024xf32>
    %add3A_19 = arith.addf %dot_general3A_13, %add3A : vector<256x1024xf32>
    %swap3A = arith.constant 0 : index
    %swap3A_20 = arith.constant 0 : index
    %swap3A_21 = vector.load %arg5[%swap3A, %swap3A_20] : memref<256x1024xf32, #tpu.memory_space<vmem>>, vector<256x1024xf32>
    tpu.vector_store %arg5[%swap3A, %swap3A_20], %add3A_19 {strides = array<i32>} : memref<256x1024xf32, #tpu.memory_space<vmem>>, vector<256x1024xf32>,
    return
  }
  func.func @transform_0(%arg0: i32, %arg1: memref<23xi32, #tpu.memory_space<smem>>) -> (i32, i32) {
    %c0_i32 = arith.constant 0 : i32
    %c0_i32_0 = arith.constant 0 : i32
    return %arg0, %c0_i32 : i32, i32
  }
  func.func @transform_1(%arg0: i32, %arg1: memref<23xi32, #tpu.memory_space<smem>>) -> (i32, i32, i32) {
    %get3A = arith.index_cast %arg0 : i32 to index
    %get3A_0 = memref.load %arg1[%get3A] : memref<23xi32, #tpu.memory_space<smem>>
    %c0_i32 = arith.constant 0 : i32
    %c0_i32_1 = arith.constant 0 : i32
    %c0_i32_2 = arith.constant 0 : i32
    return %get3A_0, %c0_i32, %c0_i32_1 : i32, i32, i32
  }
  func.func @transform_2(%arg0: i32, %arg1: memref<23xi32, #tpu.memory_space<smem>>) -> (i32, i32, i32) {
    %get3A = arith.index_cast %arg0 : i32 to index
    %get3A_0 = memref.load %arg1[%get3A] : memref<23xi32, #tpu.memory_space<smem>>
    %c0_i32 = arith.constant 0 : i32
    %c0_i32_1 = arith.constant 0 : i32
    %c0_i32_2 = arith.constant 0 : i32
    return %get3A_0, %c0_i32, %c0_i32_1 : i32, i32, i32
  }
  func.func @transform_3(%arg0: i32, %arg1: memref<23xi32, #tpu.memory_space<smem>>) -> (i32, i32) {
    %c0_i32 = arith.constant 0 : i32
    %c0_i32_0 = arith.constant 0 : i32
    return %arg0, %c0_i32 : i32, i32
  }
}

</mosaic_0001>

<sc_bundles>
// kernel: kernel.10.cloned.1.call-start
scs
__scs_entry_jumppad:
0x0: {  	(pc) =	sbr.rel $0x88, $3  }
0x1: {  	(tag) =	ssettag $0x0;
	lr =	simm.s32 $0x1  }
0x2: {  	[smem:$0x3F9B] =	sst lr;
	_ =	strace $0xD0000000  }
0x3: {  	_ = 	snop  }
0x4: {  	_ = 	snop  }
0x5: {  	_ = 	snop  }
0x6: {  	_ = 	snop  }
0x7: {  	_ = 	snop  }
__scs_overlays_trampoline_lowered:
0x8: {  	[smem:$0x3FAA] =	sst s0  }
0x9: {  	[smem:$0x3FAB] =	sst s1  }
0xa: {  	[smem:$0x3FAC] =	sst s2  }
0xb: {  	[smem:$0x3FAD] =	sst s3  }
0xc: {  	[smem:$0x3FAE] =	sst s4  }
0xd: {  	[smem:$0x3FAF] =	sst s5  }
0xe: {  	[smem:$0x3FB0] =	sst s6  }
0xf: {  	[smem:$0x3FB1] =	sst s7  }
0x10: {  	[smem:$0x3FB2] =	sst s8  }
0x11: {  	[smem:$0x3FB3] =	sst s9;
	s0 =	simm.s32 @!p0 $0x0  }
0x12: {  	s1 =	sld [smem:$0x3F99];
	s0 =	simm.s32 @p0 $0x1  }
0x13: {  	[smem:$0x3FB4] =	sst s0;
	s0 =	simm.s32 @!p1 $0x0  }
0x14: {  	s2 =	sld [smem:$0x3F98];
	s0 =	simm.s32 @p1 $0x1  }
0x15: {  	[smem:$0x3FB5] =	sst s0;
	s0 =	simm.s32 @!p2 $0x0  }
0x16: {  	s3 =	sld [smem:$0x3FDB];
	s0 =	simm.s32 @p2 $0x1  }
0x17: {  	s4 =	simm.s32 $0x1BF5;
	[smem:$0x3FB7] =	sst s0  }
0x18: {  	s0 =	sld [smem:$0x3F9A];
	_ =	swait.ge [sflag:s4], $0x0  }
0x19: {  	s7 =	sld [smem:$0x3F9B]  }
0x1a: {  	s8 =	sadd.s32 $0xFFFFE003, lr  }
0x1b: {  	s9 =	sadd.s32 $0xFFFFFEF7, lr;
	s5 =	simm.s32 $0xFFFFFFFF;
	p2 =	slt.u32 s8, $0xFFFFF086  }
0x1c: {  	p1 =	slt.u32 s9, $0xF7A;
	s5 =	simm.s32 @!p2 $0x0  }
0x1d: {  	s5 =	simm.s32 @p1 $0x1;
	p0 =	seq.s32 s7, s2  }
0x1e: {  	s7 =	smul.u32 @!p0 $0xF7A, s2;
	p2 =	seq.s32 @!p0 s5, $0x0  }
0x1f: {  	s9 =	smul.u32 $0xF7A, s1;
	s8 =	simm.s32 @!p0 $0x1BF5;
	p2 =	por !p2, p0  }
0x20: {  	[sflag:s8] =	ssyncset.s32 @!p0 $0xFFFFF086;
	s6 =	sadd.s32 @!p0 s3, s7;
	s7 =	simm.s32 @!p0 $0x108  }
0x21: {  	s3 =	sadd.s32 s3, s9;
	s6 =	sadd.s32 @!p0 $0x88, s6;
	s7 =	simm.s32 @p2 $0x1082  }
0x22: {  	[simem:s7], [sflag:s8] =	dma.local @!p0 [hbm:s6], $0xF7A  }
0x23: {  	s9 =	sor.u32 $0xD0000000, s2;
	s6 =	simm.s32 $0x108;
	_ =	swait.ge @!p0 [sflag:s8], $0x0  }
0x24: {  	s3 =	sadd.s32 $0x88, s3;
	s6 =	simm.s32 @!p1 $0x1082;
	[sflag:s4] =	ssyncset.s32 $0xFFFFF086  }
0x25: {  	[simem:s6], [sflag:s4] =	dma.local [hbm:s3], $0xF7A  }
0x26: {  	[smem:$0x3F9B] =	sst s1;
	(tag) =	ssettag s2;
	_ =	strace s9  }
0x27: {  	s1 =	sld [smem:$0x3FAB]  }
0x28: {  	s2 =	sld [smem:$0x3FAC]  }
0x29: {  	s4 =	sld [smem:$0x3FAE]  }
0x2a: {  	p0 =	seq.s32 s5, $0x0;
	s5 =	sld [smem:$0x3FAF]  }
0x2b: {  	s6 =	sld [smem:$0x3FB0]  }
0x2c: {  	s7 =	sld [smem:$0x3FB1]  }
0x2d: {  	s3 =	simm.s32 $0x108;
	s8 =	sld [smem:$0x3FB2]  }
0x2e: {  	s3 =	simm.s32 @!p0 $0x1082;
	s9 =	sld [smem:$0x3FB3]  }
0x2f: {  	lr =	sadd.s32 s0, s3;
	s0 =	sld [smem:$0x3FAA]  }
0x30: {  	s3 =	sld [smem:$0x3FAD]  }
0x31: {  	[smem:$0x3FB6] =	sst s10  }
0x32: {  	s10 =	sld [smem:$0x3FB4];
	_ =	sdelay $0x3  }
0x33: {  	p0 =	seq.s32 s10, $0x1;
	s10 =	sld [smem:$0x3FB6];
	_ =	sdelay $0x3  }
0x34: {  	[smem:$0x3FB6] =	sst s10  }
0x35: {  	s10 =	sld [smem:$0x3FB5];
	_ =	sdelay $0x3  }
0x36: {  	p1 =	seq.s32 s10, $0x1;
	s10 =	sld [smem:$0x3FB6];
	_ =	sdelay $0x3  }
0x37: {  	[smem:$0x3FB6] =	sst s10  }
0x38: {  	s10 =	sld [smem:$0x3FB7]  }
0x39: {  	_ = 	snop;
	(pc) =	sbr.ind lr, $3  }
0x3a: {  	_ = 	snop  }
0x3b: {  	_ = 	snop  }
0x3c: {  	p2 =	seq.s32 s10, $0x1;
	s10 =	sld [smem:$0x3FB6]  }
0x3d: {  	_ =	shalt  }
0x3e: {  	_ =	shalt  }
0x3f: {  	_ =	shalt  }
0x40: {  	_ =	shalt  }
0x41: {  	_ =	shalt  }
0x42: {  	_ =	shalt  }
0x43: {  	_ =	shalt  }
0x44: {  	_ =	shalt  }
0x45: {  	_ =	shalt  }
0x46: {  	_ =	shalt  }
0x47: {  	_ =	shalt  }
0x48: {  	_ =	shalt  }
0x49: {  	_ =	shalt  }
0x4a: {  	_ =	shalt  }
0x4b: {  	_ =	shalt  }
0x4c: {  	_ =	shalt  }
0x4d: {  	_ =	shalt  }
0x4e: {  	_ =	shalt  }
0x4f: {  	_ =	shalt  }
0x50: {  	_ =	shalt  }
0x51: {  	_ =	shalt  }
0x52: {  	_ =	shalt  }
0x53: {  	_ =	shalt  }
0x54: {  	_ =	shalt  }
0x55: {  	_ =	shalt  }
0x56: {  	_ =	shalt  }
0x57: {  	_ =	shalt  }
0x58: {  	_ =	shalt  }
0x59: {  	_ =	shalt  }
0x5a: {  	_ =	shalt  }
0x5b: {  	_ =	shalt  }
0x5c: {  	_ =	shalt  }
0x5d: {  	_ =	shalt  }
0x5e: {  	_ =	shalt  }
0x5f: {  	_ =	shalt  }
0x60: {  	_ =	shalt  }
0x61: {  	_ =	shalt  }
0x62: {  	_ =	shalt  }
0x63: {  	_ =	shalt  }
0x64: {  	_ =	shalt  }
0x65: {  	_ =	shalt  }
0x66: {  	_ =	shalt  }
0x67: {  	_ =	shalt  }
0x68: {  	_ =	shalt  }
0x69: {  	_ =	shalt  }
0x6a: {  	_ =	shalt  }
0x6b: {  	_ =	shalt  }
0x6c: {  	_ =	shalt  }
0x6d: {  	_ =	shalt  }
0x6e: {  	_ =	shalt  }
0x6f: {  	_ =	shalt  }
0x70: {  	_ =	shalt  }
0x71: {  	_ =	shalt  }
0x72: {  	_ =	shalt  }
0x73: {  	_ =	shalt  }
0x74: {  	_ =	shalt  }
0x75: {  	_ =	shalt  }
0x76: {  	_ =	shalt  }
0x77: {  	_ =	shalt  }
0x78: {  	_ =	shalt  }
0x79: {  	_ =	shalt  }
0x7a: {  	_ =	shalt  }
0x7b: {  	_ =	shalt  }
0x7c: {  	_ =	shalt  }
0x7d: {  	_ =	shalt  }
0x7e: {  	_ =	shalt  }
0x7f: {  	_ =	shalt  }
0x80: {  	_ =	shalt  }
0x81: {  	_ =	shalt  }
0x82: {  	_ =	shalt  }
0x83: {  	_ =	shalt  }
0x84: {  	_ =	shalt  }
0x85: {  	_ =	shalt  }
0x86: {  	_ =	shalt  }
0x87: {  	_ =	shalt  }
.Lfunc_end0:
.L_simem_size_0:
called_computation.1_lowered:
.L_overlay_start_0:
0x88: {  	s2 =	sld [smem:$0x3FD9]  }
0x89: {  	s3 =	sld [smem:$0x3FFE];
	_ =	sdelay $0x1  }
0x8a: {  	s1 =	srdreg.scid  }
0x8b: {  	s0 =	sand.u32 $0x1, s1  }
0x8c: {  	s17 =	sshll.u32 s0, $0xA;
	s2 =	sadd.s32 s3, s2  }
0x8d: {  	s2 =	sadd.s32 s2, s17  }
0x8e: {  	[smem:$0x3FC2] =	sst s2  }
0x8f: {  	_ = 	snop  }
0x90: {  	s2 =	sld [smem:$0x3FD0];
	(tm) =	ssettm $0x1  }
0x91: {  	s18 =	sld [smem:$0x3FFB];
	_ =	sdelay $0x3  }
0x92: {  	_ =	strace s18  }
0x93: {  	s3 =	sld [smem:$0x3FFC];
	_ =	sdelay $0x3  }
0x94: {  	_ =	strace s3  }
0x95: {  	s3 =	sld [smem:$0x3FFD];
	_ =	sdelay $0x3  }
0x96: {  	_ =	strace s3  }
0x97: {  	_ =	strace $0x8FFFFFFF  }
0x98: {  	s19 =	sld [smem:$0x3FDB];
	_ =	sdelay $0x1  }
0x99: {  	s4 =	simm.s32 $_scs_section_size  }
0x9a: {  	s5 =	simm.s32 $_size__tile_overlayer_lowered;
	s6 =	simm.s32 $_tile_overlayer_lowered  }
0x9b: {  	s22 =	simm.s32 $0x1BFF;
	s21 =	sshll.u32 s6, $0x1;
	s3 =	sadd.s32 s4, s19  }
0x9c: {  	s7 =	simm.s32 $0x0;
	s20 =	sshll.u32 s5, $0x1;
	s5 =	sadd.s32 s21, s3  }
0x9d: {  	[timem:s7], [sflag:s22] =	dma.local [hbm:s5], s20  }
0x9e: {  	_ =	swait.ge [sflag:s22], s20  }
0x9f: {  	s4 =	ssub.s32 $0x0, s20;
	[sflag:s22] =	ssyncset.done $0x0  }
0xa0: {  	[sflag:s22] =	ssyncadd.s32 s4;
	_ =	sdelay $0x1  }
0xa1: {  	s23 =	simm.s32 $0x1B8B  }
0xa2: {  	_ =	swait.ge [sflag:s23], $0x1  }
0xa3: {  	[sflag:s23] =	ssyncset.done $0x0  }
0xa4: {  	s25 =	simm.s32 $0x1B8E;
	s24 =	sld [smem:$0x3FFE];
	[sflag:s23] =	ssyncadd.s32 $0xFFFFFFFF  }
0xa5: {  	s26 =	simm.s32 $execute0_lowered;
	[smem:$0x3FD2] =	sst s25  }
0xa6: {  	s5 =	sshll.u32 s26, $0x1;
	_ =	strace $0x80000049;
	[dreg:$0x1] =	wrdreg $0xFFFFFFFF  }
0xa7: {  	s28 =	simm.s32 $_size_execute0_lowered;
	s3 =	sadd.s32 s3, s5;
	[dreg:$0x0] =	wrdreg $0x0  }
0xa8: {  	s5 =	sshll.u32 s28, $0x1;
	[dreg:$0x2] =	wrdreg s3  }
0xa9: {  	[dreg:$0x3] =	wrdreg s5  }
0xaa: {  	[dreg:$0x4] =	wrdreg $0xC0  }
0xab: {  	_ =	task [dreg:s7], $0x5FFFF  }
0xac: {  	[dreg:$0x1] =	wrdreg $0xFFFFFFFF  }
0xad: {  	[dreg:$0x0] =	wrdreg $0x60  }
0xae: {  	[dreg:$0x2] =	wrdreg s24  }
0xaf: {  	[dreg:$0x3] =	wrdreg s2  }
0xb0: {  	[dreg:$0x4] =	wrdreg $0x9  }
0xb1: {  	_ =	task.clear_ibuf [dreg:s7], $0x5FFFF;
	_ =	strace $0x90000049  }
0xb2: {  	s29 =	simm.s32 $0x9;
	_ =	strace $0x8000004B  }
0xb3: {  	_ =	swait.ge [sflag:s29], $0x1  }
0xb4: {  	[sflag:s29] =	ssyncadd.s32 $0xFFFFFFFF  }
0xb5: {  	_ =	strace $0x9000004B  }
0xb6: {  	_ =	sfence  }
0xb7: {  	s30 =	sld [smem:$0x0];
	_ =	sdelay $0x2  }
0xb8: {  	s31 =	sshll.u32 s1, $0xD;
	s1 =	sshrl.u32 s1, $0x2  }
0xb9: {  	s3 =	sand.u32 $0x4000, s31;
	s1 =	sadd.s32 s1, s30  }
0xba: {  	s0 =	sor.u32 s3, s0;
	s1 =	sshll.u32 s1, $0x11  }
0xbb: {  	s0 =	sor.u32 s1, s0  }
0xbc: {  	s0 =	sadd.s32 $0x8F2B, s0  }
0xbd: {  	[sflag:s0] =	ssyncadd.remote.s32 $0x1  }
0xbe: {  	_ =	sfence.sel $0xFFFF  }
0xbf: {  	[dreg:$0x0] =	wrdreg $0xFFFFFFFF;
	(pc) =	sbr.abs _section_cstart, $3  }
0xc0: {  	[dreg:$0x1] =	wrdreg $0xFFFFFFFF  }
0xc1: {  	_ =	task.clear_ibuf [dreg:s7], $0x2FFFF;
	_ =	strace $0x9FFFFFFF  }
0xc2: {  	(tm) =	ssettm $0x7FFFFFFF  }
0xc3: {  	_ =	shalt  }
tec
execute0_lowered:
.L_overlay_start_1:
0x0: {  	(tag) =	ssettag $0x1  }
0x1: {  	s0 =	rddreg [dreg:$0x0]  }
0x2: {  	s1 =	rddreg [dreg:$0x1];
	s2 =	simm.s32 $0x0  }
0x3: {  	s3 =	srdreg.scid;
	s5 =	stileid.u32;
	s16 =	simm.s32 $0x3  }
0x4: {  	s20 =	simm.s32 $0x4100;
	s21 =	simm.s32 $0x1;
	s28 =	simm.s32 $0x10100  }
0x5: {  	s29 =	simm.s32 $0x10900;
	s30 =	simm.s32 $0x11100;
	s12 =	simm.s32 $0x11900  }
0x6: {  	s31 =	simm.s32 $0x12100;
	s13 =	simm.s32 $0x12900;
	s14 =	simm.s32 $0x13900  }
0x7: {  	s15 =	simm.s32 $0x0;
	s4 =	sand.u32 $0x1, s3;
	s5 =	sshll.u32 s5, $0x1  }
0x8: {  	[smem:$0x7FF] =	sst s2;
	s5 =	sor.u32 s4, s5;
	s4 =	ssub.s32 $0x2, s4  }
0x9: {  	s3 =	sadd.s32 $0x1C200, s0;
	s7 =	sshrl.u32 s4, $0x1;
	s8 =	sshll.u32 s5, $0x4  }
0xa: {  	s6 =	sshll.u32 s5, $0xA;
	s7 =	ssub.s32 s4, s7;
	s4 =	sadd.s32 s0, s8  }
0xb: {  	_ =	strace $0x8000004A;
	s6 =	sadd.s32 s6, s0;
	s8 =	sadd.s32 $0x200, s4  }
0xc: {  	s5 =	sshll.u32 s5, $0xD;
	s22 =	sadd.s32 $0xC200, s6;
	[dreg:$0x3] =	wrdreg s8  }
0xd: {  	s9 =	sadd.s32 s1, s5;
	s6 =	sadd.s32 $0x14200, s6;
	[dreg:$0x4] =	wrdreg s22  }
0xe: {  	s10 =	sadd.s32 $0x1C400, s0;
	s23 =	sadd.s32 $0x800, s9;
	[dreg:$0x5] =	wrdreg s6  }
0xf: {  	s11 =	sadd.s32 $0x1C500, s0;
	s24 =	sadd.s32 $0x1000, s9;
	[dreg:$0x6] =	wrdreg s23  }
0x10: {  	s5 =	simm.s32 $0x8100;
	s25 =	sadd.s32 $0x1800, s9;
	[dreg:$0x7] =	wrdreg s24  }
0x11: {  	v2 =	vlaneseq.u32;
	s1 =	simm.s32 $0x2;
	s26 =	smax.u32 s7, $0x1;
	[dreg:$0x8] =	wrdreg s25  }
0x12: {  	vm0 =	vmmov $0xffff;
	v1 =	vshrl.u32 v2, $0x3;
	s7 =	simm.s32 $0xA900;
	s8 =	sadd.s32 $0x1C300, s0;
	[dreg:$0x9] =	wrdreg s26  }
0x13: {  	v0 =	vand.u32 $0x7, v2;
	v2 =	vor.u32 $0x8, v2;
	v1 =	vmul.u32 $0x8, v1;
	s25 =	simm.s32 $0xB100;
	s26 =	simm.s32 $0xB900;
	s0 =	simm.s32 $0x13100  }
.LBB2_1:
0x14: {  	[tilespmem:s2], [sflag:$0x3] =	stream.linear.gather [hbm4b:s4+s2], $0x80, $0x38;
	[tilespmem:$0x14100] =	vst v63  }
0x15: {  	_ =	swait.ge [sflag:s16], $0x80  }
0x16: {  	[sflag:s16] =	ssyncset.done $0x0  }
0x17: {  	s17 =	simm.s32 $0x80;
	s6 =	rddreg [dreg:$0x3];
	[sflag:s16] =	ssyncadd.s32 $0xFFFFFF80  }
0x18: {  	[tilespmem:s17], [sflag:$0x3] =	stream.linear.gather [hbm4b:s6+s2], $0x80, $0x38;
	[tilespmem:$0x14100] =	vst v63  }
0x19: {  	_ =	swait.ge [sflag:s16], $0x80  }
0x1a: {  	[sflag:s16] =	ssyncset.done $0x0  }
0x1b: {  	s19 =	simm.s32 $0x100;
	s18 =	rddreg [dreg:$0x4];
	[sflag:s16] =	ssyncadd.s32 $0xFFFFFF80  }
0x1c: {  	[tilespmem:s19], [sflag:$0x3] =	stream.linear.gather [hbm4b:s18+s2], $0x2000, $0x38;
	[tilespmem:$0x14100] =	vst v63  }
0x1d: {  	_ =	swait.ge [sflag:s16], $0x2000  }
0x1e: {  	[sflag:s16] =	ssyncset.done $0x0  }
0x1f: {  	s23 =	simm.s32 $0x2100;
	s22 =	rddreg [dreg:$0x5];
	[sflag:s16] =	ssyncadd.s32 $0xFFFFE000  }
0x20: {  	[tilespmem:s23], [sflag:$0x3] =	stream.linear.gather [hbm4b:s22+s2], $0x2000, $0x38;
	[tilespmem:$0x14100] =	vst v63  }
0x21: {  	_ =	swait.ge [sflag:s16], $0x2000  }
0x22: {  	[sflag:s16] =	ssyncset.done $0x0  }
0x23: {  	[sflag:s16] =	ssyncadd.s32 $0xFFFFE000  }
0x24: {  	v3 =	vld [tilespmem:$0x0];
	_ =	sdelay $0x4  }
0x25: {  	v4 =	vshll.u32 v3, $0x3  }
0x26: {  	v3 =	vand.u32 $0x7, v3;
	v4 =	vand.u32 $0xFFFFFFC0, v4  }
0x27: {  	v3 =	vor.u32 v3, v4  }
0x28: {  	v4 =	vperm.xlane v3, v0;
	_ =	sdelay $0x1  }
0x29: {  	v4 =	vadd.s32 v1, v4;
	_ =	sdelay $0x4  }
0x2a: {  	v5 =	vld [tilespmem:$0x80];
	[tilespmem:s20], [sflag:$0x1] =	stream.indirect_vreg.gather [hbm4b:s3+s2], $0x80, v4, vm0, $0xb8  }
0x2b: {  	s24 =	simm.s32 $0x4900;
	v3 =	vperm.xlane v3, v2  }
0x2c: {  	[tilespmem:s24], [sflag:$0x1] =	stream.indirect_vreg.gather [hbm4b:s8+s2], $0x80, v4, vm0, $0xb8;
	[tilespmem:$0x14100] =	vst v63  }
0x2d: {  	s17 =	simm.s32 $0x5100;
	v3 =	vadd.s32 v1, v3  }
0x2e: {  	[tilespmem:s17], [sflag:$0x1] =	stream.indirect_vreg.gather [hbm4b:s10+s2], $0x80, v4, vm0, $0xb8;
	[tilespmem:$0x14100] =	vst v63  }
0x2f: {  	s18 =	simm.s32 $0x5900  }
0x30: {  	v60 =	vshll.u32 v5, $0x3;
	[tilespmem:s18], [sflag:$0x1] =	stream.indirect_vreg.gather [hbm4b:s11+s2], $0x80, v4, vm0, $0xb8;
	[tilespmem:$0x14100] =	vst v63  }
0x31: {  	s19 =	simm.s32 $0x6100;
	v5 =	vand.u32 $0x7, v5;
	v4 =	vand.u32 $0xFFFFFFC0, v60  }
0x32: {  	v4 =	vor.u32 v5, v4;
	[tilespmem:s19], [sflag:$0x1] =	stream.indirect_vreg.gather [hbm4b:s3+s2], $0x80, v3, vm0, $0xb8;
	[tilespmem:$0x14100] =	vst v63  }
0x33: {  	s22 =	simm.s32 $0x6900;
	v5 =	vperm.xlane v4, v0  }
0x34: {  	[tilespmem:s22], [sflag:$0x1] =	stream.indirect_vreg.gather [hbm4b:s8+s2], $0x80, v3, vm0, $0xb8;
	[tilespmem:$0x14100] =	vst v63  }
0x35: {  	s23 =	simm.s32 $0x7100;
	v5 =	vadd.s32 v1, v5  }
0x36: {  	[tilespmem:s23], [sflag:$0x1] =	stream.indirect_vreg.gather [hbm4b:s10+s2], $0x80, v3, vm0, $0xb8;
	[tilespmem:$0x14100] =	vst v63  }
0x37: {  	s24 =	simm.s32 $0x7900  }
0x38: {  	[tilespmem:s24], [sflag:$0x1] =	stream.indirect_vreg.gather [hbm4b:s11+s2], $0x80, v3, vm0, $0xb8;
	[tilespmem:$0x14100] =	vst v63  }
0x39: {  	s17 =	simm.s32 $0xC100  }
0x3a: {  	[tilespmem:s17], [sflag:$0x1] =	stream.indirect_vreg.gather [hbm4b:s3+s2], $0x80, v5, vm0, $0xb8;
	[tilespmem:$0x14100] =	vst v63  }
0x3b: {  	s18 =	simm.s32 $0xC900;
	v3 =	vperm.xlane v4, v2  }
0x3c: {  	[tilespmem:s18], [sflag:$0x1] =	stream.indirect_vreg.gather [hbm4b:s8+s2], $0x80, v5, vm0, $0xb8;
	[tilespmem:$0x14100] =	vst v63  }
0x3d: {  	s19 =	simm.s32 $0xD100;
	v3 =	vadd.s32 v1, v3  }
0x3e: {  	[tilespmem:s19], [sflag:$0x1] =	stream.indirect_vreg.gather [hbm4b:s10+s2], $0x80, v5, vm0, $0xb8;
	[tilespmem:$0x14100] =	vst v63  }
0x3f: {  	s22 =	simm.s32 $0xD900  }
0x40: {  	[tilespmem:s22], [sflag:$0x1] =	stream.indirect_vreg.gather [hbm4b:s11+s2], $0x80, v5, vm0, $0xb8;
	[tilespmem:$0x14100] =	vst v63  }
0x41: {  	s23 =	simm.s32 $0xE100  }
0x42: {  	[tilespmem:s23], [sflag:$0x1] =	stream.indirect_vreg.gather [hbm4b:s3+s2], $0x80, v3, vm0, $0xb8;
	[tilespmem:$0x14100] =	vst v63  }
0x43: {  	s24 =	simm.s32 $0xE900  }
0x44: {  	[tilespmem:s24], [sflag:$0x1] =	stream.indirect_vreg.gather [hbm4b:s8+s2], $0x80, v3, vm0, $0xb8;
	[tilespmem:$0x14100] =	vst v63  }
0x45: {  	s17 =	simm.s32 $0xF100  }
0x46: {  	[tilespmem:s17], [sflag:$0x1] =	stream.indirect_vreg.gather [hbm4b:s10+s2], $0x80, v3, vm0, $0xb8;
	[tilespmem:$0x14100] =	vst v63  }
0x47: {  	s18 =	simm.s32 $0xF900  }
0x48: {  	[tilespmem:s18], [sflag:$0x1] =	stream.indirect_vreg.gather [hbm4b:s11+s2], $0x80, v3, vm0, $0xb8;
	[tilespmem:$0x14100] =	vst v63  }
0x49: {  	_ =	swait.ge [sflag:s21], $0x4000  }
0x4a: {  	[sflag:s21] =	ssyncset.done $0x0  }
0x4b: {  	[sflag:s21] =	ssyncadd.s32 $0xFFFFC000  }
0x4c: {  	_ =	swait.ge [sflag:s21], $0x4000  }
0x4d: {  	[sflag:s21] =	ssyncset.done $0x0  }
0x4e: {  	[sflag:s21] =	ssyncadd.s32 $0xFFFFC000  }
0x4f: {  	v3 =	vld [tilespmem:$0x10];
	_ =	sdelay $0x4  }
0x50: {  	v61 =	vshll.u32 v3, $0x3  }
0x51: {  	v3 =	vand.u32 $0x7, v3;
	v4 =	vand.u32 $0xFFFFFFC0, v61  }
0x52: {  	v3 =	vor.u32 v3, v4  }
0x53: {  	v4 =	vperm.xlane v3, v0;
	_ =	sdelay $0x1  }
0x54: {  	v4 =	vadd.s32 v1, v4;
	_ =	sdelay $0x4  }
0x55: {  	v62 =	vld [tilespmem:$0x90];
	[tilespmem:s5], [sflag:$0x1] =	stream.indirect_vreg.gather [hbm4b:s3+s2], $0x80, v4, vm0, $0xb8  }
0x56: {  	s19 =	simm.s32 $0x8900;
	v3 =	vperm.xlane v3, v2  }
0x57: {  	[tilespmem:s19], [sflag:$0x1] =	stream.indirect_vreg.gather [hbm4b:s8+s2], $0x80, v4, vm0, $0xb8;
	[tilespmem:$0x14100] =	vst v63  }
0x58: {  	s22 =	simm.s32 $0x9100;
	v3 =	vadd.s32 v1, v3  }
0x59: {  	[tilespmem:s22], [sflag:$0x1] =	stream.indirect_vreg.gather [hbm4b:s10+s2], $0x80, v4, vm0, $0xb8;
	[tilespmem:$0x14100] =	vst v63  }
0x5a: {  	s23 =	simm.s32 $0x9900  }
0x5b: {  	v63 =	vshll.u32 v62, $0x3;
	[tilespmem:s23], [sflag:$0x1] =	stream.indirect_vreg.gather [hbm4b:s11+s2], $0x80, v4, vm0, $0xb8;
	[tilespmem:$0x14100] =	vst v63  }
0x5c: {  	s24 =	simm.s32 $0xA100;
	v5 =	vand.u32 $0x7, v62;
	v4 =	vand.u32 $0xFFFFFFC0, v63  }
0x5d: {  	v4 =	vor.u32 v5, v4;
	[tilespmem:s24], [sflag:$0x1] =	stream.indirect_vreg.gather [hbm4b:s3+s2], $0x80, v3, vm0, $0xb8;
	[tilespmem:$0x14100] =	vst v63  }
0x5e: {  	v5 =	vperm.xlane v4, v0  }
0x5f: {  	[tilespmem:s7], [sflag:$0x1] =	stream.indirect_vreg.gather [hbm4b:s8+s2], $0x80, v3, vm0, $0xb8;
	[tilespmem:$0x14100] =	vst v63  }
0x60: {  	v5 =	vadd.s32 v1, v5  }
0x61: {  	[tilespmem:s25], [sflag:$0x1] =	stream.indirect_vreg.gather [hbm4b:s10+s2], $0x80, v3, vm0, $0xb8;
	[tilespmem:$0x14100] =	vst v63  }
0x62: {  	_ = 	snop  }
0x63: {  	[tilespmem:s26], [sflag:$0x1] =	stream.indirect_vreg.gather [hbm4b:s11+s2], $0x80, v3, vm0, $0xb8;
	[tilespmem:$0x14100] =	vst v63  }
0x64: {  	_ = 	snop  }
0x65: {  	[tilespmem:s28], [sflag:$0x1] =	stream.indirect_vreg.gather [hbm4b:s3+s2], $0x80, v5, vm0, $0xb8;
	[tilespmem:$0x14100] =	vst v63  }
0x66: {  	v3 =	vperm.xlane v4, v2  }
0x67: {  	[tilespmem:s29], [sflag:$0x1] =	stream.indirect_vreg.gather [hbm4b:s8+s2], $0x80, v5, vm0, $0xb8;
	[tilespmem:$0x14100] =	vst v63  }
0x68: {  	v3 =	vadd.s32 v1, v3  }
0x69: {  	[tilespmem:s30], [sflag:$0x1] =	stream.indirect_vreg.gather [hbm4b:s10+s2], $0x80, v5, vm0, $0xb8;
	[tilespmem:$0x14100] =	vst v63  }
0x6a: {  	_ = 	snop  }
0x6b: {  	[tilespmem:s12], [sflag:$0x1] =	stream.indirect_vreg.gather [hbm4b:s11+s2], $0x80, v5, vm0, $0xb8;
	[tilespmem:$0x14100] =	vst v63  }
0x6c: {  	_ = 	snop  }
0x6d: {  	[tilespmem:s31], [sflag:$0x1] =	stream.indirect_vreg.gather [hbm4b:s3+s2], $0x80, v3, vm0, $0xb8;
	[tilespmem:$0x14100] =	vst v63  }
0x6e: {  	_ = 	snop  }
0x6f: {  	[tilespmem:s13], [sflag:$0x1] =	stream.indirect_vreg.gather [hbm4b:s8+s2], $0x80, v3, vm0, $0xb8;
	[tilespmem:$0x14100] =	vst v63  }
0x70: {  	_ = 	snop  }
0x71: {  	[tilespmem:s0], [sflag:$0x1] =	stream.indirect_vreg.gather [hbm4b:s10+s2], $0x80, v3, vm0, $0xb8;
	[tilespmem:$0x14100] =	vst v63  }
0x72: {  	s17 =	simm.s32 $0x0;
	s18 =	simm.s32 $0x0;
	s19 =	simm.s32 $0x0  }
0x73: {  	[tilespmem:s14], [sflag:$0x1] =	stream.indirect_vreg.gather [hbm4b:s11+s2], $0x80, v3, vm0, $0xb8;
	[tilespmem:$0x14100] =	vst v63  }
.LBB2_2:
0x74: {  	s6 =	sshll.u32 s18, $0x2;
	s22 =	sand.u32 $0x7, s17  }
0x75: {  	s6 =	sand.u32 $0xFFFF8000, s6;
	s22 =	sshll.u32 s22, $0x9  }
0x76: {  	s24 =	sshll.u32 s19, $0x7;
	s6 =	sor.u32 s22, s6  }
0x77: {  	v3 =	vld [tilespmem:s24+$0x100];
	s23 =	sshrl.u32 s6, $0x2  }
0x78: {  	v4 =	vld [tilespmem:s24+$0x2100];
	s6 =	sadd.s32 $0x4140, s23  }
0x79: {  	s22 =	sadd.s32 $0xC140, s23;
	v5 =	vld [tilespmem:s6+$0xFFFFFFC0]  }
0x7a: {  	v6 =	vld [tilespmem:s22+$0xFFFFFFC0];
	_ =	sdelay $0x4  }
0x7b: {  	v5 =	vmul.f32 v5, v3;
	v6 =	vmul.f32 v6, v4;
	_ =	sdelay $0x1  }
0x7c: {  	v5 =	vadd.f32 v6, v5;
	_ =	sdelay $0x1  }
0x7d: {  	[tilespmem:s6+$0xFFFFFFC0] =	vst v5;
	v5 =	vld [tilespmem:s6+$0xFFFFFFD0]  }
0x7e: {  	v6 =	vld [tilespmem:s22+$0xFFFFFFD0];
	_ =	sdelay $0x4  }
0x7f: {  	v5 =	vmul.f32 v5, v3;
	v6 =	vmul.f32 v6, v4;
	_ =	sdelay $0x1  }
0x80: {  	v5 =	vadd.f32 v6, v5;
	_ =	sdelay $0x1  }
0x81: {  	[tilespmem:s6+$0xFFFFFFD0] =	vst v5;
	v5 =	vld [tilespmem:s6+$0xFFFFFFE0]  }
0x82: {  	v6 =	vld [tilespmem:s22+$0xFFFFFFE0];
	_ =	sdelay $0x4  }
0x83: {  	v5 =	vmul.f32 v5, v3;
	v6 =	vmul.f32 v6, v4;
	_ =	sdelay $0x1  }
0x84: {  	v5 =	vadd.f32 v6, v5;
	_ =	sdelay $0x1  }
0x85: {  	[tilespmem:s6+$0xFFFFFFE0] =	vst v5;
	v5 =	vld [tilespmem:s6+$0xFFFFFFF0]  }
0x86: {  	v6 =	vld [tilespmem:s22+$0xFFFFFFF0];
	_ =	sdelay $0x4  }
0x87: {  	v5 =	vmul.f32 v5, v3;
	v6 =	vmul.f32 v6, v4;
	_ =	sdelay $0x1  }
0x88: {  	v5 =	vadd.f32 v6, v5;
	_ =	sdelay $0x1  }
0x89: {  	[tilespmem:s6+$0xFFFFFFF0] =	vst v5;
	v5 =	vld [tilespmem:s6+$0x0]  }
0x8a: {  	v6 =	vld [tilespmem:s22+$0x0];
	_ =	sdelay $0x4  }
0x8b: {  	v5 =	vmul.f32 v5, v3;
	v6 =	vmul.f32 v6, v4;
	_ =	sdelay $0x1  }
0x8c: {  	v5 =	vadd.f32 v6, v5;
	_ =	sdelay $0x1  }
0x8d: {  	[tilespmem:s6+$0x0] =	vst v5;
	v5 =	vld [tilespmem:s6+$0x10]  }
0x8e: {  	v6 =	vld [tilespmem:s22+$0x10];
	_ =	sdelay $0x4  }
0x8f: {  	v5 =	vmul.f32 v5, v3;
	v6 =	vmul.f32 v6, v4;
	_ =	sdelay $0x1  }
0x90: {  	v5 =	vadd.f32 v6, v5;
	_ =	sdelay $0x1  }
0x91: {  	[tilespmem:s6+$0x10] =	vst v5;
	v5 =	vld [tilespmem:s6+$0x20]  }
0x92: {  	v6 =	vld [tilespmem:s22+$0x20];
	_ =	sdelay $0x4  }
0x93: {  	v5 =	vmul.f32 v5, v3;
	v6 =	vmul.f32 v6, v4;
	_ =	sdelay $0x1  }
0x94: {  	v5 =	vadd.f32 v6, v5;
	_ =	sdelay $0x1  }
0x95: {  	[tilespmem:s6+$0x20] =	vst v5;
	v5 =	vld [tilespmem:s6+$0x30]  }
0x96: {  	v6 =	vld [tilespmem:s22+$0x30];
	_ =	sdelay $0x4  }
0x97: {  	v5 =	vmul.f32 v5, v3;
	v6 =	vmul.f32 v6, v4;
	_ =	sdelay $0x1  }
0x98: {  	v5 =	vadd.f32 v6, v5  }
0x99: {  	s23 =	simm.s32 $0x0;
	s24 =	sadd.s32 $0x400, s6  }
.LBB2_3:
0x9a: {  	v6 =	vld [tilespmem:s24+$0xFFFFFFC0];
	[tilespmem:s6+$0x30] =	vst v5;
	s22 =	sadd.s32 $0x400, s22;
	s6 =	smov.u32 s24  }
0x9b: {  	s23 =	sadd.s32 $0x8, s23;
	v5 =	vld [tilespmem:s22+$0xFFFFFFC0]  }
0x9c: {  	p0 =	slt.u32 s23, $0x38;
	_ =	sdelay $0x3  }
0x9d: {  	v6 =	vmul.f32 v6, v3;
	v5 =	vmul.f32 v5, v4;
	_ =	sdelay $0x1  }
0x9e: {  	v5 =	vadd.f32 v5, v6;
	_ =	sdelay $0x1  }
0x9f: {  	[tilespmem:s24+$0xFFFFFFC0] =	vst v5;
	v5 =	vld [tilespmem:s24+$0xFFFFFFD0]  }
0xa0: {  	v6 =	vld [tilespmem:s22+$0xFFFFFFD0];
	_ =	sdelay $0x4  }
0xa1: {  	v5 =	vmul.f32 v5, v3;
	v6 =	vmul.f32 v6, v4;
	_ =	sdelay $0x1  }
0xa2: {  	v5 =	vadd.f32 v6, v5;
	_ =	sdelay $0x1  }
0xa3: {  	[tilespmem:s24+$0xFFFFFFD0] =	vst v5;
	v5 =	vld [tilespmem:s24+$0xFFFFFFE0]  }
0xa4: {  	v6 =	vld [tilespmem:s22+$0xFFFFFFE0];
	_ =	sdelay $0x4  }
0xa5: {  	v5 =	vmul.f32 v5, v3;
	v6 =	vmul.f32 v6, v4;
	_ =	sdelay $0x1  }
0xa6: {  	v5 =	vadd.f32 v6, v5;
	_ =	sdelay $0x1  }
0xa7: {  	[tilespmem:s24+$0xFFFFFFE0] =	vst v5;
	v5 =	vld [tilespmem:s24+$0xFFFFFFF0]  }
0xa8: {  	v6 =	vld [tilespmem:s22+$0xFFFFFFF0];
	_ =	sdelay $0x4  }
0xa9: {  	v5 =	vmul.f32 v5, v3;
	v6 =	vmul.f32 v6, v4;
	_ =	sdelay $0x1  }
0xaa: {  	v5 =	vadd.f32 v6, v5;
	_ =	sdelay $0x1  }
0xab: {  	[tilespmem:s24+$0xFFFFFFF0] =	vst v5;
	v5 =	vld [tilespmem:s24+$0x0]  }
0xac: {  	v6 =	vld [tilespmem:s22+$0x0];
	_ =	sdelay $0x4  }
0xad: {  	v5 =	vmul.f32 v5, v3;
	v6 =	vmul.f32 v6, v4;
	_ =	sdelay $0x1  }
0xae: {  	v5 =	vadd.f32 v6, v5;
	_ =	sdelay $0x1  }
0xaf: {  	[tilespmem:s24+$0x0] =	vst v5;
	v5 =	vld [tilespmem:s24+$0x10]  }
0xb0: {  	v6 =	vld [tilespmem:s22+$0x10];
	_ =	sdelay $0x4  }
0xb1: {  	v5 =	vmul.f32 v5, v3;
	v6 =	vmul.f32 v6, v4;
	_ =	sdelay $0x1  }
0xb2: {  	v5 =	vadd.f32 v6, v5;
	_ =	sdelay $0x1  }
0xb3: {  	[tilespmem:s24+$0x10] =	vst v5;
	v5 =	vld [tilespmem:s24+$0x20]  }
0xb4: {  	v6 =	vld [tilespmem:s22+$0x20];
	_ =	sdelay $0x4  }
0xb5: {  	v5 =	vmul.f32 v5, v3;
	v6 =	vmul.f32 v6, v4;
	_ =	sdelay $0x1  }
0xb6: {  	v5 =	vadd.f32 v6, v5;
	_ =	sdelay $0x1  }
0xb7: {  	[tilespmem:s24+$0x20] =	vst v5;
	v5 =	vld [tilespmem:s24+$0x30]  }
0xb8: {  	v6 =	vld [tilespmem:s22+$0x30];
	_ =	sdelay $0x3  }
.Ltmp0:
0xb9: {  	(pc) =	sbr.rel @p0 .LBB2_3-.Ltmp0, $3  }
0xba: {  	v5 =	vmul.f32 v5, v3;
	v6 =	vmul.f32 v6, v4;
	_ =	sdelay $0x1  }
0xbb: {  	v5 =	vadd.f32 v6, v5  }
0xbc: {  	s24 =	sadd.s32 $0x400, s24  }
0xbd: {  	s19 =	sadd.s32 $0x1, s19  }
0xbe: {  	p0 =	sne.s32 s19, $0x10  }
.Ltmp1:
0xbf: {  	_ = 	snop;
	(pc) =	sbr.rel @p0 .LBB2_2-.Ltmp1, $2  }
0xc0: {  	_ =	sdelay $0x2  }
0xc1: {  	[tilespmem:s6+$0x30] =	vst v5;
	s18 =	sadd.s32 $0x400, s18;
	s17 =	sadd.s32 $0x1, s17  }
0xc2: {  	s17 =	simm.s32 $0x0  }
0xc3: {  	[hbm4b:s9+s17] =	stream.linear.scatter [tilespmem:s20], [sflag:$0x2], $0x4000, $0x38;
	[tilespmem:$0x14100] =	vst v63  }
0xc4: {  	_ =	swait.ge [sflag:s21], $0x4000  }
0xc5: {  	[sflag:s21] =	ssyncset.done $0x0  }
0xc6: {  	[sflag:s21] =	ssyncadd.s32 $0xFFFFC000  }
0xc7: {  	_ =	swait.ge [sflag:s21], $0x4000  }
0xc8: {  	[sflag:s21] =	ssyncset.done $0x0  }
0xc9: {  	[sflag:s21] =	ssyncadd.s32 $0xFFFFC000  }
0xca: {  	_ =	swait.ge [sflag:s1], $0x4000  }
0xcb: {  	[sflag:s1] =	ssyncset.done $0x0  }
0xcc: {  	[sflag:s1] =	ssyncadd.s32 $0xFFFFC000  }
0xcd: {  	v3 =	vld [tilespmem:$0x20];
	_ =	sdelay $0x4  }
0xce: {  	v4 =	vshll.u32 v3, $0x3  }
0xcf: {  	v3 =	vand.u32 $0x7, v3;
	v4 =	vand.u32 $0xFFFFFFC0, v4  }
0xd0: {  	v3 =	vor.u32 v3, v4  }
0xd1: {  	v4 =	vperm.xlane v3, v0;
	_ =	sdelay $0x1  }
0xd2: {  	v4 =	vadd.s32 v1, v4;
	_ =	sdelay $0x4  }
0xd3: {  	v5 =	vld [tilespmem:$0xA0];
	[tilespmem:s20], [sflag:$0x1] =	stream.indirect_vreg.gather [hbm4b:s3+s17], $0x80, v4, vm0, $0xb8  }
0xd4: {  	s6 =	simm.s32 $0x4900;
	v3 =	vperm.xlane v3, v2  }
0xd5: {  	[tilespmem:s6], [sflag:$0x1] =	stream.indirect_vreg.gather [hbm4b:s8+s17], $0x80, v4, vm0, $0xb8;
	[tilespmem:$0x14100] =	vst v63  }
0xd6: {  	s19 =	simm.s32 $0x5100;
	v3 =	vadd.s32 v1, v3  }
0xd7: {  	[tilespmem:s19], [sflag:$0x1] =	stream.indirect_vreg.gather [hbm4b:s10+s17], $0x80, v4, vm0, $0xb8;
	[tilespmem:$0x14100] =	vst v63  }
0xd8: {  	s22 =	simm.s32 $0x5900  }
0xd9: {  	v63 =	vshll.u32 v5, $0x3;
	[tilespmem:s22], [sflag:$0x1] =	stream.indirect_vreg.gather [hbm4b:s11+s17], $0x80, v4, vm0, $0xb8;
	[tilespmem:$0x14100] =	vst v63  }
0xda: {  	s23 =	simm.s32 $0x6100;
	v5 =	vand.u32 $0x7, v5;
	v4 =	vand.u32 $0xFFFFFFC0, v63  }
0xdb: {  	v4 =	vor.u32 v5, v4;
	[tilespmem:s23], [sflag:$0x1] =	stream.indirect_vreg.gather [hbm4b:s3+s17], $0x80, v3, vm0, $0xb8;
	[tilespmem:$0x14100] =	vst v63  }
0xdc: {  	s24 =	simm.s32 $0x6900;
	v5 =	vperm.xlane v4, v0  }
0xdd: {  	[tilespmem:s24], [sflag:$0x1] =	stream.indirect_vreg.gather [hbm4b:s8+s17], $0x80, v3, vm0, $0xb8;
	[tilespmem:$0x14100] =	vst v63  }
0xde: {  	s18 =	simm.s32 $0x7100;
	v5 =	vadd.s32 v1, v5  }
0xdf: {  	[tilespmem:s18], [sflag:$0x1] =	stream.indirect_vreg.gather [hbm4b:s10+s17], $0x80, v3, vm0, $0xb8;
	[tilespmem:$0x14100] =	vst v63  }
0xe0: {  	s19 =	simm.s32 $0x7900  }
0xe1: {  	[tilespmem:s19], [sflag:$0x1] =	stream.indirect_vreg.gather [hbm4b:s11+s17], $0x80, v3, vm0, $0xb8;
	[tilespmem:$0x14100] =	vst v63  }
0xe2: {  	s22 =	simm.s32 $0xC100  }
0xe3: {  	[tilespmem:s22], [sflag:$0x1] =	stream.indirect_vreg.gather [hbm4b:s3+s17], $0x80, v5, vm0, $0xb8;
	[tilespmem:$0x14100] =	vst v63  }
0xe4: {  	s23 =	simm.s32 $0xC900;
	v3 =	vperm.xlane v4, v2  }
0xe5: {  	[tilespmem:s23], [sflag:$0x1] =	stream.indirect_vreg.gather [hbm4b:s8+s17], $0x80, v5, vm0, $0xb8;
	[tilespmem:$0x14100] =	vst v63  }
0xe6: {  	s24 =	simm.s32 $0xD100;
	v3 =	vadd.s32 v1, v3  }
0xe7: {  	[tilespmem:s24], [sflag:$0x1] =	stream.indirect_vreg.gather [hbm4b:s10+s17], $0x80, v5, vm0, $0xb8;
	[tilespmem:$0x14100] =	vst v63  }
0xe8: {  	s18 =	simm.s32 $0xD900  }
0xe9: {  	[tilespmem:s18], [sflag:$0x1] =	stream.indirect_vreg.gather [hbm4b:s11+s17], $0x80, v5, vm0, $0xb8;
	[tilespmem:$0x14100] =	vst v63  }
0xea: {  	s19 =	simm.s32 $0xE100  }
0xeb: {  	[tilespmem:s19], [sflag:$0x1] =	stream.indirect_vreg.gather [hbm4b:s3+s17], $0x80, v3, vm0, $0xb8;
	[tilespmem:$0x14100] =	vst v63  }
0xec: {  	s22 =	simm.s32 $0xE900  }
0xed: {  	[tilespmem:s22], [sflag:$0x1] =	stream.indirect_vreg.gather [hbm4b:s8+s17], $0x80, v3, vm0, $0xb8;
	[tilespmem:$0x14100] =	vst v63  }
0xee: {  	s23 =	simm.s32 $0xF100  }
0xef: {  	[tilespmem:s23], [sflag:$0x1] =	stream.indirect_vreg.gather [hbm4b:s10+s17], $0x80, v3, vm0, $0xb8;
	[tilespmem:$0x14100] =	vst v63  }
0xf0: {  	s24 =	simm.s32 $0xF900;
	s18 =	simm.s32 $0x0;
	s19 =	simm.s32 $0x0  }
0xf1: {  	[tilespmem:s24], [sflag:$0x1] =	stream.indirect_vreg.gather [hbm4b:s11+s17], $0x80, v3, vm0, $0xb8;
	[tilespmem:$0x14100] =	vst v63  }
.LBB2_6:
0xf2: {  	s6 =	sand.u32 $0x7, s18  }
0xf3: {  	s6 =	sshll.u32 s6, $0x9  }
0xf4: {  	s6 =	sshrl.u32 s6, $0x2  }
0xf5: {  	v3 =	vmov s6;
	_ =	sdelay $0x1  }
0xf6: {  	s24 =	sshll.u32 s19, $0x7  }
0xf7: {  	s23 =	sand.u32 $0x3FFFE000, s17;
	v4 =	vld [tilespmem:s24+$0x900]  }
0xf8: {  	s22 =	sadd.s32 $0x4100, s23;
	v5 =	vld [tilespmem:s24+$0x2900]  }
0xf9: {  	s6 =	sadd.s32 $0xC100, s23;
	v6 =	vld.idx.msk [tilespmem:v3+s22+$0x4000 ss:$0x1], $0xffff  }
0xfa: {  	v7 =	vld.idx.msk [tilespmem:v3+s6+$0x4000 ss:$0x1], $0xffff;
	_ =	sdelay $0x4  }
0xfb: {  	v6 =	vmul.f32 v6, v4;
	v7 =	vmul.f32 v7, v5;
	_ =	sdelay $0x1  }
0xfc: {  	v6 =	vadd.f32 v7, v6;
	_ =	sdelay $0x1  }
0xfd: {  	[tilespmem:v3+s22+$0x4000 ss:$0x1] =	vst.idx.msk $0xffff, v6  }
0xfe: {  	v6 =	vld.idx.msk [tilespmem:v3+s22+$0x4010 ss:$0x1], $0xffff  }
0xff: {  	v7 =	vld.idx.msk [tilespmem:v3+s6+$0x4010 ss:$0x1], $0xffff;
	_ =	sdelay $0x4  }
0x100: {  	v6 =	vmul.f32 v6, v4;
	v7 =	vmul.f32 v7, v5;
	_ =	sdelay $0x1  }
0x101: {  	v6 =	vadd.f32 v7, v6;
	_ =	sdelay $0x1  }
0x102: {  	[tilespmem:v3+s22+$0x4010 ss:$0x1] =	vst.idx.msk $0xffff, v6  }
0x103: {  	v6 =	vld.idx.msk [tilespmem:v3+s22+$0x4020 ss:$0x1], $0xffff  }
0x104: {  	v7 =	vld.idx.msk [tilespmem:v3+s6+$0x4020 ss:$0x1], $0xffff;
	_ =	sdelay $0x4  }
0x105: {  	v6 =	vmul.f32 v6, v4;
	v7 =	vmul.f32 v7, v5;
	_ =	sdelay $0x1  }
0x106: {  	v6 =	vadd.f32 v7, v6;
	_ =	sdelay $0x1  }
0x107: {  	[tilespmem:v3+s22+$0x4020 ss:$0x1] =	vst.idx.msk $0xffff, v6  }
0x108: {  	v6 =	vld.idx.msk [tilespmem:v3+s22+$0x4030 ss:$0x1], $0xffff  }
0x109: {  	v7 =	vld.idx.msk [tilespmem:v3+s6+$0x4030 ss:$0x1], $0xffff;
	_ =	sdelay $0x4  }
0x10a: {  	v6 =	vmul.f32 v6, v4;
	v7 =	vmul.f32 v7, v5;
	_ =	sdelay $0x1  }
0x10b: {  	v6 =	vadd.f32 v7, v6;
	_ =	sdelay $0x1  }
0x10c: {  	[tilespmem:v3+s22+$0x4030 ss:$0x1] =	vst.idx.msk $0xffff, v6  }
0x10d: {  	v6 =	vld.idx.msk [tilespmem:v3+s22+$0x4040 ss:$0x1], $0xffff  }
0x10e: {  	v7 =	vld.idx.msk [tilespmem:v3+s6+$0x4040 ss:$0x1], $0xffff;
	_ =	sdelay $0x4  }
0x10f: {  	v6 =	vmul.f32 v6, v4;
	v7 =	vmul.f32 v7, v5;
	_ =	sdelay $0x1  }
0x110: {  	v6 =	vadd.f32 v7, v6;
	_ =	sdelay $0x1  }
0x111: {  	[tilespmem:v3+s22+$0x4040 ss:$0x1] =	vst.idx.msk $0xffff, v6  }
0x112: {  	v6 =	vld.idx.msk [tilespmem:v3+s22+$0x4050 ss:$0x1], $0xffff  }
0x113: {  	v7 =	vld.idx.msk [tilespmem:v3+s6+$0x4050 ss:$0x1], $0xffff;
	_ =	sdelay $0x4  }
0x114: {  	v6 =	vmul.f32 v6, v4;
	v7 =	vmul.f32 v7, v5;
	_ =	sdelay $0x1  }
0x115: {  	v6 =	vadd.f32 v7, v6;
	_ =	sdelay $0x1  }
0x116: {  	[tilespmem:v3+s22+$0x4050 ss:$0x1] =	vst.idx.msk $0xffff, v6  }
0x117: {  	v6 =	vld.idx.msk [tilespmem:v3+s22+$0x4060 ss:$0x1], $0xffff  }
0x118: {  	v7 =	vld.idx.msk [tilespmem:v3+s6+$0x4060 ss:$0x1], $0xffff;
	_ =	sdelay $0x4  }
0x119: {  	v6 =	vmul.f32 v6, v4;
	v7 =	vmul.f32 v7, v5;
	_ =	sdelay $0x1  }
0x11a: {  	v6 =	vadd.f32 v7, v6;
	_ =	sdelay $0x1  }
0x11b: {  	[tilespmem:v3+s22+$0x4060 ss:$0x1] =	vst.idx.msk $0xffff, v6  }
0x11c: {  	v6 =	vld.idx.msk [tilespmem:v3+s22+$0x4070 ss:$0x1], $0xffff  }
0x11d: {  	s24 =	simm.s32 $0x0;
	s23 =	smov.u32 s22;
	v7 =	vld.idx.msk [tilespmem:v3+s6+$0x4070 ss:$0x1], $0xffff  }
.LBB2_7:
0x11e: {  	_ = 	snop  }
0x11f: {  	s24 =	sadd.s32 $0x8, s24;
	s22 =	sadd.s32 $0x400, s22;
	s6 =	sadd.s32 $0x400, s6  }
0x120: {  	p0 =	slt.u32 s24, $0x38  }
0x121: {  	v6 =	vmul.f32 v6, v4  }
0x122: {  	v7 =	vmul.f32 v7, v5;
	_ =	sdelay $0x1  }
0x123: {  	v6 =	vadd.f32 v7, v6;
	_ =	sdelay $0x1  }
0x124: {  	[tilespmem:v3+s23+$0x4070 ss:$0x1] =	vst.idx.msk $0xffff, v6;
	s23 =	smov.u32 s22  }
0x125: {  	v6 =	vld.idx.msk [tilespmem:v3+s22+$0x4000 ss:$0x1], $0xffff  }
0x126: {  	v7 =	vld.idx.msk [tilespmem:v3+s6+$0x4000 ss:$0x1], $0xffff;
	_ =	sdelay $0x5  }
0x127: {  	v6 =	vmul.f32 v6, v4;
	v7 =	vmul.f32 v7, v5;
	_ =	sdelay $0x1  }
0x128: {  	v6 =	vadd.f32 v7, v6;
	_ =	sdelay $0x1  }
0x129: {  	[tilespmem:v3+s22+$0x4000 ss:$0x1] =	vst.idx.msk $0xffff, v6  }
0x12a: {  	v6 =	vld.idx.msk [tilespmem:v3+s22+$0x4010 ss:$0x1], $0xffff  }
0x12b: {  	v7 =	vld.idx.msk [tilespmem:v3+s6+$0x4010 ss:$0x1], $0xffff;
	_ =	sdelay $0x4  }
0x12c: {  	v6 =	vmul.f32 v6, v4  }
0x12d: {  	v7 =	vmul.f32 v7, v5;
	_ =	sdelay $0x1  }
0x12e: {  	v6 =	vadd.f32 v7, v6;
	_ =	sdelay $0x1  }
0x12f: {  	[tilespmem:v3+s22+$0x4010 ss:$0x1] =	vst.idx.msk $0xffff, v6  }
0x130: {  	v6 =	vld.idx.msk [tilespmem:v3+s22+$0x4020 ss:$0x1], $0xffff  }
0x131: {  	v7 =	vld.idx.msk [tilespmem:v3+s6+$0x4020 ss:$0x1], $0xffff;
	_ =	sdelay $0x4  }
0x132: {  	v6 =	vmul.f32 v6, v4  }
0x133: {  	v7 =	vmul.f32 v7, v5;
	_ =	sdelay $0x1  }
0x134: {  	v6 =	vadd.f32 v7, v6;
	_ =	sdelay $0x1  }
0x135: {  	[tilespmem:v3+s22+$0x4020 ss:$0x1] =	vst.idx.msk $0xffff, v6  }
0x136: {  	v6 =	vld.idx.msk [tilespmem:v3+s22+$0x4030 ss:$0x1], $0xffff  }
0x137: {  	v7 =	vld.idx.msk [tilespmem:v3+s6+$0x4030 ss:$0x1], $0xffff;
	_ =	sdelay $0x4  }
0x138: {  	v6 =	vmul.f32 v6, v4  }
0x139: {  	v7 =	vmul.f32 v7, v5;
	_ =	sdelay $0x1  }
0x13a: {  	v6 =	vadd.f32 v7, v6;
	_ =	sdelay $0x1  }
0x13b: {  	[tilespmem:v3+s22+$0x4030 ss:$0x1] =	vst.idx.msk $0xffff, v6  }
0x13c: {  	v6 =	vld.idx.msk [tilespmem:v3+s22+$0x4040 ss:$0x1], $0xffff  }
0x13d: {  	v7 =	vld.idx.msk [tilespmem:v3+s6+$0x4040 ss:$0x1], $0xffff;
	_ =	sdelay $0x4  }
0x13e: {  	v6 =	vmul.f32 v6, v4  }
0x13f: {  	v7 =	vmul.f32 v7, v5;
	_ =	sdelay $0x1  }
0x140: {  	v6 =	vadd.f32 v7, v6;
	_ =	sdelay $0x1  }
0x141: {  	[tilespmem:v3+s22+$0x4040 ss:$0x1] =	vst.idx.msk $0xffff, v6  }
0x142: {  	v6 =	vld.idx.msk [tilespmem:v3+s22+$0x4050 ss:$0x1], $0xffff  }
0x143: {  	v7 =	vld.idx.msk [tilespmem:v3+s6+$0x4050 ss:$0x1], $0xffff;
	_ =	sdelay $0x4  }
0x144: {  	v6 =	vmul.f32 v6, v4  }
0x145: {  	v7 =	vmul.f32 v7, v5;
	_ =	sdelay $0x1  }
0x146: {  	v6 =	vadd.f32 v7, v6;
	_ =	sdelay $0x1  }
0x147: {  	[tilespmem:v3+s22+$0x4050 ss:$0x1] =	vst.idx.msk $0xffff, v6  }
0x148: {  	v6 =	vld.idx.msk [tilespmem:v3+s22+$0x4060 ss:$0x1], $0xffff  }
0x149: {  	v7 =	vld.idx.msk [tilespmem:v3+s6+$0x4060 ss:$0x1], $0xffff;
	_ =	sdelay $0x4  }
0x14a: {  	v6 =	vmul.f32 v6, v4  }
0x14b: {  	v7 =	vmul.f32 v7, v5;
	_ =	sdelay $0x1  }
.Ltmp2:
0x14c: {  	v6 =	vadd.f32 v7, v6;
	(pc) =	sbr.rel @p0 .LBB2_7-.Ltmp2, $4  }
0x14d: {  	_ = 	snop  }
0x14e: {  	[tilespmem:v3+s22+$0x4060 ss:$0x1] =	vst.idx.msk $0xffff, v6  }
0x14f: {  	v6 =	vld.idx.msk [tilespmem:v3+s22+$0x4070 ss:$0x1], $0xffff  }
0x150: {  	v7 =	vld.idx.msk [tilespmem:v3+s6+$0x4070 ss:$0x1], $0xffff  }
0x151: {  	_ =	sdelay $0x1  }
0x152: {  	s19 =	sadd.s32 $0x1, s19  }
0x153: {  	p0 =	sne.s32 s19, $0x10  }
.Ltmp3:
0x154: {  	v4 =	vmul.f32 v6, v4;
	v5 =	vmul.f32 v7, v5;
	(pc) =	sbr.rel @p0 .LBB2_6-.Ltmp3, $3  }
0x155: {  	_ = 	snop  }
0x156: {  	v4 =	vadd.f32 v5, v4;
	_ =	sdelay $0x1  }
0x157: {  	s18 =	sadd.s32 $0x1, s18;
	s17 =	sadd.s32 $0x400, s17;
	[tilespmem:v3+s23+$0x4070 ss:$0x1] =	vst.idx.msk $0xffff, v4  }
0x158: {  	s17 =	simm.s32 $0x0;
	s6 =	rddreg [dreg:$0x6]  }
0x159: {  	[hbm4b:s6+s17] =	stream.linear.scatter [tilespmem:s5], [sflag:$0x2], $0x4000, $0x38;
	[tilespmem:$0x14100] =	vst v63  }
0x15a: {  	_ =	swait.ge [sflag:s21], $0x4000  }
0x15b: {  	[sflag:s21] =	ssyncset.done $0x0  }
0x15c: {  	[sflag:s21] =	ssyncadd.s32 $0xFFFFC000  }
0x15d: {  	_ =	swait.ge [sflag:s21], $0x4000  }
0x15e: {  	[sflag:s21] =	ssyncset.done $0x0  }
0x15f: {  	[sflag:s21] =	ssyncadd.s32 $0xFFFFC000  }
0x160: {  	_ =	swait.ge [sflag:s1], $0x4000  }
0x161: {  	[sflag:s1] =	ssyncset.done $0x0  }
0x162: {  	[sflag:s1] =	ssyncadd.s32 $0xFFFFC000  }
0x163: {  	v3 =	vld [tilespmem:$0x30];
	_ =	sdelay $0x4  }
0x164: {  	v4 =	vshll.u32 v3, $0x3  }
0x165: {  	v3 =	vand.u32 $0x7, v3;
	v4 =	vand.u32 $0xFFFFFFC0, v4  }
0x166: {  	v3 =	vor.u32 v3, v4  }
0x167: {  	v4 =	vperm.xlane v3, v0;
	_ =	sdelay $0x1  }
0x168: {  	v4 =	vadd.s32 v1, v4;
	_ =	sdelay $0x4  }
0x169: {  	v5 =	vld [tilespmem:$0xB0];
	[tilespmem:s5], [sflag:$0x1] =	stream.indirect_vreg.gather [hbm4b:s3+s17], $0x80, v4, vm0, $0xb8  }
0x16a: {  	s19 =	simm.s32 $0x8900;
	v3 =	vperm.xlane v3, v2  }
0x16b: {  	[tilespmem:s19], [sflag:$0x1] =	stream.indirect_vreg.gather [hbm4b:s8+s17], $0x80, v4, vm0, $0xb8;
	[tilespmem:$0x14100] =	vst v63  }
0x16c: {  	s22 =	simm.s32 $0x9100;
	v3 =	vadd.s32 v1, v3  }
0x16d: {  	[tilespmem:s22], [sflag:$0x1] =	stream.indirect_vreg.gather [hbm4b:s10+s17], $0x80, v4, vm0, $0xb8;
	[tilespmem:$0x14100] =	vst v63  }
0x16e: {  	s23 =	simm.s32 $0x9900  }
0x16f: {  	v63 =	vshll.u32 v5, $0x3;
	[tilespmem:s23], [sflag:$0x1] =	stream.indirect_vreg.gather [hbm4b:s11+s17], $0x80, v4, vm0, $0xb8;
	[tilespmem:$0x14100] =	vst v63  }
0x170: {  	s24 =	simm.s32 $0xA100;
	v5 =	vand.u32 $0x7, v5;
	v4 =	vand.u32 $0xFFFFFFC0, v63  }
0x171: {  	v4 =	vor.u32 v5, v4;
	[tilespmem:s24], [sflag:$0x1] =	stream.indirect_vreg.gather [hbm4b:s3+s17], $0x80, v3, vm0, $0xb8;
	[tilespmem:$0x14100] =	vst v63  }
0x172: {  	v5 =	vperm.xlane v4, v0  }
0x173: {  	[tilespmem:s7], [sflag:$0x1] =	stream.indirect_vreg.gather [hbm4b:s8+s17], $0x80, v3, vm0, $0xb8;
	[tilespmem:$0x14100] =	vst v63  }
0x174: {  	v5 =	vadd.s32 v1, v5  }
0x175: {  	[tilespmem:s25], [sflag:$0x1] =	stream.indirect_vreg.gather [hbm4b:s10+s17], $0x80, v3, vm0, $0xb8;
	[tilespmem:$0x14100] =	vst v63  }
0x176: {  	_ = 	snop  }
0x177: {  	[tilespmem:s26], [sflag:$0x1] =	stream.indirect_vreg.gather [hbm4b:s11+s17], $0x80, v3, vm0, $0xb8;
	[tilespmem:$0x14100] =	vst v63  }
0x178: {  	_ = 	snop  }
0x179: {  	[tilespmem:s28], [sflag:$0x1] =	stream.indirect_vreg.gather [hbm4b:s3+s17], $0x80, v5, vm0, $0xb8;
	[tilespmem:$0x14100] =	vst v63  }
0x17a: {  	v3 =	vperm.xlane v4, v2  }
0x17b: {  	[tilespmem:s29], [sflag:$0x1] =	stream.indirect_vreg.gather [hbm4b:s8+s17], $0x80, v5, vm0, $0xb8;
	[tilespmem:$0x14100] =	vst v63  }
0x17c: {  	v3 =	vadd.s32 v1, v3  }
0x17d: {  	[tilespmem:s30], [sflag:$0x1] =	stream.indirect_vreg.gather [hbm4b:s10+s17], $0x80, v5, vm0, $0xb8;
	[tilespmem:$0x14100] =	vst v63  }
0x17e: {  	_ = 	snop  }
0x17f: {  	[tilespmem:s12], [sflag:$0x1] =	stream.indirect_vreg.gather [hbm4b:s11+s17], $0x80, v5, vm0, $0xb8;
	[tilespmem:$0x14100] =	vst v63  }
0x180: {  	_ = 	snop  }
0x181: {  	[tilespmem:s31], [sflag:$0x1] =	stream.indirect_vreg.gather [hbm4b:s3+s17], $0x80, v3, vm0, $0xb8;
	[tilespmem:$0x14100] =	vst v63  }
0x182: {  	_ = 	snop  }
0x183: {  	[tilespmem:s13], [sflag:$0x1] =	stream.indirect_vreg.gather [hbm4b:s8+s17], $0x80, v3, vm0, $0xb8;
	[tilespmem:$0x14100] =	vst v63  }
0x184: {  	_ = 	snop  }
0x185: {  	[tilespmem:s0], [sflag:$0x1] =	stream.indirect_vreg.gather [hbm4b:s10+s17], $0x80, v3, vm0, $0xb8;
	[tilespmem:$0x14100] =	vst v63  }
0x186: {  	s18 =	simm.s32 $0x0;
	s19 =	simm.s32 $0x0  }
0x187: {  	[tilespmem:s14], [sflag:$0x1] =	stream.indirect_vreg.gather [hbm4b:s11+s17], $0x80, v3, vm0, $0xb8;
	[tilespmem:$0x14100] =	vst v63  }
.LBB2_10:
0x188: {  	s6 =	sshll.u32 s18, $0x2;
	s22 =	sand.u32 $0x7, s17  }
0x189: {  	s6 =	sand.u32 $0xFFFF8000, s6;
	s22 =	sshll.u32 s22, $0x9  }
0x18a: {  	s24 =	sshll.u32 s19, $0x7;
	s6 =	sor.u32 s22, s6  }
0x18b: {  	v3 =	vld [tilespmem:s24+$0x1100];
	s23 =	sshrl.u32 s6, $0x2  }
0x18c: {  	v4 =	vld [tilespmem:s24+$0x3100];
	s6 =	sadd.s32 $0x4140, s23  }
0x18d: {  	s22 =	sadd.s32 $0xC140, s23;
	v5 =	vld [tilespmem:s6+$0xFFFFFFC0]  }
0x18e: {  	v6 =	vld [tilespmem:s22+$0xFFFFFFC0];
	_ =	sdelay $0x4  }
0x18f: {  	v5 =	vmul.f32 v5, v3;
	v6 =	vmul.f32 v6, v4;
	_ =	sdelay $0x1  }
0x190: {  	v5 =	vadd.f32 v6, v5;
	_ =	sdelay $0x1  }
0x191: {  	[tilespmem:s6+$0xFFFFFFC0] =	vst v5;
	v5 =	vld [tilespmem:s6+$0xFFFFFFD0]  }
0x192: {  	v6 =	vld [tilespmem:s22+$0xFFFFFFD0];
	_ =	sdelay $0x4  }
0x193: {  	v5 =	vmul.f32 v5, v3;
	v6 =	vmul.f32 v6, v4;
	_ =	sdelay $0x1  }
0x194: {  	v5 =	vadd.f32 v6, v5;
	_ =	sdelay $0x1  }
0x195: {  	[tilespmem:s6+$0xFFFFFFD0] =	vst v5;
	v5 =	vld [tilespmem:s6+$0xFFFFFFE0]  }
0x196: {  	v6 =	vld [tilespmem:s22+$0xFFFFFFE0];
	_ =	sdelay $0x4  }
0x197: {  	v5 =	vmul.f32 v5, v3;
	v6 =	vmul.f32 v6, v4;
	_ =	sdelay $0x1  }
0x198: {  	v5 =	vadd.f32 v6, v5;
	_ =	sdelay $0x1  }
0x199: {  	[tilespmem:s6+$0xFFFFFFE0] =	vst v5;
	v5 =	vld [tilespmem:s6+$0xFFFFFFF0]  }
0x19a: {  	v6 =	vld [tilespmem:s22+$0xFFFFFFF0];
	_ =	sdelay $0x4  }
0x19b: {  	v5 =	vmul.f32 v5, v3;
	v6 =	vmul.f32 v6, v4;
	_ =	sdelay $0x1  }
0x19c: {  	v5 =	vadd.f32 v6, v5;
	_ =	sdelay $0x1  }
0x19d: {  	[tilespmem:s6+$0xFFFFFFF0] =	vst v5;
	v5 =	vld [tilespmem:s6+$0x0]  }
0x19e: {  	v6 =	vld [tilespmem:s22+$0x0];
	_ =	sdelay $0x4  }
0x19f: {  	v5 =	vmul.f32 v5, v3;
	v6 =	vmul.f32 v6, v4;
	_ =	sdelay $0x1  }
0x1a0: {  	v5 =	vadd.f32 v6, v5;
	_ =	sdelay $0x1  }
0x1a1: {  	[tilespmem:s6+$0x0] =	vst v5;
	v5 =	vld [tilespmem:s6+$0x10]  }
0x1a2: {  	v6 =	vld [tilespmem:s22+$0x10];
	_ =	sdelay $0x4  }
0x1a3: {  	v5 =	vmul.f32 v5, v3;
	v6 =	vmul.f32 v6, v4;
	_ =	sdelay $0x1  }
0x1a4: {  	v5 =	vadd.f32 v6, v5;
	_ =	sdelay $0x1  }
0x1a5: {  	[tilespmem:s6+$0x10] =	vst v5;
	v5 =	vld [tilespmem:s6+$0x20]  }
0x1a6: {  	v6 =	vld [tilespmem:s22+$0x20];
	_ =	sdelay $0x4  }
0x1a7: {  	v5 =	vmul.f32 v5, v3;
	v6 =	vmul.f32 v6, v4;
	_ =	sdelay $0x1  }
0x1a8: {  	v5 =	vadd.f32 v6, v5;
	_ =	sdelay $0x1  }
0x1a9: {  	[tilespmem:s6+$0x20] =	vst v5;
	v5 =	vld [tilespmem:s6+$0x30]  }
0x1aa: {  	v6 =	vld [tilespmem:s22+$0x30];
	_ =	sdelay $0x4  }
0x1ab: {  	v5 =	vmul.f32 v5, v3;
	v6 =	vmul.f32 v6, v4;
	_ =	sdelay $0x1  }
0x1ac: {  	v5 =	vadd.f32 v6, v5  }
0x1ad: {  	s23 =	simm.s32 $0x0;
	s24 =	sadd.s32 $0x400, s6  }
.LBB2_11:
0x1ae: {  	v6 =	vld [tilespmem:s24+$0xFFFFFFC0];
	[tilespmem:s6+$0x30] =	vst v5;
	s22 =	sadd.s32 $0x400, s22;
	s6 =	smov.u32 s24  }
0x1af: {  	s23 =	sadd.s32 $0x8, s23;
	v5 =	vld [tilespmem:s22+$0xFFFFFFC0]  }
0x1b0: {  	p0 =	slt.u32 s23, $0x38;
	_ =	sdelay $0x3  }
0x1b1: {  	v6 =	vmul.f32 v6, v3;
	v5 =	vmul.f32 v5, v4;
	_ =	sdelay $0x1  }
0x1b2: {  	v5 =	vadd.f32 v5, v6;
	_ =	sdelay $0x1  }
0x1b3: {  	[tilespmem:s24+$0xFFFFFFC0] =	vst v5;
	v5 =	vld [tilespmem:s24+$0xFFFFFFD0]  }
0x1b4: {  	v6 =	vld [tilespmem:s22+$0xFFFFFFD0];
	_ =	sdelay $0x4  }
0x1b5: {  	v5 =	vmul.f32 v5, v3;
	v6 =	vmul.f32 v6, v4;
	_ =	sdelay $0x1  }
0x1b6: {  	v5 =	vadd.f32 v6, v5;
	_ =	sdelay $0x1  }
0x1b7: {  	[tilespmem:s24+$0xFFFFFFD0] =	vst v5;
	v5 =	vld [tilespmem:s24+$0xFFFFFFE0]  }
0x1b8: {  	v6 =	vld [tilespmem:s22+$0xFFFFFFE0];
	_ =	sdelay $0x4  }
0x1b9: {  	v5 =	vmul.f32 v5, v3;
	v6 =	vmul.f32 v6, v4;
	_ =	sdelay $0x1  }
0x1ba: {  	v5 =	vadd.f32 v6, v5;
	_ =	sdelay $0x1  }
0x1bb: {  	[tilespmem:s24+$0xFFFFFFE0] =	vst v5;
	v5 =	vld [tilespmem:s24+$0xFFFFFFF0]  }
0x1bc: {  	v6 =	vld [tilespmem:s22+$0xFFFFFFF0];
	_ =	sdelay $0x4  }
0x1bd: {  	v5 =	vmul.f32 v5, v3;
	v6 =	vmul.f32 v6, v4;
	_ =	sdelay $0x1  }
0x1be: {  	v5 =	vadd.f32 v6, v5;
	_ =	sdelay $0x1  }
0x1bf: {  	[tilespmem:s24+$0xFFFFFFF0] =	vst v5;
	v5 =	vld [tilespmem:s24+$0x0]  }
0x1c0: {  	v6 =	vld [tilespmem:s22+$0x0];
	_ =	sdelay $0x4  }
0x1c1: {  	v5 =	vmul.f32 v5, v3;
	v6 =	vmul.f32 v6, v4;
	_ =	sdelay $0x1  }
0x1c2: {  	v5 =	vadd.f32 v6, v5;
	_ =	sdelay $0x1  }
0x1c3: {  	[tilespmem:s24+$0x0] =	vst v5;
	v5 =	vld [tilespmem:s24+$0x10]  }
0x1c4: {  	v6 =	vld [tilespmem:s22+$0x10];
	_ =	sdelay $0x4  }
0x1c5: {  	v5 =	vmul.f32 v5, v3;
	v6 =	vmul.f32 v6, v4;
	_ =	sdelay $0x1  }
0x1c6: {  	v5 =	vadd.f32 v6, v5;
	_ =	sdelay $0x1  }
0x1c7: {  	[tilespmem:s24+$0x10] =	vst v5;
	v5 =	vld [tilespmem:s24+$0x20]  }
0x1c8: {  	v6 =	vld [tilespmem:s22+$0x20];
	_ =	sdelay $0x4  }
0x1c9: {  	v5 =	vmul.f32 v5, v3;
	v6 =	vmul.f32 v6, v4;
	_ =	sdelay $0x1  }
0x1ca: {  	v5 =	vadd.f32 v6, v5;
	_ =	sdelay $0x1  }
0x1cb: {  	[tilespmem:s24+$0x20] =	vst v5;
	v5 =	vld [tilespmem:s24+$0x30]  }
0x1cc: {  	v6 =	vld [tilespmem:s22+$0x30];
	_ =	sdelay $0x3  }
.Ltmp4:
0x1cd: {  	(pc) =	sbr.rel @p0 .LBB2_11-.Ltmp4, $3  }
0x1ce: {  	v5 =	vmul.f32 v5, v3;
	v6 =	vmul.f32 v6, v4;
	_ =	sdelay $0x1  }
0x1cf: {  	v5 =	vadd.f32 v6, v5  }
0x1d0: {  	s24 =	sadd.s32 $0x400, s24  }
0x1d1: {  	s19 =	sadd.s32 $0x1, s19  }
0x1d2: {  	p0 =	sne.s32 s19, $0x10  }
.Ltmp5:
0x1d3: {  	_ = 	snop;
	(pc) =	sbr.rel @p0 .LBB2_10-.Ltmp5, $2  }
0x1d4: {  	_ =	sdelay $0x2  }
0x1d5: {  	[tilespmem:s6+$0x30] =	vst v5;
	s18 =	sadd.s32 $0x400, s18;
	s17 =	sadd.s32 $0x1, s17  }
0x1d6: {  	s17 =	simm.s32 $0x0;
	s6 =	rddreg [dreg:$0x7]  }
0x1d7: {  	[hbm4b:s6+s17] =	stream.linear.scatter [tilespmem:s20], [sflag:$0x2], $0x4000, $0x38;
	[tilespmem:$0x14100] =	vst v63  }
0x1d8: {  	_ =	swait.ge [sflag:s21], $0x4000  }
0x1d9: {  	[sflag:s21] =	ssyncset.done $0x0  }
0x1da: {  	[sflag:s21] =	ssyncadd.s32 $0xFFFFC000  }
0x1db: {  	_ =	swait.ge [sflag:s21], $0x4000  }
0x1dc: {  	[sflag:s21] =	ssyncset.done $0x0  }
0x1dd: {  	s18 =	simm.s32 $0x0;
	s19 =	simm.s32 $0x0;
	[sflag:s21] =	ssyncadd.s32 $0xFFFFC000  }
.LBB2_14:
0x1de: {  	s6 =	sand.u32 $0x7, s18  }
0x1df: {  	s6 =	sshll.u32 s6, $0x9  }
0x1e0: {  	s6 =	sshrl.u32 s6, $0x2  }
0x1e1: {  	v3 =	vmov s6;
	_ =	sdelay $0x1  }
0x1e2: {  	s24 =	sshll.u32 s19, $0x7  }
0x1e3: {  	s23 =	sand.u32 $0x3FFFE000, s17;
	v4 =	vld [tilespmem:s24+$0x1900]  }
0x1e4: {  	s22 =	sadd.s32 $0x4100, s23;
	v5 =	vld [tilespmem:s24+$0x3900]  }
0x1e5: {  	s6 =	sadd.s32 $0xC100, s23;
	v6 =	vld.idx.msk [tilespmem:v3+s22+$0x4000 ss:$0x1], $0xffff  }
0x1e6: {  	v7 =	vld.idx.msk [tilespmem:v3+s6+$0x4000 ss:$0x1], $0xffff;
	_ =	sdelay $0x4  }
0x1e7: {  	v6 =	vmul.f32 v6, v4;
	v7 =	vmul.f32 v7, v5;
	_ =	sdelay $0x1  }
0x1e8: {  	v6 =	vadd.f32 v7, v6;
	_ =	sdelay $0x1  }
0x1e9: {  	[tilespmem:v3+s22+$0x4000 ss:$0x1] =	vst.idx.msk $0xffff, v6  }
0x1ea: {  	v6 =	vld.idx.msk [tilespmem:v3+s22+$0x4010 ss:$0x1], $0xffff  }
0x1eb: {  	v7 =	vld.idx.msk [tilespmem:v3+s6+$0x4010 ss:$0x1], $0xffff;
	_ =	sdelay $0x4  }
0x1ec: {  	v6 =	vmul.f32 v6, v4;
	v7 =	vmul.f32 v7, v5;
	_ =	sdelay $0x1  }
0x1ed: {  	v6 =	vadd.f32 v7, v6;
	_ =	sdelay $0x1  }
0x1ee: {  	[tilespmem:v3+s22+$0x4010 ss:$0x1] =	vst.idx.msk $0xffff, v6  }
0x1ef: {  	v6 =	vld.idx.msk [tilespmem:v3+s22+$0x4020 ss:$0x1], $0xffff  }
0x1f0: {  	v7 =	vld.idx.msk [tilespmem:v3+s6+$0x4020 ss:$0x1], $0xffff;
	_ =	sdelay $0x4  }
0x1f1: {  	v6 =	vmul.f32 v6, v4;
	v7 =	vmul.f32 v7, v5;
	_ =	sdelay $0x1  }
0x1f2: {  	v6 =	vadd.f32 v7, v6;
	_ =	sdelay $0x1  }
0x1f3: {  	[tilespmem:v3+s22+$0x4020 ss:$0x1] =	vst.idx.msk $0xffff, v6  }
0x1f4: {  	v6 =	vld.idx.msk [tilespmem:v3+s22+$0x4030 ss:$0x1], $0xffff  }
0x1f5: {  	v7 =	vld.idx.msk [tilespmem:v3+s6+$0x4030 ss:$0x1], $0xffff;
	_ =	sdelay $0x4  }
0x1f6: {  	v6 =	vmul.f32 v6, v4;
	v7 =	vmul.f32 v7, v5;
	_ =	sdelay $0x1  }
0x1f7: {  	v6 =	vadd.f32 v7, v6;
	_ =	sdelay $0x1  }
0x1f8: {  	[tilespmem:v3+s22+$0x4030 ss:$0x1] =	vst.idx.msk $0xffff, v6  }
0x1f9: {  	v6 =	vld.idx.msk [tilespmem:v3+s22+$0x4040 ss:$0x1], $0xffff  }
0x1fa: {  	v7 =	vld.idx.msk [tilespmem:v3+s6+$0x4040 ss:$0x1], $0xffff;
	_ =	sdelay $0x4  }
0x1fb: {  	v6 =	vmul.f32 v6, v4;
	v7 =	vmul.f32 v7, v5;
	_ =	sdelay $0x1  }
0x1fc: {  	v6 =	vadd.f32 v7, v6;
	_ =	sdelay $0x1  }
0x1fd: {  	[tilespmem:v3+s22+$0x4040 ss:$0x1] =	vst.idx.msk $0xffff, v6  }
0x1fe: {  	v6 =	vld.idx.msk [tilespmem:v3+s22+$0x4050 ss:$0x1], $0xffff  }
0x1ff: {  	v7 =	vld.idx.msk [tilespmem:v3+s6+$0x4050 ss:$0x1], $0xffff;
	_ =	sdelay $0x4  }
0x200: {  	v6 =	vmul.f32 v6, v4;
	v7 =	vmul.f32 v7, v5;
	_ =	sdelay $0x1  }
0x201: {  	v6 =	vadd.f32 v7, v6;
	_ =	sdelay $0x1  }
0x202: {  	[tilespmem:v3+s22+$0x4050 ss:$0x1] =	vst.idx.msk $0xffff, v6  }
0x203: {  	v6 =	vld.idx.msk [tilespmem:v3+s22+$0x4060 ss:$0x1], $0xffff  }
0x204: {  	v7 =	vld.idx.msk [tilespmem:v3+s6+$0x4060 ss:$0x1], $0xffff;
	_ =	sdelay $0x4  }
0x205: {  	v6 =	vmul.f32 v6, v4;
	v7 =	vmul.f32 v7, v5;
	_ =	sdelay $0x1  }
0x206: {  	v6 =	vadd.f32 v7, v6;
	_ =	sdelay $0x1  }
0x207: {  	[tilespmem:v3+s22+$0x4060 ss:$0x1] =	vst.idx.msk $0xffff, v6  }
0x208: {  	v6 =	vld.idx.msk [tilespmem:v3+s22+$0x4070 ss:$0x1], $0xffff  }
0x209: {  	s24 =	simm.s32 $0x0;
	s23 =	smov.u32 s22;
	v7 =	vld.idx.msk [tilespmem:v3+s6+$0x4070 ss:$0x1], $0xffff  }
.LBB2_15:
0x20a: {  	_ = 	snop  }
0x20b: {  	s24 =	sadd.s32 $0x8, s24;
	s22 =	sadd.s32 $0x400, s22;
	s6 =	sadd.s32 $0x400, s6  }
0x20c: {  	p0 =	slt.u32 s24, $0x38  }
0x20d: {  	v6 =	vmul.f32 v6, v4  }
0x20e: {  	v7 =	vmul.f32 v7, v5;
	_ =	sdelay $0x1  }
0x20f: {  	v6 =	vadd.f32 v7, v6;
	_ =	sdelay $0x1  }
0x210: {  	[tilespmem:v3+s23+$0x4070 ss:$0x1] =	vst.idx.msk $0xffff, v6;
	s23 =	smov.u32 s22  }
0x211: {  	v6 =	vld.idx.msk [tilespmem:v3+s22+$0x4000 ss:$0x1], $0xffff  }
0x212: {  	v7 =	vld.idx.msk [tilespmem:v3+s6+$0x4000 ss:$0x1], $0xffff;
	_ =	sdelay $0x5  }
0x213: {  	v6 =	vmul.f32 v6, v4;
	v7 =	vmul.f32 v7, v5;
	_ =	sdelay $0x1  }
0x214: {  	v6 =	vadd.f32 v7, v6;
	_ =	sdelay $0x1  }
0x215: {  	[tilespmem:v3+s22+$0x4000 ss:$0x1] =	vst.idx.msk $0xffff, v6  }
0x216: {  	v6 =	vld.idx.msk [tilespmem:v3+s22+$0x4010 ss:$0x1], $0xffff  }
0x217: {  	v7 =	vld.idx.msk [tilespmem:v3+s6+$0x4010 ss:$0x1], $0xffff;
	_ =	sdelay $0x4  }
0x218: {  	v6 =	vmul.f32 v6, v4  }
0x219: {  	v7 =	vmul.f32 v7, v5;
	_ =	sdelay $0x1  }
0x21a: {  	v6 =	vadd.f32 v7, v6;
	_ =	sdelay $0x1  }
0x21b: {  	[tilespmem:v3+s22+$0x4010 ss:$0x1] =	vst.idx.msk $0xffff, v6  }
0x21c: {  	v6 =	vld.idx.msk [tilespmem:v3+s22+$0x4020 ss:$0x1], $0xffff  }
0x21d: {  	v7 =	vld.idx.msk [tilespmem:v3+s6+$0x4020 ss:$0x1], $0xffff;
	_ =	sdelay $0x4  }
0x21e: {  	v6 =	vmul.f32 v6, v4  }
0x21f: {  	v7 =	vmul.f32 v7, v5;
	_ =	sdelay $0x1  }
0x220: {  	v6 =	vadd.f32 v7, v6;
	_ =	sdelay $0x1  }
0x221: {  	[tilespmem:v3+s22+$0x4020 ss:$0x1] =	vst.idx.msk $0xffff, v6  }
0x222: {  	v6 =	vld.idx.msk [tilespmem:v3+s22+$0x4030 ss:$0x1], $0xffff  }
0x223: {  	v7 =	vld.idx.msk [tilespmem:v3+s6+$0x4030 ss:$0x1], $0xffff;
	_ =	sdelay $0x4  }
0x224: {  	v6 =	vmul.f32 v6, v4  }
0x225: {  	v7 =	vmul.f32 v7, v5;
	_ =	sdelay $0x1  }
0x226: {  	v6 =	vadd.f32 v7, v6;
	_ =	sdelay $0x1  }
0x227: {  	[tilespmem:v3+s22+$0x4030 ss:$0x1] =	vst.idx.msk $0xffff, v6  }
0x228: {  	v6 =	vld.idx.msk [tilespmem:v3+s22+$0x4040 ss:$0x1], $0xffff  }
0x229: {  	v7 =	vld.idx.msk [tilespmem:v3+s6+$0x4040 ss:$0x1], $0xffff;
	_ =	sdelay $0x4  }
0x22a: {  	v6 =	vmul.f32 v6, v4  }
0x22b: {  	v7 =	vmul.f32 v7, v5;
	_ =	sdelay $0x1  }
0x22c: {  	v6 =	vadd.f32 v7, v6;
	_ =	sdelay $0x1  }
0x22d: {  	[tilespmem:v3+s22+$0x4040 ss:$0x1] =	vst.idx.msk $0xffff, v6  }
0x22e: {  	v6 =	vld.idx.msk [tilespmem:v3+s22+$0x4050 ss:$0x1], $0xffff  }
0x22f: {  	v7 =	vld.idx.msk [tilespmem:v3+s6+$0x4050 ss:$0x1], $0xffff;
	_ =	sdelay $0x4  }
0x230: {  	v6 =	vmul.f32 v6, v4  }
0x231: {  	v7 =	vmul.f32 v7, v5;
	_ =	sdelay $0x1  }
0x232: {  	v6 =	vadd.f32 v7, v6;
	_ =	sdelay $0x1  }
0x233: {  	[tilespmem:v3+s22+$0x4050 ss:$0x1] =	vst.idx.msk $0xffff, v6  }
0x234: {  	v6 =	vld.idx.msk [tilespmem:v3+s22+$0x4060 ss:$0x1], $0xffff  }
0x235: {  	v7 =	vld.idx.msk [tilespmem:v3+s6+$0x4060 ss:$0x1], $0xffff;
	_ =	sdelay $0x4  }
0x236: {  	v6 =	vmul.f32 v6, v4  }
0x237: {  	v7 =	vmul.f32 v7, v5;
	_ =	sdelay $0x1  }
.Ltmp6:
0x238: {  	v6 =	vadd.f32 v7, v6;
	(pc) =	sbr.rel @p0 .LBB2_15-.Ltmp6, $4  }
0x239: {  	_ = 	snop  }
0x23a: {  	[tilespmem:v3+s22+$0x4060 ss:$0x1] =	vst.idx.msk $0xffff, v6  }
0x23b: {  	v6 =	vld.idx.msk [tilespmem:v3+s22+$0x4070 ss:$0x1], $0xffff  }
0x23c: {  	v7 =	vld.idx.msk [tilespmem:v3+s6+$0x4070 ss:$0x1], $0xffff  }
0x23d: {  	_ =	sdelay $0x1  }
0x23e: {  	s19 =	sadd.s32 $0x1, s19  }
0x23f: {  	p0 =	sne.s32 s19, $0x10  }
.Ltmp7:
0x240: {  	v4 =	vmul.f32 v6, v4;
	v5 =	vmul.f32 v7, v5;
	(pc) =	sbr.rel @p0 .LBB2_14-.Ltmp7, $3  }
0x241: {  	_ = 	snop  }
0x242: {  	v4 =	vadd.f32 v5, v4;
	_ =	sdelay $0x1  }
0x243: {  	s18 =	sadd.s32 $0x1, s18;
	s17 =	sadd.s32 $0x400, s17;
	[tilespmem:v3+s23+$0x4070 ss:$0x1] =	vst.idx.msk $0xffff, v4  }
0x244: {  	s6 =	rddreg [dreg:$0x8]  }
0x245: {  	[hbm4b:s6+s2] =	stream.linear.scatter [tilespmem:s5], [sflag:$0x2], $0x4000, $0x38;
	[tilespmem:$0x14100] =	vst v63  }
0x246: {  	_ =	swait.ge [sflag:s1], $0x4000  }
0x247: {  	[sflag:s1] =	ssyncset.done $0x0  }
0x248: {  	[sflag:s1] =	ssyncadd.s32 $0xFFFFC000  }
0x249: {  	_ =	swait.ge [sflag:s1], $0x4000  }
0x24a: {  	s15 =	sadd.s32 $0x1, s15;
	s24 =	rddreg [dreg:$0x9]  }
0x24b: {  	p0 =	sne.s32 s15, s24  }
.Ltmp8:
0x24c: {  	_ = 	snop;
	(pc) =	sbr.rel @p0 .LBB2_1-.Ltmp8, $3  }
0x24d: {  	_ =	sdelay $0x1  }
0x24e: {  	[sflag:s1] =	ssyncset.done $0x0  }
0x24f: {  	[sflag:s1] =	ssyncadd.s32 $0xFFFFC000  }
0x250: {  	_ =	sfence.sel $0x180000  }
0x251: {  	[bflag:$0x0] =	sbarrier.arrive $0xFFFF  }
0x252: {  	_ =	strace $0x9000004A  }
0x253: {  	s0 =	stileid.u32;
	[bflag:$0x2] =	sbarrier.arrive $0xFFFF  }
0x254: {  	p0 =	sne.s32 s0, $0x0;
	s0 =	rddreg [dreg:$0x2]  }
0x255: {  	s0 =	sadd.s32 @!p0 $0x100000, s0  }
0x256: {  	[sflag:s0] =	ssyncadd.tile.s32 @!p0 $0x1;
	_ =	shalt  }
.Lfunc_end2:
_tile_overlayer_lowered:
.L_overlay_start_2:
0x257: {  	(tag) =	ssettag $0x2  }
0x258: {  	s0 =	rddreg [dreg:$0x0];
	s2 =	stileid.u32  }
0x259: {  	s1 =	rddreg [dreg:$0x1];
	p0 =	sne.s32 s2, $0x0  }
0x25a: {  	s3 =	rddreg [dreg:$0x2];
	[bflag:$0x3] =	sbarrier.arrive $0xFFFF;
	s2 =	simm.s32 @!p0 $0x1C03  }
0x25b: {  	[timem:s3], [sflag:s2] =	dma.local @!p0 [hbm:s0], s1  }
0x25c: {  	s0 =	simm.s32 @!p0 $0x3  }
0x25d: {  	_ =	swait.ge @!p0 [sflag:s0], s1  }
0x25e: {  	s1 =	ssub.s32 @!p0 $0x0, s1;
	[sflag:s0] =	ssyncset.done @!p0 $0x0  }
0x25f: {  	[sflag:s0] =	ssyncadd.s32 @!p0 s1  }
0x260: {  	[bflag:$0x3] =	sbarrier.arrive $0xFFFF  }
0x261: {  	_ =	shalt  }

// kernel: kernel.7.cloned.1.call-start
scs
__scs_entry_jumppad:
0x0: {  	(pc) =	sbr.rel $0x88, $3  }
0x1: {  	(tag) =	ssettag $0x0;
	lr =	simm.s32 $0x1  }
0x2: {  	[smem:$0x3F9B] =	sst lr;
	_ =	strace $0xD0000000  }
0x3: {  	_ = 	snop  }
0x4: {  	_ = 	snop  }
0x5: {  	_ = 	snop  }
0x6: {  	_ = 	snop  }
0x7: {  	_ = 	snop  }
__scs_overlays_trampoline_lowered:
0x8: {  	[smem:$0x3FAA] =	sst s0  }
0x9: {  	[smem:$0x3FAB] =	sst s1  }
0xa: {  	[smem:$0x3FAC] =	sst s2  }
0xb: {  	[smem:$0x3FAD] =	sst s3  }
0xc: {  	[smem:$0x3FAE] =	sst s4  }
0xd: {  	[smem:$0x3FAF] =	sst s5  }
0xe: {  	[smem:$0x3FB0] =	sst s6  }
0xf: {  	[smem:$0x3FB1] =	sst s7  }
0x10: {  	[smem:$0x3FB2] =	sst s8  }
0x11: {  	[smem:$0x3FB3] =	sst s9;
	s0 =	simm.s32 @!p0 $0x0  }
0x12: {  	s1 =	sld [smem:$0x3F99];
	s0 =	simm.s32 @p0 $0x1  }
0x13: {  	[smem:$0x3FB4] =	sst s0;
	s0 =	simm.s32 @!p1 $0x0  }
0x14: {  	s2 =	sld [smem:$0x3F98];
	s0 =	simm.s32 @p1 $0x1  }
0x15: {  	[smem:$0x3FB5] =	sst s0;
	s0 =	simm.s32 @!p2 $0x0  }
0x16: {  	s3 =	sld [smem:$0x3FDB];
	s0 =	simm.s32 @p2 $0x1  }
0x17: {  	s4 =	simm.s32 $0x1BF5;
	[smem:$0x3FB7] =	sst s0  }
0x18: {  	s0 =	sld [smem:$0x3F9A];
	_ =	swait.ge [sflag:s4], $0x0  }
0x19: {  	s7 =	sld [smem:$0x3F9B]  }
0x1a: {  	s8 =	sadd.s32 $0xFFFFE003, lr  }
0x1b: {  	s9 =	sadd.s32 $0xFFFFFEF7, lr;
	s5 =	simm.s32 $0xFFFFFFFF;
	p2 =	slt.u32 s8, $0xFFFFF086  }
0x1c: {  	p1 =	slt.u32 s9, $0xF7A;
	s5 =	simm.s32 @!p2 $0x0  }
0x1d: {  	s5 =	simm.s32 @p1 $0x1;
	p0 =	seq.s32 s7, s2  }
0x1e: {  	s7 =	smul.u32 @!p0 $0xF7A, s2;
	p2 =	seq.s32 @!p0 s5, $0x0  }
0x1f: {  	s9 =	smul.u32 $0xF7A, s1;
	s8 =	simm.s32 @!p0 $0x1BF5;
	p2 =	por !p2, p0  }
0x20: {  	[sflag:s8] =	ssyncset.s32 @!p0 $0xFFFFF086;
	s6 =	sadd.s32 @!p0 s3, s7;
	s7 =	simm.s32 @!p0 $0x108  }
0x21: {  	s3 =	sadd.s32 s3, s9;
	s6 =	sadd.s32 @!p0 $0x88, s6;
	s7 =	simm.s32 @p2 $0x1082  }
0x22: {  	[simem:s7], [sflag:s8] =	dma.local @!p0 [hbm:s6], $0xF7A  }
0x23: {  	s9 =	sor.u32 $0xD0000000, s2;
	s6 =	simm.s32 $0x108;
	_ =	swait.ge @!p0 [sflag:s8], $0x0  }
0x24: {  	s3 =	sadd.s32 $0x88, s3;
	s6 =	simm.s32 @!p1 $0x1082;
	[sflag:s4] =	ssyncset.s32 $0xFFFFF086  }
0x25: {  	[simem:s6], [sflag:s4] =	dma.local [hbm:s3], $0xF7A  }
0x26: {  	[smem:$0x3F9B] =	sst s1;
	(tag) =	ssettag s2;
	_ =	strace s9  }
0x27: {  	s1 =	sld [smem:$0x3FAB]  }
0x28: {  	s2 =	sld [smem:$0x3FAC]  }
0x29: {  	s4 =	sld [smem:$0x3FAE]  }
0x2a: {  	p0 =	seq.s32 s5, $0x0;
	s5 =	sld [smem:$0x3FAF]  }
0x2b: {  	s6 =	sld [smem:$0x3FB0]  }
0x2c: {  	s7 =	sld [smem:$0x3FB1]  }
0x2d: {  	s3 =	simm.s32 $0x108;
	s8 =	sld [smem:$0x3FB2]  }
0x2e: {  	s3 =	simm.s32 @!p0 $0x1082;
	s9 =	sld [smem:$0x3FB3]  }
0x2f: {  	lr =	sadd.s32 s0, s3;
	s0 =	sld [smem:$0x3FAA]  }
0x30: {  	s3 =	sld [smem:$0x3FAD]  }
0x31: {  	[smem:$0x3FB6] =	sst s10  }
0x32: {  	s10 =	sld [smem:$0x3FB4];
	_ =	sdelay $0x3  }
0x33: {  	p0 =	seq.s32 s10, $0x1;
	s10 =	sld [smem:$0x3FB6];
	_ =	sdelay $0x3  }
0x34: {  	[smem:$0x3FB6] =	sst s10  }
0x35: {  	s10 =	sld [smem:$0x3FB5];
	_ =	sdelay $0x3  }
0x36: {  	p1 =	seq.s32 s10, $0x1;
	s10 =	sld [smem:$0x3FB6];
	_ =	sdelay $0x3  }
0x37: {  	[smem:$0x3FB6] =	sst s10  }
0x38: {  	s10 =	sld [smem:$0x3FB7]  }
0x39: {  	_ = 	snop;
	(pc) =	sbr.ind lr, $3  }
0x3a: {  	_ = 	snop  }
0x3b: {  	_ = 	snop  }
0x3c: {  	p2 =	seq.s32 s10, $0x1;
	s10 =	sld [smem:$0x3FB6]  }
0x3d: {  	_ =	shalt  }
0x3e: {  	_ =	shalt  }
0x3f: {  	_ =	shalt  }
0x40: {  	_ =	shalt  }
0x41: {  	_ =	shalt  }
0x42: {  	_ =	shalt  }
0x43: {  	_ =	shalt  }
0x44: {  	_ =	shalt  }
0x45: {  	_ =	shalt  }
0x46: {  	_ =	shalt  }
0x47: {  	_ =	shalt  }
0x48: {  	_ =	shalt  }
0x49: {  	_ =	shalt  }
0x4a: {  	_ =	shalt  }
0x4b: {  	_ =	shalt  }
0x4c: {  	_ =	shalt  }
0x4d: {  	_ =	shalt  }
0x4e: {  	_ =	shalt  }
0x4f: {  	_ =	shalt  }
0x50: {  	_ =	shalt  }
0x51: {  	_ =	shalt  }
0x52: {  	_ =	shalt  }
0x53: {  	_ =	shalt  }
0x54: {  	_ =	shalt  }
0x55: {  	_ =	shalt  }
0x56: {  	_ =	shalt  }
0x57: {  	_ =	shalt  }
0x58: {  	_ =	shalt  }
0x59: {  	_ =	shalt  }
0x5a: {  	_ =	shalt  }
0x5b: {  	_ =	shalt  }
0x5c: {  	_ =	shalt  }
0x5d: {  	_ =	shalt  }
0x5e: {  	_ =	shalt  }
0x5f: {  	_ =	shalt  }
0x60: {  	_ =	shalt  }
0x61: {  	_ =	shalt  }
0x62: {  	_ =	shalt  }
0x63: {  	_ =	shalt  }
0x64: {  	_ =	shalt  }
0x65: {  	_ =	shalt  }
0x66: {  	_ =	shalt  }
0x67: {  	_ =	shalt  }
0x68: {  	_ =	shalt  }
0x69: {  	_ =	shalt  }
0x6a: {  	_ =	shalt  }
0x6b: {  	_ =	shalt  }
0x6c: {  	_ =	shalt  }
0x6d: {  	_ =	shalt  }
0x6e: {  	_ =	shalt  }
0x6f: {  	_ =	shalt  }
0x70: {  	_ =	shalt  }
0x71: {  	_ =	shalt  }
0x72: {  	_ =	shalt  }
0x73: {  	_ =	shalt  }
0x74: {  	_ =	shalt  }
0x75: {  	_ =	shalt  }
0x76: {  	_ =	shalt  }
0x77: {  	_ =	shalt  }
0x78: {  	_ =	shalt  }
0x79: {  	_ =	shalt  }
0x7a: {  	_ =	shalt  }
0x7b: {  	_ =	shalt  }
0x7c: {  	_ =	shalt  }
0x7d: {  	_ =	shalt  }
0x7e: {  	_ =	shalt  }
0x7f: {  	_ =	shalt  }
0x80: {  	_ =	shalt  }
0x81: {  	_ =	shalt  }
0x82: {  	_ =	shalt  }
0x83: {  	_ =	shalt  }
0x84: {  	_ =	shalt  }
0x85: {  	_ =	shalt  }
0x86: {  	_ =	shalt  }
0x87: {  	_ =	shalt  }
.Lfunc_end0:
.L_simem_size_0:
called_computation_lowered:
.L_overlay_start_0:
0x88: {  	s2 =	sld [smem:$0x3FD9]  }
0x89: {  	s3 =	sld [smem:$0x3FFE];
	_ =	sdelay $0x1  }
0x8a: {  	s1 =	srdreg.scid  }
0x8b: {  	s0 =	sand.u32 $0x1, s1  }
0x8c: {  	s17 =	sshll.u32 s0, $0xA;
	s2 =	sadd.s32 s3, s2  }
0x8d: {  	s2 =	sadd.s32 s2, s17  }
0x8e: {  	[smem:$0x3FC2] =	sst s2  }
0x8f: {  	_ = 	snop  }
0x90: {  	s2 =	sld [smem:$0x3FC9];
	(tm) =	ssettm $0x1  }
0x91: {  	s18 =	sld [smem:$0x3FFB];
	_ =	sdelay $0x3  }
0x92: {  	_ =	strace s18  }
0x93: {  	s3 =	sld [smem:$0x3FFC];
	_ =	sdelay $0x3  }
0x94: {  	_ =	strace s3  }
0x95: {  	s3 =	sld [smem:$0x3FFD];
	_ =	sdelay $0x3  }
0x96: {  	_ =	strace s3  }
0x97: {  	_ =	strace $0x8FFFFFFF  }
0x98: {  	s19 =	sld [smem:$0x3FDB];
	_ =	sdelay $0x1  }
0x99: {  	s4 =	simm.s32 $_scs_section_size  }
0x9a: {  	s5 =	simm.s32 $_size__tile_overlayer_lowered;
	s6 =	simm.s32 $_tile_overlayer_lowered  }
0x9b: {  	s22 =	simm.s32 $0x1BFF;
	s21 =	sshll.u32 s6, $0x1;
	s3 =	sadd.s32 s4, s19  }
0x9c: {  	s7 =	simm.s32 $0x0;
	s20 =	sshll.u32 s5, $0x1;
	s5 =	sadd.s32 s21, s3  }
0x9d: {  	[timem:s7], [sflag:s22] =	dma.local [hbm:s5], s20  }
0x9e: {  	_ =	swait.ge [sflag:s22], s20  }
0x9f: {  	s4 =	ssub.s32 $0x0, s20;
	[sflag:s22] =	ssyncset.done $0x0  }
0xa0: {  	[sflag:s22] =	ssyncadd.s32 s4;
	_ =	sdelay $0x1  }
0xa1: {  	s23 =	simm.s32 $0x1B8B  }
0xa2: {  	_ =	swait.ge [sflag:s23], $0x1  }
0xa3: {  	[sflag:s23] =	ssyncset.done $0x0  }
0xa4: {  	s25 =	simm.s32 $0x1B8E;
	s24 =	sld [smem:$0x3FFE];
	[sflag:s23] =	ssyncadd.s32 $0xFFFFFFFF  }
0xa5: {  	s26 =	simm.s32 $execute0_lowered;
	[smem:$0x3FD2] =	sst s25  }
0xa6: {  	s5 =	sshll.u32 s26, $0x1;
	_ =	strace $0x80000046;
	[dreg:$0x1] =	wrdreg $0xFFFFFFFF  }
0xa7: {  	s28 =	simm.s32 $_size_execute0_lowered;
	s3 =	sadd.s32 s3, s5;
	[dreg:$0x0] =	wrdreg $0x0  }
0xa8: {  	s5 =	sshll.u32 s28, $0x1;
	[dreg:$0x2] =	wrdreg s3  }
0xa9: {  	[dreg:$0x3] =	wrdreg s5  }
0xaa: {  	[dreg:$0x4] =	wrdreg $0xC0  }
0xab: {  	_ =	task [dreg:s7], $0x5FFFF  }
0xac: {  	[dreg:$0x1] =	wrdreg $0xFFFFFFFF  }
0xad: {  	[dreg:$0x0] =	wrdreg $0x60  }
0xae: {  	[dreg:$0x2] =	wrdreg s2  }
0xaf: {  	[dreg:$0x3] =	wrdreg s24  }
0xb0: {  	[dreg:$0x4] =	wrdreg $0x9  }
0xb1: {  	_ =	task.clear_ibuf [dreg:s7], $0x5FFFF;
	_ =	strace $0x90000046  }
0xb2: {  	s29 =	simm.s32 $0x9;
	_ =	strace $0x80000048  }
0xb3: {  	_ =	swait.ge [sflag:s29], $0x1  }
0xb4: {  	[sflag:s29] =	ssyncadd.s32 $0xFFFFFFFF  }
0xb5: {  	_ =	strace $0x90000048  }
0xb6: {  	_ =	sfence  }
0xb7: {  	s30 =	sld [smem:$0x0];
	_ =	sdelay $0x2  }
0xb8: {  	s31 =	sshll.u32 s1, $0xD;
	s1 =	sshrl.u32 s1, $0x2  }
0xb9: {  	s3 =	sand.u32 $0x4000, s31;
	s1 =	sadd.s32 s1, s30  }
0xba: {  	s0 =	sor.u32 s3, s0;
	s1 =	sshll.u32 s1, $0x11  }
0xbb: {  	s0 =	sor.u32 s1, s0  }
0xbc: {  	s0 =	sadd.s32 $0x8F2B, s0  }
0xbd: {  	[sflag:s0] =	ssyncadd.remote.s32 $0x1  }
0xbe: {  	_ =	sfence.sel $0xFFFF  }
0xbf: {  	[dreg:$0x0] =	wrdreg $0xFFFFFFFF;
	(pc) =	sbr.abs _section_cstart, $3  }
0xc0: {  	[dreg:$0x1] =	wrdreg $0xFFFFFFFF  }
0xc1: {  	_ =	task.clear_ibuf [dreg:s7], $0x2FFFF;
	_ =	strace $0x9FFFFFFF  }
0xc2: {  	(tm) =	ssettm $0x7FFFFFFF  }
0xc3: {  	_ =	shalt  }
tec
execute0_lowered:
.L_overlay_start_1:
0x0: {  	(tag) =	ssettag $0x1  }
0x1: {  	s0 =	rddreg [dreg:$0x0]  }
0x2: {  	s1 =	rddreg [dreg:$0x1];
	s2 =	simm.s32 $0x0  }
0x3: {  	s3 =	srdreg.scid;
	s5 =	stileid.u32;
	s10 =	simm.s32 $0x1  }
0x4: {  	s20 =	simm.s32 $0x880;
	s21 =	simm.s32 $0x1080;
	s22 =	simm.s32 $0x1880  }
0x5: {  	s23 =	simm.s32 $0x2080;
	s24 =	simm.s32 $0x2880;
	s28 =	simm.s32 $0x4080  }
0x6: {  	s29 =	simm.s32 $0x4880;
	s30 =	simm.s32 $0x5080;
	s31 =	simm.s32 $0x5880  }
0x7: {  	s11 =	simm.s32 $0x7080;
	s12 =	simm.s32 $0x7880;
	s13 =	simm.s32 $0x8880  }
0x8: {  	s14 =	simm.s32 $0x9080;
	s15 =	simm.s32 $0x9880;
	s16 =	simm.s32 $0xA080  }
0x9: {  	s17 =	simm.s32 $0xA880;
	s18 =	simm.s32 $0xB080;
	s9 =	simm.s32 $0xB880  }
0xa: {  	[smem:$0x7FF] =	sst s2;
	s4 =	sand.u32 $0x1, s3;
	s25 =	sshll.u32 s5, $0x1  }
0xb: {  	s3 =	sadd.s32 $0x1C200, s1;
	_ =	strace $0x80000047;
	s5 =	sor.u32 s4, s25  }
0xc: {  	s4 =	ssub.s32 $0x2, s4;
	s25 =	simm.s32 $0x3080;
	s6 =	sshll.u32 s5, $0xD  }
0xd: {  	s7 =	sshrl.u32 s4, $0x1;
	s5 =	sshll.u32 s5, $0x4;
	s0 =	sadd.s32 s0, s6  }
0xe: {  	s4 =	ssub.s32 s4, s7;
	s26 =	sadd.s32 s1, s5;
	s5 =	sadd.s32 $0x1C300, s1  }
0xf: {  	v2 =	vlaneseq.u32;
	s6 =	sadd.s32 $0x1C400, s1;
	s7 =	sadd.s32 $0x1C500, s1;
	[dreg:$0x3] =	wrdreg s0  }
0x10: {  	vm0 =	vmmov $0xffff;
	v1 =	vshrl.u32 v2, $0x3;
	[dreg:$0x5] =	wrdreg s26;
	s0 =	sadd.s32 $0x200, s26;
	s8 =	smax.u32 s4, $0x1  }
0x11: {  	v0 =	vand.u32 $0x7, v2;
	v2 =	vor.u32 $0x8, v2;
	v1 =	vmul.u32 $0x8, v1;
	s26 =	simm.s32 $0x3880;
	s4 =	simm.s32 $0x8080;
	[dreg:$0x4] =	wrdreg s0  }
.LBB2_1:
0x12: {  	s19 =	rddreg [dreg:$0x3];
	s0 =	simm.s32 $0x80  }
0x13: {  	[tilespmem:s0], [sflag:$0x1] =	stream.linear.gather [hbm4b:s19+s2], $0x10000, $0x38;
	[tilespmem:$0x10080] =	vst v63  }
0x14: {  	_ =	swait.ge [sflag:s10], $0x10000  }
0x15: {  	[sflag:s10] =	ssyncset.done $0x0  }
0x16: {  	s1 =	rddreg [dreg:$0x5];
	[sflag:s10] =	ssyncadd.s32 $0xFFFF0000  }
0x17: {  	[tilespmem:s2], [sflag:$0x1] =	stream.linear.gather [hbm4b:s1+s2], $0x80, $0x38;
	[tilespmem:$0x10080] =	vst v63  }
0x18: {  	_ =	swait.ge [sflag:s10], $0x80  }
0x19: {  	[sflag:s10] =	ssyncset.done $0x0  }
0x1a: {  	[sflag:s10] =	ssyncadd.s32 $0xFFFFFF80  }
0x1b: {  	v3 =	vld [tilespmem:$0x0];
	_ =	sdelay $0x4  }
0x1c: {  	v4 =	vshll.u32 v3, $0x3  }
0x1d: {  	v3 =	vand.u32 $0x7, v3;
	v4 =	vand.u32 $0xFFFFFFC0, v4  }
0x1e: {  	v3 =	vor.u32 v3, v4  }
0x1f: {  	v4 =	vperm.xlane v3, v0;
	_ =	sdelay $0x1  }
0x20: {  	v4 =	vadd.s32 v1, v4;
	_ =	sdelay $0x4  }
0x21: {  	[hbm4b:s3+s2] =	stream.indirect_vreg.scatter [tilespmem:s0], [sflag:$0x1], $0x80, v4, vm0, $0xb8;
	[tilespmem:$0x10080] =	vst v63  }
0x22: {  	v3 =	vperm.xlane v3, v2  }
0x23: {  	[hbm4b:s5+s2] =	stream.indirect_vreg.scatter [tilespmem:s20], [sflag:$0x1], $0x80, v4, vm0, $0xb8;
	[tilespmem:$0x10080] =	vst v63  }
0x24: {  	v3 =	vadd.s32 v1, v3  }
0x25: {  	[hbm4b:s6+s2] =	stream.indirect_vreg.scatter [tilespmem:s21], [sflag:$0x1], $0x80, v4, vm0, $0xb8;
	[tilespmem:$0x10080] =	vst v63  }
0x26: {  	_ = 	snop  }
0x27: {  	[hbm4b:s7+s2] =	stream.indirect_vreg.scatter [tilespmem:s22], [sflag:$0x1], $0x80, v4, vm0, $0xb8;
	[tilespmem:$0x10080] =	vst v63  }
0x28: {  	_ = 	snop  }
0x29: {  	[hbm4b:s3+s2] =	stream.indirect_vreg.scatter [tilespmem:s23], [sflag:$0x1], $0x80, v3, vm0, $0xb8;
	[tilespmem:$0x10080] =	vst v63  }
0x2a: {  	_ = 	snop  }
0x2b: {  	[hbm4b:s5+s2] =	stream.indirect_vreg.scatter [tilespmem:s24], [sflag:$0x1], $0x80, v3, vm0, $0xb8;
	[tilespmem:$0x10080] =	vst v63  }
0x2c: {  	_ = 	snop  }
0x2d: {  	[hbm4b:s6+s2] =	stream.indirect_vreg.scatter [tilespmem:s25], [sflag:$0x1], $0x80, v3, vm0, $0xb8;
	[tilespmem:$0x10080] =	vst v63  }
0x2e: {  	_ = 	snop  }
0x2f: {  	[hbm4b:s7+s2] =	stream.indirect_vreg.scatter [tilespmem:s26], [sflag:$0x1], $0x80, v3, vm0, $0xb8;
	[tilespmem:$0x10080] =	vst v63  }
0x30: {  	v3 =	vld [tilespmem:$0x10];
	_ =	sdelay $0x4  }
0x31: {  	v57 =	vshll.u32 v3, $0x3  }
0x32: {  	v3 =	vand.u32 $0x7, v3;
	v4 =	vand.u32 $0xFFFFFFC0, v57  }
0x33: {  	v3 =	vor.u32 v3, v4  }
0x34: {  	v4 =	vperm.xlane v3, v0;
	_ =	sdelay $0x1  }
0x35: {  	v4 =	vadd.s32 v1, v4;
	_ =	sdelay $0x4  }
0x36: {  	[hbm4b:s3+s2] =	stream.indirect_vreg.scatter [tilespmem:s28], [sflag:$0x1], $0x80, v4, vm0, $0xb8;
	[tilespmem:$0x10080] =	vst v63  }
0x37: {  	v3 =	vperm.xlane v3, v2  }
0x38: {  	[hbm4b:s5+s2] =	stream.indirect_vreg.scatter [tilespmem:s29], [sflag:$0x1], $0x80, v4, vm0, $0xb8;
	[tilespmem:$0x10080] =	vst v63  }
0x39: {  	v3 =	vadd.s32 v1, v3  }
0x3a: {  	[hbm4b:s6+s2] =	stream.indirect_vreg.scatter [tilespmem:s30], [sflag:$0x1], $0x80, v4, vm0, $0xb8;
	[tilespmem:$0x10080] =	vst v63  }
0x3b: {  	_ = 	snop  }
0x3c: {  	[hbm4b:s7+s2] =	stream.indirect_vreg.scatter [tilespmem:s31], [sflag:$0x1], $0x80, v4, vm0, $0xb8;
	[tilespmem:$0x10080] =	vst v63  }
0x3d: {  	s1 =	simm.s32 $0x6080  }
0x3e: {  	[hbm4b:s3+s2] =	stream.indirect_vreg.scatter [tilespmem:s1], [sflag:$0x1], $0x80, v3, vm0, $0xb8;
	[tilespmem:$0x10080] =	vst v63  }
0x3f: {  	s1 =	simm.s32 $0x6880  }
0x40: {  	[hbm4b:s5+s2] =	stream.indirect_vreg.scatter [tilespmem:s1], [sflag:$0x1], $0x80, v3, vm0, $0xb8;
	[tilespmem:$0x10080] =	vst v63  }
0x41: {  	_ = 	snop  }
0x42: {  	[hbm4b:s6+s2] =	stream.indirect_vreg.scatter [tilespmem:s11], [sflag:$0x1], $0x80, v3, vm0, $0xb8;
	[tilespmem:$0x10080] =	vst v63  }
0x43: {  	_ = 	snop  }
0x44: {  	[hbm4b:s7+s2] =	stream.indirect_vreg.scatter [tilespmem:s12], [sflag:$0x1], $0x80, v3, vm0, $0xb8;
	[tilespmem:$0x10080] =	vst v63  }
0x45: {  	v3 =	vld [tilespmem:$0x20];
	_ =	sdelay $0x4  }
0x46: {  	v58 =	vshll.u32 v3, $0x3  }
0x47: {  	v3 =	vand.u32 $0x7, v3;
	v4 =	vand.u32 $0xFFFFFFC0, v58  }
0x48: {  	v3 =	vor.u32 v3, v4  }
0x49: {  	v4 =	vperm.xlane v3, v0;
	_ =	sdelay $0x1  }
0x4a: {  	v4 =	vadd.s32 v1, v4;
	_ =	sdelay $0x4  }
0x4b: {  	[hbm4b:s3+s2] =	stream.indirect_vreg.scatter [tilespmem:s4], [sflag:$0x1], $0x80, v4, vm0, $0xb8;
	[tilespmem:$0x10080] =	vst v63  }
0x4c: {  	v3 =	vperm.xlane v3, v2  }
0x4d: {  	[hbm4b:s5+s2] =	stream.indirect_vreg.scatter [tilespmem:s13], [sflag:$0x1], $0x80, v4, vm0, $0xb8;
	[tilespmem:$0x10080] =	vst v63  }
0x4e: {  	v3 =	vadd.s32 v1, v3  }
0x4f: {  	[hbm4b:s6+s2] =	stream.indirect_vreg.scatter [tilespmem:s14], [sflag:$0x1], $0x80, v4, vm0, $0xb8;
	[tilespmem:$0x10080] =	vst v63  }
0x50: {  	_ = 	snop  }
0x51: {  	[hbm4b:s7+s2] =	stream.indirect_vreg.scatter [tilespmem:s15], [sflag:$0x1], $0x80, v4, vm0, $0xb8;
	[tilespmem:$0x10080] =	vst v63  }
0x52: {  	_ = 	snop  }
0x53: {  	[hbm4b:s3+s2] =	stream.indirect_vreg.scatter [tilespmem:s16], [sflag:$0x1], $0x80, v3, vm0, $0xb8;
	[tilespmem:$0x10080] =	vst v63  }
0x54: {  	_ = 	snop  }
0x55: {  	[hbm4b:s5+s2] =	stream.indirect_vreg.scatter [tilespmem:s17], [sflag:$0x1], $0x80, v3, vm0, $0xb8;
	[tilespmem:$0x10080] =	vst v63  }
0x56: {  	_ = 	snop  }
0x57: {  	[hbm4b:s6+s2] =	stream.indirect_vreg.scatter [tilespmem:s18], [sflag:$0x1], $0x80, v3, vm0, $0xb8;
	[tilespmem:$0x10080] =	vst v63  }
0x58: {  	_ = 	snop  }
0x59: {  	[hbm4b:s7+s2] =	stream.indirect_vreg.scatter [tilespmem:s9], [sflag:$0x1], $0x80, v3, vm0, $0xb8;
	[tilespmem:$0x10080] =	vst v63  }
0x5a: {  	v3 =	vld [tilespmem:$0x30];
	_ =	sdelay $0x4  }
0x5b: {  	v59 =	vshll.u32 v3, $0x3  }
0x5c: {  	v3 =	vand.u32 $0x7, v3;
	v4 =	vand.u32 $0xFFFFFFC0, v59  }
0x5d: {  	v3 =	vor.u32 v3, v4  }
0x5e: {  	v4 =	vperm.xlane v3, v0;
	_ =	sdelay $0x1  }
0x5f: {  	v4 =	vadd.s32 v1, v4;
	_ =	sdelay $0x3  }
0x60: {  	s19 =	simm.s32 $0xC080  }
0x61: {  	[hbm4b:s3+s2] =	stream.indirect_vreg.scatter [tilespmem:s19], [sflag:$0x1], $0x80, v4, vm0, $0xb8;
	[tilespmem:$0x10080] =	vst v63  }
0x62: {  	v3 =	vperm.xlane v3, v2;
	s19 =	simm.s32 $0xC880  }
0x63: {  	[hbm4b:s5+s2] =	stream.indirect_vreg.scatter [tilespmem:s19], [sflag:$0x1], $0x80, v4, vm0, $0xb8;
	[tilespmem:$0x10080] =	vst v63  }
0x64: {  	v3 =	vadd.s32 v1, v3;
	s19 =	simm.s32 $0xD080  }
0x65: {  	[hbm4b:s6+s2] =	stream.indirect_vreg.scatter [tilespmem:s19], [sflag:$0x1], $0x80, v4, vm0, $0xb8;
	[tilespmem:$0x10080] =	vst v63  }
0x66: {  	s19 =	simm.s32 $0xD880  }
0x67: {  	[hbm4b:s7+s2] =	stream.indirect_vreg.scatter [tilespmem:s19], [sflag:$0x1], $0x80, v4, vm0, $0xb8;
	[tilespmem:$0x10080] =	vst v63  }
0x68: {  	s19 =	simm.s32 $0xE080  }
0x69: {  	[hbm4b:s3+s2] =	stream.indirect_vreg.scatter [tilespmem:s19], [sflag:$0x1], $0x80, v3, vm0, $0xb8;
	[tilespmem:$0x10080] =	vst v63  }
0x6a: {  	s19 =	simm.s32 $0xE880  }
0x6b: {  	[hbm4b:s5+s2] =	stream.indirect_vreg.scatter [tilespmem:s19], [sflag:$0x1], $0x80, v3, vm0, $0xb8;
	[tilespmem:$0x10080] =	vst v63  }
0x6c: {  	s19 =	simm.s32 $0xF080  }
0x6d: {  	[hbm4b:s6+s2] =	stream.indirect_vreg.scatter [tilespmem:s19], [sflag:$0x1], $0x80, v3, vm0, $0xb8;
	[tilespmem:$0x10080] =	vst v63  }
0x6e: {  	s19 =	simm.s32 $0xF880  }
0x6f: {  	[hbm4b:s7+s2] =	stream.indirect_vreg.scatter [tilespmem:s19], [sflag:$0x1], $0x80, v3, vm0, $0xb8;
	[tilespmem:$0x10080] =	vst v63  }
0x70: {  	_ =	swait.ge [sflag:s10], $0x10000  }
0x71: {  	[sflag:s10] =	ssyncset.done $0x0  }
0x72: {  	s19 =	rddreg [dreg:$0x4];
	[sflag:s10] =	ssyncadd.s32 $0xFFFF0000  }
0x73: {  	[tilespmem:s2], [sflag:$0x1] =	stream.linear.gather [hbm4b:s19+s2], $0x80, $0x38;
	[tilespmem:$0x10080] =	vst v63  }
0x74: {  	_ =	swait.ge [sflag:s10], $0x80  }
0x75: {  	[sflag:s10] =	ssyncset.done $0x0  }
0x76: {  	[sflag:s10] =	ssyncadd.s32 $0xFFFFFF80  }
0x77: {  	v3 =	vld [tilespmem:$0x0];
	_ =	sdelay $0x4  }
0x78: {  	v60 =	vshll.u32 v3, $0x3  }
0x79: {  	v3 =	vand.u32 $0x7, v3;
	v4 =	vand.u32 $0xFFFFFFC0, v60  }
0x7a: {  	v3 =	vor.u32 v3, v4  }
0x7b: {  	v4 =	vperm.xlane v3, v0;
	_ =	sdelay $0x1  }
0x7c: {  	v4 =	vadd.s32 v1, v4;
	_ =	sdelay $0x4  }
0x7d: {  	[hbm4b:s3+s2] =	stream.indirect_vreg.scatter [tilespmem:s0], [sflag:$0x1], $0x80, v4, vm0, $0xb8;
	[tilespmem:$0x10080] =	vst v63  }
0x7e: {  	v3 =	vperm.xlane v3, v2  }
0x7f: {  	[hbm4b:s5+s2] =	stream.indirect_vreg.scatter [tilespmem:s20], [sflag:$0x1], $0x80, v4, vm0, $0xb8;
	[tilespmem:$0x10080] =	vst v63  }
0x80: {  	v3 =	vadd.s32 v1, v3  }
0x81: {  	[hbm4b:s6+s2] =	stream.indirect_vreg.scatter [tilespmem:s21], [sflag:$0x1], $0x80, v4, vm0, $0xb8;
	[tilespmem:$0x10080] =	vst v63  }
0x82: {  	_ = 	snop  }
0x83: {  	[hbm4b:s7+s2] =	stream.indirect_vreg.scatter [tilespmem:s22], [sflag:$0x1], $0x80, v4, vm0, $0xb8;
	[tilespmem:$0x10080] =	vst v63  }
0x84: {  	_ = 	snop  }
0x85: {  	[hbm4b:s3+s2] =	stream.indirect_vreg.scatter [tilespmem:s23], [sflag:$0x1], $0x80, v3, vm0, $0xb8;
	[tilespmem:$0x10080] =	vst v63  }
0x86: {  	_ = 	snop  }
0x87: {  	[hbm4b:s5+s2] =	stream.indirect_vreg.scatter [tilespmem:s24], [sflag:$0x1], $0x80, v3, vm0, $0xb8;
	[tilespmem:$0x10080] =	vst v63  }
0x88: {  	_ = 	snop  }
0x89: {  	[hbm4b:s6+s2] =	stream.indirect_vreg.scatter [tilespmem:s25], [sflag:$0x1], $0x80, v3, vm0, $0xb8;
	[tilespmem:$0x10080] =	vst v63  }
0x8a: {  	_ = 	snop  }
0x8b: {  	[hbm4b:s7+s2] =	stream.indirect_vreg.scatter [tilespmem:s26], [sflag:$0x1], $0x80, v3, vm0, $0xb8;
	[tilespmem:$0x10080] =	vst v63  }
0x8c: {  	v3 =	vld [tilespmem:$0x10];
	_ =	sdelay $0x4  }
0x8d: {  	v61 =	vshll.u32 v3, $0x3  }
0x8e: {  	v3 =	vand.u32 $0x7, v3;
	v4 =	vand.u32 $0xFFFFFFC0, v61  }
0x8f: {  	v3 =	vor.u32 v3, v4  }
0x90: {  	v4 =	vperm.xlane v3, v0;
	_ =	sdelay $0x1  }
0x91: {  	v4 =	vadd.s32 v1, v4;
	_ =	sdelay $0x4  }
0x92: {  	[hbm4b:s3+s2] =	stream.indirect_vreg.scatter [tilespmem:s28], [sflag:$0x1], $0x80, v4, vm0, $0xb8;
	[tilespmem:$0x10080] =	vst v63  }
0x93: {  	v3 =	vperm.xlane v3, v2  }
0x94: {  	[hbm4b:s5+s2] =	stream.indirect_vreg.scatter [tilespmem:s29], [sflag:$0x1], $0x80, v4, vm0, $0xb8;
	[tilespmem:$0x10080] =	vst v63  }
0x95: {  	v3 =	vadd.s32 v1, v3  }
0x96: {  	[hbm4b:s6+s2] =	stream.indirect_vreg.scatter [tilespmem:s30], [sflag:$0x1], $0x80, v4, vm0, $0xb8;
	[tilespmem:$0x10080] =	vst v63  }
0x97: {  	_ = 	snop  }
0x98: {  	[hbm4b:s7+s2] =	stream.indirect_vreg.scatter [tilespmem:s31], [sflag:$0x1], $0x80, v4, vm0, $0xb8;
	[tilespmem:$0x10080] =	vst v63  }
0x99: {  	s19 =	simm.s32 $0x6080  }
0x9a: {  	[hbm4b:s3+s2] =	stream.indirect_vreg.scatter [tilespmem:s19], [sflag:$0x1], $0x80, v3, vm0, $0xb8;
	[tilespmem:$0x10080] =	vst v63  }
0x9b: {  	_ = 	snop  }
0x9c: {  	[hbm4b:s5+s2] =	stream.indirect_vreg.scatter [tilespmem:s1], [sflag:$0x1], $0x80, v3, vm0, $0xb8;
	[tilespmem:$0x10080] =	vst v63  }
0x9d: {  	_ = 	snop  }
0x9e: {  	[hbm4b:s6+s2] =	stream.indirect_vreg.scatter [tilespmem:s11], [sflag:$0x1], $0x80, v3, vm0, $0xb8;
	[tilespmem:$0x10080] =	vst v63  }
0x9f: {  	_ = 	snop  }
0xa0: {  	[hbm4b:s7+s2] =	stream.indirect_vreg.scatter [tilespmem:s12], [sflag:$0x1], $0x80, v3, vm0, $0xb8;
	[tilespmem:$0x10080] =	vst v63  }
0xa1: {  	v3 =	vld [tilespmem:$0x20];
	_ =	sdelay $0x4  }
0xa2: {  	v62 =	vshll.u32 v3, $0x3  }
0xa3: {  	v3 =	vand.u32 $0x7, v3;
	v4 =	vand.u32 $0xFFFFFFC0, v62  }
0xa4: {  	v3 =	vor.u32 v3, v4  }
0xa5: {  	v4 =	vperm.xlane v3, v0;
	_ =	sdelay $0x1  }
0xa6: {  	v4 =	vadd.s32 v1, v4;
	_ =	sdelay $0x4  }
0xa7: {  	[hbm4b:s3+s2] =	stream.indirect_vreg.scatter [tilespmem:s4], [sflag:$0x1], $0x80, v4, vm0, $0xb8;
	[tilespmem:$0x10080] =	vst v63  }
0xa8: {  	v3 =	vperm.xlane v3, v2  }
0xa9: {  	[hbm4b:s5+s2] =	stream.indirect_vreg.scatter [tilespmem:s13], [sflag:$0x1], $0x80, v4, vm0, $0xb8;
	[tilespmem:$0x10080] =	vst v63  }
0xaa: {  	v3 =	vadd.s32 v1, v3  }
0xab: {  	[hbm4b:s6+s2] =	stream.indirect_vreg.scatter [tilespmem:s14], [sflag:$0x1], $0x80, v4, vm0, $0xb8;
	[tilespmem:$0x10080] =	vst v63  }
0xac: {  	_ = 	snop  }
0xad: {  	[hbm4b:s7+s2] =	stream.indirect_vreg.scatter [tilespmem:s15], [sflag:$0x1], $0x80, v4, vm0, $0xb8;
	[tilespmem:$0x10080] =	vst v63  }
0xae: {  	_ = 	snop  }
0xaf: {  	[hbm4b:s3+s2] =	stream.indirect_vreg.scatter [tilespmem:s16], [sflag:$0x1], $0x80, v3, vm0, $0xb8;
	[tilespmem:$0x10080] =	vst v63  }
0xb0: {  	_ = 	snop  }
0xb1: {  	[hbm4b:s5+s2] =	stream.indirect_vreg.scatter [tilespmem:s17], [sflag:$0x1], $0x80, v3, vm0, $0xb8;
	[tilespmem:$0x10080] =	vst v63  }
0xb2: {  	_ = 	snop  }
0xb3: {  	[hbm4b:s6+s2] =	stream.indirect_vreg.scatter [tilespmem:s18], [sflag:$0x1], $0x80, v3, vm0, $0xb8;
	[tilespmem:$0x10080] =	vst v63  }
0xb4: {  	_ = 	snop  }
0xb5: {  	[hbm4b:s7+s2] =	stream.indirect_vreg.scatter [tilespmem:s9], [sflag:$0x1], $0x80, v3, vm0, $0xb8;
	[tilespmem:$0x10080] =	vst v63  }
0xb6: {  	v3 =	vld [tilespmem:$0x30];
	_ =	sdelay $0x4  }
0xb7: {  	v63 =	vshll.u32 v3, $0x3  }
0xb8: {  	v3 =	vand.u32 $0x7, v3;
	v4 =	vand.u32 $0xFFFFFFC0, v63  }
0xb9: {  	v3 =	vor.u32 v3, v4  }
0xba: {  	v4 =	vperm.xlane v3, v0;
	_ =	sdelay $0x1  }
0xbb: {  	v4 =	vadd.s32 v1, v4;
	_ =	sdelay $0x3  }
0xbc: {  	s1 =	simm.s32 $0xC080  }
0xbd: {  	[hbm4b:s3+s2] =	stream.indirect_vreg.scatter [tilespmem:s1], [sflag:$0x1], $0x80, v4, vm0, $0xb8;
	[tilespmem:$0x10080] =	vst v63  }
0xbe: {  	s19 =	simm.s32 $0xC880;
	v3 =	vperm.xlane v3, v2  }
0xbf: {  	[hbm4b:s5+s2] =	stream.indirect_vreg.scatter [tilespmem:s19], [sflag:$0x1], $0x80, v4, vm0, $0xb8;
	[tilespmem:$0x10080] =	vst v63  }
0xc0: {  	v3 =	vadd.s32 v1, v3;
	s1 =	simm.s32 $0xD080  }
0xc1: {  	[hbm4b:s6+s2] =	stream.indirect_vreg.scatter [tilespmem:s1], [sflag:$0x1], $0x80, v4, vm0, $0xb8;
	[tilespmem:$0x10080] =	vst v63  }
0xc2: {  	s19 =	simm.s32 $0xD880  }
0xc3: {  	[hbm4b:s7+s2] =	stream.indirect_vreg.scatter [tilespmem:s19], [sflag:$0x1], $0x80, v4, vm0, $0xb8;
	[tilespmem:$0x10080] =	vst v63  }
0xc4: {  	s1 =	simm.s32 $0xE080  }
0xc5: {  	[hbm4b:s3+s2] =	stream.indirect_vreg.scatter [tilespmem:s1], [sflag:$0x1], $0x80, v3, vm0, $0xb8;
	[tilespmem:$0x10080] =	vst v63  }
0xc6: {  	s19 =	simm.s32 $0xE880  }
0xc7: {  	[hbm4b:s5+s2] =	stream.indirect_vreg.scatter [tilespmem:s19], [sflag:$0x1], $0x80, v3, vm0, $0xb8;
	[tilespmem:$0x10080] =	vst v63  }
0xc8: {  	p0 =	sne.s32 s8, $0x1;
	s1 =	simm.s32 $0xF080  }
0xc9: {  	[hbm4b:s6+s2] =	stream.indirect_vreg.scatter [tilespmem:s1], [sflag:$0x1], $0x80, v3, vm0, $0xb8;
	[tilespmem:$0x10080] =	vst v63  }
.Ltmp0:
0xca: {  	s19 =	simm.s32 $0xF880;
	(pc) =	sbr.rel @p0 .LBB2_1-.Ltmp0, $4  }
0xcb: {  	[hbm4b:s7+s2] =	stream.indirect_vreg.scatter [tilespmem:s19], [sflag:$0x1], $0x80, v3, vm0, $0xb8;
	[tilespmem:$0x10080] =	vst v63  }
0xcc: {  	_ =	swait.ge [sflag:s10], $0x10000  }
0xcd: {  	[sflag:s10] =	ssyncset.done $0x0  }
0xce: {  	s8 =	sadd.s32 $0xFFFFFFFF, s8;
	[sflag:s10] =	ssyncadd.s32 $0xFFFF0000  }
0xcf: {  	_ =	sfence.sel $0x180000  }
0xd0: {  	[bflag:$0x0] =	sbarrier.arrive $0xFFFF  }
0xd1: {  	_ =	strace $0x90000047  }
0xd2: {  	s0 =	stileid.u32;
	[bflag:$0x2] =	sbarrier.arrive $0xFFFF  }
0xd3: {  	p0 =	sne.s32 s0, $0x0;
	s0 =	rddreg [dreg:$0x2]  }
0xd4: {  	s0 =	sadd.s32 @!p0 $0x100000, s0  }
0xd5: {  	[sflag:s0] =	ssyncadd.tile.s32 @!p0 $0x1;
	_ =	shalt  }
.Lfunc_end2:
_tile_overlayer_lowered:
.L_overlay_start_2:
0xd6: {  	(tag) =	ssettag $0x2  }
0xd7: {  	s0 =	rddreg [dreg:$0x0];
	s2 =	stileid.u32  }
0xd8: {  	s1 =	rddreg [dreg:$0x1];
	p0 =	sne.s32 s2, $0x0  }
0xd9: {  	s3 =	rddreg [dreg:$0x2];
	[bflag:$0x3] =	sbarrier.arrive $0xFFFF;
	s2 =	simm.s32 @!p0 $0x1C01  }
0xda: {  	[timem:s3], [sflag:s2] =	dma.local @!p0 [hbm:s0], s1  }
0xdb: {  	s0 =	simm.s32 @!p0 $0x1  }
0xdc: {  	_ =	swait.ge @!p0 [sflag:s0], s1  }
0xdd: {  	s1 =	ssub.s32 @!p0 $0x0, s1;
	[sflag:s0] =	ssyncset.done @!p0 $0x0  }
0xde: {  	[sflag:s0] =	ssyncadd.s32 @!p0 s1  }
0xdf: {  	[bflag:$0x3] =	sbarrier.arrive $0xFFFF  }
0xe0: {  	_ =	shalt  }

</sc_bundles>
